<compile_context>
chip_gen: v7x
topology: tpu7x:2x2x1
jax: 0.10.2.dev20260603
libtpu: 0.0.44.dev20260713+nightly
codegen_flags: <defaults>
</compile_context>

<pallas_src>
import functools

import numpy as np
import jax
import jax.numpy as jnp
from jax import lax
from jax.experimental import pallas as pl
from jax.experimental.pallas import tpu as pltpu
from jax.experimental.pallas import tpu_sc as plsc

_NC, _NS = 2, 16
_NW = _NC * _NS
_CH = 80


def _sc_word_gather(table, idx):
    (bs,) = idx.shape
    v, d = table.shape
    b_per_w = bs // _NW
    n_ch = b_per_w // _CH
    idx3 = idx.reshape(_NW, n_ch, _CH)
    mesh = plsc.VectorSubcoreMesh(core_axis_name="c", subcore_axis_name="s")

    @functools.partial(
        pl.kernel,
        mesh=mesh,
        compiler_params=pltpu.CompilerParams(use_tc_tiling_on_sc=True),
        out_type=jax.ShapeDtypeStruct((bs, d), jnp.float32),
        scratch_types=[
            pltpu.VMEM((n_ch, _CH), jnp.int32),
            pltpu.VMEM((2, _CH, d), jnp.float32),
            pltpu.SemaphoreType.DMA,
            pltpu.SemaphoreType.DMA,
        ],
    )
    def gather_kernel(table_hbm, idx_hbm, out_hbm, idx_v, rows_v, sem0, sem1):
        wid = lax.axis_index("s") * _NC + lax.axis_index("c")
        base = wid * b_per_w
        pltpu.sync_copy(idx_hbm.at[wid], idx_v)
        sems = (sem0, sem1)
        handles = {}

        def start(c):
            buf = c % 2
            handles[c] = pltpu.async_copy(
                table_hbm.at[idx_v.at[c]], rows_v.at[buf], sems[buf]
            )

        start(0)
        for c in range(n_ch):
            handles[c].wait()
            if c + 1 < n_ch:
                start(c + 1)
            pltpu.sync_copy(
                rows_v.at[c % 2], out_hbm.at[pl.ds(base + c * _CH, _CH)]
            )

    return gather_kernel(table, idx3)


def _conv_matrix(conv_w):
    wt = jnp.transpose(conv_w, (1, 0, 2))
    rowmod = (np.arange(1024) % 16).astype(np.int32)[:, None]
    colgrp = (np.arange(1024) // 64).astype(np.int32)[None, :]
    diff = jnp.asarray(rowmod - colgrp)
    a = jnp.zeros((1024, 1024), jnp.float32)
    for k in range(3):
        wexp = jnp.tile(jnp.repeat(wt[:, :, k], 16, axis=0), (1, 16))
        a = a + jnp.where(diff == (k - 1), wexp, 0.0)
    return a


_NB = 3200


def _char_conv_tc(cin, ct, afull, bias):
    bs = cin.shape[0]
    grid = bs // _NB

    def body(cin_ref, ct_ref, a_ref, b_ref, out_ref):
        ctv = ct_ref[...]
        parts = []
        for p in range(16):
            col = cin_ref[:, p : p + 1]
            oh = (col == lax.broadcasted_iota(jnp.int32, (_NB, 256), 1)).astype(
                jnp.float32
            )
            parts.append(jnp.dot(oh, ctv, preferred_element_type=jnp.float32))
        e = jnp.concatenate(parts, axis=1)
        y = jnp.dot(e, a_ref[...], preferred_element_type=jnp.float32)
        acc = y[:, 0:128]
        for t8 in range(1, 8):
            acc = jnp.maximum(acc, y[:, 128 * t8 : 128 * (t8 + 1)])
        pooled = jnp.maximum(acc[:, 0:64], acc[:, 64:128]) + b_ref[...]
        out_ref[...] = pooled

    return pl.pallas_call(
        body,
        grid=(grid,),
        in_specs=[
            pl.BlockSpec((_NB, 16), lambda i: (i, 0)),
            pl.BlockSpec((256, 64), lambda i: (0, 0)),
            pl.BlockSpec((1024, 1024), lambda i: (0, 0)),
            pl.BlockSpec((1, 64), lambda i: (0, 0)),
        ],
        out_specs=pl.BlockSpec((_NB, 64), lambda i: (i, 0)),
        out_shape=jax.ShapeDtypeStruct((bs, 64), jnp.float32),
    )(cin, ct, afull, bias)


_AB = 128


def _assemble_tc(wemb, cemb, b, s):
    ns = _AB * s
    grid = b // _AB

    def body(w_ref, c_ref, out_ref):
        out_ref[:, :, 0:128] = w_ref[...].reshape(_AB, s, 128)
        out_ref[:, :, 128:192] = c_ref[...].reshape(_AB, s, 64)

    return pl.pallas_call(
        body,
        grid=(grid,),
        in_specs=[
            pl.BlockSpec((ns, 128), lambda i: (i, 0)),
            pl.BlockSpec((ns, 64), lambda i: (i, 0)),
        ],
        out_specs=pl.BlockSpec((_AB, s, 192), lambda i: (i, 0, 0)),
        out_shape=jax.ShapeDtypeStruct((b, s, 192), jnp.float32),
    )(wemb, cemb)


def kernel(word_inputs, char_inputs, word_table, char_table, conv_w, conv_b):
    b, s = word_inputs.shape
    w = char_inputs.shape[-1]
    idx = word_inputs.reshape(-1).astype(jnp.int32)
    wemb = _sc_word_gather(word_table, idx)
    cin = char_inputs.reshape(-1, w).astype(jnp.int32)
    afull = _conv_matrix(conv_w)
    bias = conv_b.reshape(1, 64)
    cemb = _char_conv_tc(cin, char_table, afull, bias)
    return _assemble_tc(wemb, cemb, b, s)

# --- scband reference (transcript-rebuilt; emitter-appended) ---
"""Pipeline reference for scband-glove-embedding-layer-24017457119660 (READ-ONLY COPY).

The authoritative reference and input builder live on the scoring server;
editing this copy changes nothing except your own understanding.
"""

import jax, jax.numpy as jnp
import numpy as np

B, S, W = 1024, 50, 16
VOCAB, WDIM, CDIM = 100000, 128, 64


def setup_inputs(seed: int = 0) -> dict:
    key = jax.random.key(seed)
    k1, k2, k3, k4, k5 = jax.random.split(key, 5)
    word_inputs = jax.random.randint(k1, (B, S), 0, VOCAB)
    char_inputs = jax.random.randint(k2, (B, S, W), 0, 256)
    word_table = jax.random.normal(k3, (VOCAB, WDIM), dtype=jnp.float32) * 0.02
    char_table = jax.random.normal(k4, (256, CDIM), dtype=jnp.float32) * 0.02
    conv_w = jax.random.normal(k5, (CDIM, CDIM, 3), dtype=jnp.float32) * 0.05
    conv_b = jnp.zeros((CDIM,), dtype=jnp.float32)
    return {
        "word_inputs": word_inputs,
        "char_inputs": char_inputs,
        "word_table": word_table,
        "char_table": char_table,
        "conv_w": conv_w,
        "conv_b": conv_b,
    }


def reference(word_inputs, char_inputs, word_table, char_table, conv_w, conv_b):
    # word embedding lookup: (B, S, WDIM)
    word_embedded = jnp.take(word_table, word_inputs, axis=0)
    b, s, w = char_inputs.shape
    ci = char_inputs.reshape(-1, w)                 # (B*S, W)
    ce = jnp.take(char_table, ci, axis=0)           # (B*S, W, CDIM)
    # Faithful to torch .view(B*S, -1, W): a reshape, NOT a transpose
    ce = ce.reshape(b * s, -1, w)                   # (B*S, CDIM, W)
    # Conv1d(CDIM, CDIM, kernel=3, padding=1) on NCH layout
    conv = jax.lax.conv_general_dilated(
        ce, conv_w,
        window_strides=(1,),
        padding=((1, 1),),
        dimension_numbers=("NCH", "OIH", "NCH"),
    ) + conv_b[None, :, None]                       # (B*S, CDIM, W)
    # MaxPool1d(kernel=W) then squeeze(dim=2)
    pooled = jnp.max(conv, axis=2)                  # (B*S, CDIM)
    char_embedded = pooled.reshape(b, s, -1)        # (B, S, CDIM)
    return jnp.concatenate((word_embedded, char_embedded), axis=2)

if __name__ == "__main__":
    import jax
    _d = setup_inputs()
    print(jax.jit(kernel)(*tuple(_d.values())))

</pallas_src>

<mosaic_0001>
#map = affine_map<(d0, d1) -> (0, 0)>
#map1 = affine_map<(d0, d1) -> (0, 0, 0)>
module attributes {stable_mosaic.version = 14 : i64} {
  func.func @gather_kernel(%arg0: i32, %arg1: i32, %arg2: memref<100000x128xf32, #tpu.memory_space<hbm>>, %arg3: memref<32x20x80xi32, #tpu.memory_space<hbm>>, %arg4: memref<51200x128xf32, #tpu.memory_space<hbm>>, %arg5: memref<20x80xi32, #tpu.memory_space<vmem>>, %arg6: memref<2x80x128xf32, #tpu.memory_space<vmem>>, %arg7: memref<!tpu.dma_semaphore, #tpu.memory_space<semaphore_mem>>, %arg8: memref<!tpu.dma_semaphore, #tpu.memory_space<semaphore_mem>>) attributes {dimension_semantics = [#tpu.dimension_semantics<core_parallel>, #tpu.dimension_semantics<subcore_parallel>], iteration_bounds = array<i64: 2, 16>, scalar_prefetch = 0 : i64, scratch_operands = 4 : i64, tpu.core_type = #tpu.core_type<sc_vector_subcore>, window_params = [{transform_indices = #map}, {transform_indices = #map1}, {transform_indices = #map}]} {
    %mul3A = arith.constant 2 : i32
    %mul3A_0 = arith.muli %arg1, %mul3A : i32
    %add3A = arith.addi %mul3A_0, %arg0 : i32
    %mul3A_1 = arith.constant 1600 : i32
    %mul3A_2 = arith.muli %add3A, %mul3A_1 : i32
    "tpu.region"() ({
      %run_scoped3A_540 = tpu.sem_alloc : memref<!tpu.dma_semaphore, #tpu.memory_space<semaphore_mem>>
      %dma_start3A_541 = arith.constant 0 : i32
      %dma_start3A_542 = arith.constant 0 : i32
      %dma_start3A_543 = tpu.memref_slice %arg3[%add3A, %dma_start3A_541, %dma_start3A_542] : memref<32x20x80xi32, #tpu.memory_space<hbm>> -> memref<1x20x80xi32, #tpu.memory_space<hbm>>
      %dma_start3A_544 = tpu.memref_squeeze %dma_start3A_543 : memref<1x20x80xi32, #tpu.memory_space<hbm>> -> memref<20x80xi32, #tpu.memory_space<hbm>>
      %dma_start3A_545 = arith.constant 0 : i32
      %dma_start3A_546 = arith.constant 0 : i32
      %dma_start3A_547 = tpu.memref_slice %arg3[%add3A, %dma_start3A_545, %dma_start3A_546] : memref<32x20x80xi32, #tpu.memory_space<hbm>> -> memref<1x20x80xi32, #tpu.memory_space<hbm>>
      %dma_start3A_548 = tpu.memref_squeeze %dma_start3A_547 : memref<1x20x80xi32, #tpu.memory_space<hbm>> -> memref<20x80xi32, #tpu.memory_space<hbm>>
      tpu.enqueue_dma source(%dma_start3A_548 : memref<20x80xi32, #tpu.memory_space<hbm>>) target(%arg5 : memref<20x80xi32, #tpu.memory_space<vmem>>) target_semaphore(%run_scoped3A_540 : memref<!tpu.dma_semaphore, #tpu.memory_space<semaphore_mem>>)
      %dma_wait3A_549 = arith.constant 0 : i32
      %dma_wait3A_550 = arith.constant 0 : i32
      %dma_wait3A_551 = tpu.memref_slice %arg3[%add3A, %dma_wait3A_549, %dma_wait3A_550] : memref<32x20x80xi32, #tpu.memory_space<hbm>> -> memref<1x20x80xi32, #tpu.memory_space<hbm>>
      %dma_wait3A_552 = tpu.memref_squeeze %dma_wait3A_551 : memref<1x20x80xi32, #tpu.memory_space<hbm>> -> memref<20x80xi32, #tpu.memory_space<hbm>>
      %dma_wait3A_553 = arith.constant 0 : i32
      %dma_wait3A_554 = arith.constant 0 : i32
      %dma_wait3A_555 = tpu.memref_slice %arg3[%add3A, %dma_wait3A_553, %dma_wait3A_554] : memref<32x20x80xi32, #tpu.memory_space<hbm>> -> memref<1x20x80xi32, #tpu.memory_space<hbm>>
      %dma_wait3A_556 = tpu.memref_squeeze %dma_wait3A_555 : memref<1x20x80xi32, #tpu.memory_space<hbm>> -> memref<20x80xi32, #tpu.memory_space<hbm>>
      tpu.wait_dma2 semaphore(%run_scoped3A_540 : memref<!tpu.dma_semaphore, #tpu.memory_space<semaphore_mem>>) src(%dma_wait3A_556 : memref<20x80xi32, #tpu.memory_space<hbm>>) dst(%arg5 : memref<20x80xi32, #tpu.memory_space<vmem>>)
      tpu.yield
    }) : () -> ()
    %dma_start3A = arith.constant 0 : i32
    %dma_start3A_3 = arith.constant 0 : i32
    %dma_start3A_4 = arith.constant 0 : i32
    %dma_start3A_5 = arith.constant 0 : i32
    %dma_start3A_6 = tpu.memref_slice %arg6[%dma_start3A_3, %dma_start3A_4, %dma_start3A_5] : memref<2x80x128xf32, #tpu.memory_space<vmem>> -> memref<1x80x128xf32, #tpu.memory_space<vmem>>
    %dma_start3A_7 = tpu.memref_squeeze %dma_start3A_6 : memref<1x80x128xf32, #tpu.memory_space<vmem>> -> memref<80x128xf32, #tpu.memory_space<vmem>>
    %dma_start3A_8 = arith.constant 0 : i32
    %dma_start3A_9 = tpu.memref_slice %arg5[%dma_start3A, %dma_start3A_8] : memref<20x80xi32, #tpu.memory_space<vmem>> -> memref<1x80xi32, #tpu.memory_space<vmem>>
    %dma_start3A_10 = tpu.memref_squeeze %dma_start3A_9 : memref<1x80xi32, #tpu.memory_space<vmem>> -> memref<80xi32, #tpu.memory_space<vmem>>
    %dma_start3A_11 = arith.constant 0 : i32
    %dma_start3A_12 = arith.constant 0 : i32
    %dma_start3A_13 = tpu.memref_slice %arg2[%dma_start3A_11, %dma_start3A_12] : memref<100000x128xf32, #tpu.memory_space<hbm>> -> memref<100000x128xf32, #tpu.memory_space<hbm>>
    tpu.enqueue_indirect_dma source(%dma_start3A_13 : memref<100000x128xf32, #tpu.memory_space<hbm>>) target(%dma_start3A_7 : memref<80x128xf32, #tpu.memory_space<vmem>>) offsets(%dma_start3A_10 : memref<80xi32, #tpu.memory_space<vmem>>) semaphore(%arg7 : memref<!tpu.dma_semaphore, #tpu.memory_space<semaphore_mem>>)
    %dma_wait3A = arith.constant 0 : i32
    %dma_wait3A_14 = arith.constant 0 : i32
    %dma_wait3A_15 = arith.constant 0 : i32
    %dma_wait3A_16 = arith.constant 0 : i32
    %dma_wait3A_17 = tpu.memref_slice %arg6[%dma_wait3A_14, %dma_wait3A_15, %dma_wait3A_16] : memref<2x80x128xf32, #tpu.memory_space<vmem>> -> memref<1x80x128xf32, #tpu.memory_space<vmem>>
    %dma_wait3A_18 = tpu.memref_squeeze %dma_wait3A_17 : memref<1x80x128xf32, #tpu.memory_space<vmem>> -> memref<80x128xf32, #tpu.memory_space<vmem>>
    %dma_wait3A_19 = arith.constant 0 : i32
    %dma_wait3A_20 = tpu.memref_slice %arg5[%dma_wait3A, %dma_wait3A_19] : memref<20x80xi32, #tpu.memory_space<vmem>> -> memref<1x80xi32, #tpu.memory_space<vmem>>
    %dma_wait3A_21 = tpu.memref_squeeze %dma_wait3A_20 : memref<1x80xi32, #tpu.memory_space<vmem>> -> memref<80xi32, #tpu.memory_space<vmem>>
    %dma_wait3A_22 = arith.constant 0 : i32
    %dma_wait3A_23 = arith.constant 0 : i32
    %dma_wait3A_24 = tpu.memref_slice %arg2[%dma_wait3A_22, %dma_wait3A_23] : memref<100000x128xf32, #tpu.memory_space<hbm>> -> memref<100000x128xf32, #tpu.memory_space<hbm>>
    tpu.wait_indirect_dma semaphore(%arg7 : memref<!tpu.dma_semaphore, #tpu.memory_space<semaphore_mem>>) src(%dma_wait3A_24 : memref<100000x128xf32, #tpu.memory_space<hbm>>) dst(%dma_wait3A_18 : memref<80x128xf32, #tpu.memory_space<vmem>>)
    %dma_start3A_25 = arith.constant 1 : i32
    %dma_start3A_26 = arith.constant 1 : i32
    %dma_start3A_27 = arith.constant 0 : i32
    %dma_start3A_28 = arith.constant 0 : i32
    %dma_start3A_29 = tpu.memref_slice %arg6[%dma_start3A_26, %dma_start3A_27, %dma_start3A_28] : memref<2x80x128xf32, #tpu.memory_space<vmem>> -> memref<1x80x128xf32, #tpu.memory_space<vmem>>
    %dma_start3A_30 = tpu.memref_squeeze %dma_start3A_29 : memref<1x80x128xf32, #tpu.memory_space<vmem>> -> memref<80x128xf32, #tpu.memory_space<vmem>>
    %dma_start3A_31 = arith.constant 0 : i32
    %dma_start3A_32 = tpu.memref_slice %arg5[%dma_start3A_25, %dma_start3A_31] : memref<20x80xi32, #tpu.memory_space<vmem>> -> memref<1x80xi32, #tpu.memory_space<vmem>>
    %dma_start3A_33 = tpu.memref_squeeze %dma_start3A_32 : memref<1x80xi32, #tpu.memory_space<vmem>> -> memref<80xi32, #tpu.memory_space<vmem>>
    %dma_start3A_34 = arith.constant 0 : i32
    %dma_start3A_35 = arith.constant 0 : i32
    %dma_start3A_36 = tpu.memref_slice %arg2[%dma_start3A_34, %dma_start3A_35] : memref<100000x128xf32, #tpu.memory_space<hbm>> -> memref<100000x128xf32, #tpu.memory_space<hbm>>
    tpu.enqueue_indirect_dma source(%dma_start3A_36 : memref<100000x128xf32, #tpu.memory_space<hbm>>) target(%dma_start3A_30 : memref<80x128xf32, #tpu.memory_space<vmem>>) offsets(%dma_start3A_33 : memref<80xi32, #tpu.memory_space<vmem>>) semaphore(%arg8 : memref<!tpu.dma_semaphore, #tpu.memory_space<semaphore_mem>>)
    %add3A_37 = arith.constant 0 : i32
    %add3A_38 = arith.addi %mul3A_2, %add3A_37 : i32
    %run_scoped3A = arith.constant 0 : i32
    "tpu.region"() ({
      %run_scoped3A_540 = tpu.sem_alloc : memref<!tpu.dma_semaphore, #tpu.memory_space<semaphore_mem>>
      %dma_start3A_541 = arith.constant 0 : i32
      %dma_start3A_542 = arith.constant 0 : i32
      %dma_start3A_543 = tpu.memref_slice %arg6[%run_scoped3A, %dma_start3A_541, %dma_start3A_542] : memref<2x80x128xf32, #tpu.memory_space<vmem>> -> memref<1x80x128xf32, #tpu.memory_space<vmem>>
      %dma_start3A_544 = tpu.memref_squeeze %dma_start3A_543 : memref<1x80x128xf32, #tpu.memory_space<vmem>> -> memref<80x128xf32, #tpu.memory_space<vmem>>
      %dma_start3A_545 = arith.constant 0 : i32
      %dma_start3A_546 = tpu.memref_slice %arg4[%add3A_38, %dma_start3A_545] : memref<51200x128xf32, #tpu.memory_space<hbm>> -> memref<80x128xf32, #tpu.memory_space<hbm>>
      %dma_start3A_547 = arith.constant 0 : i32
      %dma_start3A_548 = tpu.memref_slice %arg4[%add3A_38, %dma_start3A_547] : memref<51200x128xf32, #tpu.memory_space<hbm>> -> memref<80x128xf32, #tpu.memory_space<hbm>>
      %dma_start3A_549 = arith.constant 0 : i32
      %dma_start3A_550 = arith.constant 0 : i32
      %dma_start3A_551 = tpu.memref_slice %arg6[%run_scoped3A, %dma_start3A_549, %dma_start3A_550] : memref<2x80x128xf32, #tpu.memory_space<vmem>> -> memref<1x80x128xf32, #tpu.memory_space<vmem>>
      %dma_start3A_552 = tpu.memref_squeeze %dma_start3A_551 : memref<1x80x128xf32, #tpu.memory_space<vmem>> -> memref<80x128xf32, #tpu.memory_space<vmem>>
      tpu.enqueue_dma source(%dma_start3A_552 : memref<80x128xf32, #tpu.memory_space<vmem>>) target(%dma_start3A_548 : memref<80x128xf32, #tpu.memory_space<hbm>>) target_semaphore(%run_scoped3A_540 : memref<!tpu.dma_semaphore, #tpu.memory_space<semaphore_mem>>)
      %dma_wait3A_553 = arith.constant 0 : i32
      %dma_wait3A_554 = arith.constant 0 : i32
      %dma_wait3A_555 = tpu.memref_slice %arg6[%run_scoped3A, %dma_wait3A_553, %dma_wait3A_554] : memref<2x80x128xf32, #tpu.memory_space<vmem>> -> memref<1x80x128xf32, #tpu.memory_space<vmem>>
      %dma_wait3A_556 = tpu.memref_squeeze %dma_wait3A_555 : memref<1x80x128xf32, #tpu.memory_space<vmem>> -> memref<80x128xf32, #tpu.memory_space<vmem>>
      %dma_wait3A_557 = arith.constant 0 : i32
      %dma_wait3A_558 = tpu.memref_slice %arg4[%add3A_38, %dma_wait3A_557] : memref<51200x128xf32, #tpu.memory_space<hbm>> -> memref<80x128xf32, #tpu.memory_space<hbm>>
      %dma_wait3A_559 = arith.constant 0 : i32
      %dma_wait3A_560 = tpu.memref_slice %arg4[%add3A_38, %dma_wait3A_559] : memref<51200x128xf32, #tpu.memory_space<hbm>> -> memref<80x128xf32, #tpu.memory_space<hbm>>
      %dma_wait3A_561 = arith.constant 0 : i32
      %dma_wait3A_562 = arith.constant 0 : i32
      %dma_wait3A_563 = tpu.memref_slice %arg6[%run_scoped3A, %dma_wait3A_561, %dma_wait3A_562] : memref<2x80x128xf32, #tpu.memory_space<vmem>> -> memref<1x80x128xf32, #tpu.memory_space<vmem>>
      %dma_wait3A_564 = tpu.memref_squeeze %dma_wait3A_563 : memref<1x80x128xf32, #tpu.memory_space<vmem>> -> memref<80x128xf32, #tpu.memory_space<vmem>>
      tpu.wait_dma2 semaphore(%run_scoped3A_540 : memref<!tpu.dma_semaphore, #tpu.memory_space<semaphore_mem>>) src(%dma_wait3A_564 : memref<80x128xf32, #tpu.memory_space<vmem>>) dst(%dma_wait3A_560 : memref<80x128xf32, #tpu.memory_space<hbm>>)
      tpu.yield
    }) : () -> ()
    %dma_wait3A_39 = arith.constant 1 : i32
    %dma_wait3A_40 = arith.constant 1 : i32
    %dma_wait3A_41 = arith.constant 0 : i32
    %dma_wait3A_42 = arith.constant 0 : i32
    %dma_wait3A_43 = tpu.memref_slice %arg6[%dma_wait3A_40, %dma_wait3A_41, %dma_wait3A_42] : memref<2x80x128xf32, #tpu.memory_space<vmem>> -> memref<1x80x128xf32, #tpu.memory_space<vmem>>
    %dma_wait3A_44 = tpu.memref_squeeze %dma_wait3A_43 : memref<1x80x128xf32, #tpu.memory_space<vmem>> -> memref<80x128xf32, #tpu.memory_space<vmem>>
    %dma_wait3A_45 = arith.constant 0 : i32
    %dma_wait3A_46 = tpu.memref_slice %arg5[%dma_wait3A_39, %dma_wait3A_45] : memref<20x80xi32, #tpu.memory_space<vmem>> -> memref<1x80xi32, #tpu.memory_space<vmem>>
    %dma_wait3A_47 = tpu.memref_squeeze %dma_wait3A_46 : memref<1x80xi32, #tpu.memory_space<vmem>> -> memref<80xi32, #tpu.memory_space<vmem>>
    %dma_wait3A_48 = arith.constant 0 : i32
    %dma_wait3A_49 = arith.constant 0 : i32
    %dma_wait3A_50 = tpu.memref_slice %arg2[%dma_wait3A_48, %dma_wait3A_49] : memref<100000x128xf32, #tpu.memory_space<hbm>> -> memref<100000x128xf32, #tpu.memory_space<hbm>>
    tpu.wait_indirect_dma semaphore(%arg8 : memref<!tpu.dma_semaphore, #tpu.memory_space<semaphore_mem>>) src(%dma_wait3A_50 : memref<100000x128xf32, #tpu.memory_space<hbm>>) dst(%dma_wait3A_44 : memref<80x128xf32, #tpu.memory_space<vmem>>)
    %dma_start3A_51 = arith.constant 2 : i32
    %dma_start3A_52 = arith.constant 0 : i32
    %dma_start3A_53 = arith.constant 0 : i32
    %dma_start3A_54 = arith.constant 0 : i32
    %dma_start3A_55 = tpu.memref_slice %arg6[%dma_start3A_52, %dma_start3A_53, %dma_start3A_54] : memref<2x80x128xf32, #tpu.memory_space<vmem>> -> memref<1x80x128xf32, #tpu.memory_space<vmem>>
    %dma_start3A_56 = tpu.memref_squeeze %dma_start3A_55 : memref<1x80x128xf32, #tpu.memory_space<vmem>> -> memref<80x128xf32, #tpu.memory_space<vmem>>
    %dma_start3A_57 = arith.constant 0 : i32
    %dma_start3A_58 = tpu.memref_slice %arg5[%dma_start3A_51, %dma_start3A_57] : memref<20x80xi32, #tpu.memory_space<vmem>> -> memref<1x80xi32, #tpu.memory_space<vmem>>
    %dma_start3A_59 = tpu.memref_squeeze %dma_start3A_58 : memref<1x80xi32, #tpu.memory_space<vmem>> -> memref<80xi32, #tpu.memory_space<vmem>>
    %dma_start3A_60 = arith.constant 0 : i32
    %dma_start3A_61 = arith.constant 0 : i32
    %dma_start3A_62 = tpu.memref_slice %arg2[%dma_start3A_60, %dma_start3A_61] : memref<100000x128xf32, #tpu.memory_space<hbm>> -> memref<100000x128xf32, #tpu.memory_space<hbm>>
    tpu.enqueue_indirect_dma source(%dma_start3A_62 : memref<100000x128xf32, #tpu.memory_space<hbm>>) target(%dma_start3A_56 : memref<80x128xf32, #tpu.memory_space<vmem>>) offsets(%dma_start3A_59 : memref<80xi32, #tpu.memory_space<vmem>>) semaphore(%arg7 : memref<!tpu.dma_semaphore, #tpu.memory_space<semaphore_mem>>)
    %add3A_63 = arith.constant 80 : i32
    %add3A_64 = arith.addi %mul3A_2, %add3A_63 : i32
    %run_scoped3A_65 = arith.constant 1 : i32
    "tpu.region"() ({
      %run_scoped3A_540 = tpu.sem_alloc : memref<!tpu.dma_semaphore, #tpu.memory_space<semaphore_mem>>
      %dma_start3A_541 = arith.constant 0 : i32
      %dma_start3A_542 = arith.constant 0 : i32
      %dma_start3A_543 = tpu.memref_slice %arg6[%run_scoped3A_65, %dma_start3A_541, %dma_start3A_542] : memref<2x80x128xf32, #tpu.memory_space<vmem>> -> memref<1x80x128xf32, #tpu.memory_space<vmem>>
      %dma_start3A_544 = tpu.memref_squeeze %dma_start3A_543 : memref<1x80x128xf32, #tpu.memory_space<vmem>> -> memref<80x128xf32, #tpu.memory_space<vmem>>
      %dma_start3A_545 = arith.constant 0 : i32
      %dma_start3A_546 = tpu.memref_slice %arg4[%add3A_64, %dma_start3A_545] : memref<51200x128xf32, #tpu.memory_space<hbm>> -> memref<80x128xf32, #tpu.memory_space<hbm>>
      %dma_start3A_547 = arith.constant 0 : i32
      %dma_start3A_548 = tpu.memref_slice %arg4[%add3A_64, %dma_start3A_547] : memref<51200x128xf32, #tpu.memory_space<hbm>> -> memref<80x128xf32, #tpu.memory_space<hbm>>
      %dma_start3A_549 = arith.constant 0 : i32
      %dma_start3A_550 = arith.constant 0 : i32
      %dma_start3A_551 = tpu.memref_slice %arg6[%run_scoped3A_65, %dma_start3A_549, %dma_start3A_550] : memref<2x80x128xf32, #tpu.memory_space<vmem>> -> memref<1x80x128xf32, #tpu.memory_space<vmem>>
      %dma_start3A_552 = tpu.memref_squeeze %dma_start3A_551 : memref<1x80x128xf32, #tpu.memory_space<vmem>> -> memref<80x128xf32, #tpu.memory_space<vmem>>
      tpu.enqueue_dma source(%dma_start3A_552 : memref<80x128xf32, #tpu.memory_space<vmem>>) target(%dma_start3A_548 : memref<80x128xf32, #tpu.memory_space<hbm>>) target_semaphore(%run_scoped3A_540 : memref<!tpu.dma_semaphore, #tpu.memory_space<semaphore_mem>>)
      %dma_wait3A_553 = arith.constant 0 : i32
      %dma_wait3A_554 = arith.constant 0 : i32
      %dma_wait3A_555 = tpu.memref_slice %arg6[%run_scoped3A_65, %dma_wait3A_553, %dma_wait3A_554] : memref<2x80x128xf32, #tpu.memory_space<vmem>> -> memref<1x80x128xf32, #tpu.memory_space<vmem>>
      %dma_wait3A_556 = tpu.memref_squeeze %dma_wait3A_555 : memref<1x80x128xf32, #tpu.memory_space<vmem>> -> memref<80x128xf32, #tpu.memory_space<vmem>>
      %dma_wait3A_557 = arith.constant 0 : i32
      %dma_wait3A_558 = tpu.memref_slice %arg4[%add3A_64, %dma_wait3A_557] : memref<51200x128xf32, #tpu.memory_space<hbm>> -> memref<80x128xf32, #tpu.memory_space<hbm>>
      %dma_wait3A_559 = arith.constant 0 : i32
      %dma_wait3A_560 = tpu.memref_slice %arg4[%add3A_64, %dma_wait3A_559] : memref<51200x128xf32, #tpu.memory_space<hbm>> -> memref<80x128xf32, #tpu.memory_space<hbm>>
      %dma_wait3A_561 = arith.constant 0 : i32
      %dma_wait3A_562 = arith.constant 0 : i32
      %dma_wait3A_563 = tpu.memref_slice %arg6[%run_scoped3A_65, %dma_wait3A_561, %dma_wait3A_562] : memref<2x80x128xf32, #tpu.memory_space<vmem>> -> memref<1x80x128xf32, #tpu.memory_space<vmem>>
      %dma_wait3A_564 = tpu.memref_squeeze %dma_wait3A_563 : memref<1x80x128xf32, #tpu.memory_space<vmem>> -> memref<80x128xf32, #tpu.memory_space<vmem>>
      tpu.wait_dma2 semaphore(%run_scoped3A_540 : memref<!tpu.dma_semaphore, #tpu.memory_space<semaphore_mem>>) src(%dma_wait3A_564 : memref<80x128xf32, #tpu.memory_space<vmem>>) dst(%dma_wait3A_560 : memref<80x128xf32, #tpu.memory_space<hbm>>)
      tpu.yield
    }) : () -> ()
    %dma_wait3A_66 = arith.constant 2 : i32
    %dma_wait3A_67 = arith.constant 0 : i32
    %dma_wait3A_68 = arith.constant 0 : i32
    %dma_wait3A_69 = arith.constant 0 : i32
    %dma_wait3A_70 = tpu.memref_slice %arg6[%dma_wait3A_67, %dma_wait3A_68, %dma_wait3A_69] : memref<2x80x128xf32, #tpu.memory_space<vmem>> -> memref<1x80x128xf32, #tpu.memory_space<vmem>>
    %dma_wait3A_71 = tpu.memref_squeeze %dma_wait3A_70 : memref<1x80x128xf32, #tpu.memory_space<vmem>> -> memref<80x128xf32, #tpu.memory_space<vmem>>
    %dma_wait3A_72 = arith.constant 0 : i32
    %dma_wait3A_73 = tpu.memref_slice %arg5[%dma_wait3A_66, %dma_wait3A_72] : memref<20x80xi32, #tpu.memory_space<vmem>> -> memref<1x80xi32, #tpu.memory_space<vmem>>
    %dma_wait3A_74 = tpu.memref_squeeze %dma_wait3A_73 : memref<1x80xi32, #tpu.memory_space<vmem>> -> memref<80xi32, #tpu.memory_space<vmem>>
    %dma_wait3A_75 = arith.constant 0 : i32
    %dma_wait3A_76 = arith.constant 0 : i32
    %dma_wait3A_77 = tpu.memref_slice %arg2[%dma_wait3A_75, %dma_wait3A_76] : memref<100000x128xf32, #tpu.memory_space<hbm>> -> memref<100000x128xf32, #tpu.memory_space<hbm>>
    tpu.wait_indirect_dma semaphore(%arg7 : memref<!tpu.dma_semaphore, #tpu.memory_space<semaphore_mem>>) src(%dma_wait3A_77 : memref<100000x128xf32, #tpu.memory_space<hbm>>) dst(%dma_wait3A_71 : memref<80x128xf32, #tpu.memory_space<vmem>>)
    %dma_start3A_78 = arith.constant 3 : i32
    %dma_start3A_79 = arith.constant 1 : i32
    %dma_start3A_80 = arith.constant 0 : i32
    %dma_start3A_81 = arith.constant 0 : i32
    %dma_start3A_82 = tpu.memref_slice %arg6[%dma_start3A_79, %dma_start3A_80, %dma_start3A_81] : memref<2x80x128xf32, #tpu.memory_space<vmem>> -> memref<1x80x128xf32, #tpu.memory_space<vmem>>
    %dma_start3A_83 = tpu.memref_squeeze %dma_start3A_82 : memref<1x80x128xf32, #tpu.memory_space<vmem>> -> memref<80x128xf32, #tpu.memory_space<vmem>>
    %dma_start3A_84 = arith.constant 0 : i32
    %dma_start3A_85 = tpu.memref_slice %arg5[%dma_start3A_78, %dma_start3A_84] : memref<20x80xi32, #tpu.memory_space<vmem>> -> memref<1x80xi32, #tpu.memory_space<vmem>>
    %dma_start3A_86 = tpu.memref_squeeze %dma_start3A_85 : memref<1x80xi32, #tpu.memory_space<vmem>> -> memref<80xi32, #tpu.memory_space<vmem>>
    %dma_start3A_87 = arith.constant 0 : i32
    %dma_start3A_88 = arith.constant 0 : i32
    %dma_start3A_89 = tpu.memref_slice %arg2[%dma_start3A_87, %dma_start3A_88] : memref<100000x128xf32, #tpu.memory_space<hbm>> -> memref<100000x128xf32, #tpu.memory_space<hbm>>
    tpu.enqueue_indirect_dma source(%dma_start3A_89 : memref<100000x128xf32, #tpu.memory_space<hbm>>) target(%dma_start3A_83 : memref<80x128xf32, #tpu.memory_space<vmem>>) offsets(%dma_start3A_86 : memref<80xi32, #tpu.memory_space<vmem>>) semaphore(%arg8 : memref<!tpu.dma_semaphore, #tpu.memory_space<semaphore_mem>>)
    %add3A_90 = arith.constant 160 : i32
    %add3A_91 = arith.addi %mul3A_2, %add3A_90 : i32
    %run_scoped3A_92 = arith.constant 0 : i32
    "tpu.region"() ({
      %run_scoped3A_540 = tpu.sem_alloc : memref<!tpu.dma_semaphore, #tpu.memory_space<semaphore_mem>>
      %dma_start3A_541 = arith.constant 0 : i32
      %dma_start3A_542 = arith.constant 0 : i32
      %dma_start3A_543 = tpu.memref_slice %arg6[%run_scoped3A_92, %dma_start3A_541, %dma_start3A_542] : memref<2x80x128xf32, #tpu.memory_space<vmem>> -> memref<1x80x128xf32, #tpu.memory_space<vmem>>
      %dma_start3A_544 = tpu.memref_squeeze %dma_start3A_543 : memref<1x80x128xf32, #tpu.memory_space<vmem>> -> memref<80x128xf32, #tpu.memory_space<vmem>>
      %dma_start3A_545 = arith.constant 0 : i32
      %dma_start3A_546 = tpu.memref_slice %arg4[%add3A_91, %dma_start3A_545] : memref<51200x128xf32, #tpu.memory_space<hbm>> -> memref<80x128xf32, #tpu.memory_space<hbm>>
      %dma_start3A_547 = arith.constant 0 : i32
      %dma_start3A_548 = tpu.memref_slice %arg4[%add3A_91, %dma_start3A_547] : memref<51200x128xf32, #tpu.memory_space<hbm>> -> memref<80x128xf32, #tpu.memory_space<hbm>>
      %dma_start3A_549 = arith.constant 0 : i32
      %dma_start3A_550 = arith.constant 0 : i32
      %dma_start3A_551 = tpu.memref_slice %arg6[%run_scoped3A_92, %dma_start3A_549, %dma_start3A_550] : memref<2x80x128xf32, #tpu.memory_space<vmem>> -> memref<1x80x128xf32, #tpu.memory_space<vmem>>
      %dma_start3A_552 = tpu.memref_squeeze %dma_start3A_551 : memref<1x80x128xf32, #tpu.memory_space<vmem>> -> memref<80x128xf32, #tpu.memory_space<vmem>>
      tpu.enqueue_dma source(%dma_start3A_552 : memref<80x128xf32, #tpu.memory_space<vmem>>) target(%dma_start3A_548 : memref<80x128xf32, #tpu.memory_space<hbm>>) target_semaphore(%run_scoped3A_540 : memref<!tpu.dma_semaphore, #tpu.memory_space<semaphore_mem>>)
      %dma_wait3A_553 = arith.constant 0 : i32
      %dma_wait3A_554 = arith.constant 0 : i32
      %dma_wait3A_555 = tpu.memref_slice %arg6[%run_scoped3A_92, %dma_wait3A_553, %dma_wait3A_554] : memref<2x80x128xf32, #tpu.memory_space<vmem>> -> memref<1x80x128xf32, #tpu.memory_space<vmem>>
      %dma_wait3A_556 = tpu.memref_squeeze %dma_wait3A_555 : memref<1x80x128xf32, #tpu.memory_space<vmem>> -> memref<80x128xf32, #tpu.memory_space<vmem>>
      %dma_wait3A_557 = arith.constant 0 : i32
      %dma_wait3A_558 = tpu.memref_slice %arg4[%add3A_91, %dma_wait3A_557] : memref<51200x128xf32, #tpu.memory_space<hbm>> -> memref<80x128xf32, #tpu.memory_space<hbm>>
      %dma_wait3A_559 = arith.constant 0 : i32
      %dma_wait3A_560 = tpu.memref_slice %arg4[%add3A_91, %dma_wait3A_559] : memref<51200x128xf32, #tpu.memory_space<hbm>> -> memref<80x128xf32, #tpu.memory_space<hbm>>
      %dma_wait3A_561 = arith.constant 0 : i32
      %dma_wait3A_562 = arith.constant 0 : i32
      %dma_wait3A_563 = tpu.memref_slice %arg6[%run_scoped3A_92, %dma_wait3A_561, %dma_wait3A_562] : memref<2x80x128xf32, #tpu.memory_space<vmem>> -> memref<1x80x128xf32, #tpu.memory_space<vmem>>
      %dma_wait3A_564 = tpu.memref_squeeze %dma_wait3A_563 : memref<1x80x128xf32, #tpu.memory_space<vmem>> -> memref<80x128xf32, #tpu.memory_space<vmem>>
      tpu.wait_dma2 semaphore(%run_scoped3A_540 : memref<!tpu.dma_semaphore, #tpu.memory_space<semaphore_mem>>) src(%dma_wait3A_564 : memref<80x128xf32, #tpu.memory_space<vmem>>) dst(%dma_wait3A_560 : memref<80x128xf32, #tpu.memory_space<hbm>>)
      tpu.yield
    }) : () -> ()
    %dma_wait3A_93 = arith.constant 3 : i32
    %dma_wait3A_94 = arith.constant 1 : i32
    %dma_wait3A_95 = arith.constant 0 : i32
    %dma_wait3A_96 = arith.constant 0 : i32
    %dma_wait3A_97 = tpu.memref_slice %arg6[%dma_wait3A_94, %dma_wait3A_95, %dma_wait3A_96] : memref<2x80x128xf32, #tpu.memory_space<vmem>> -> memref<1x80x128xf32, #tpu.memory_space<vmem>>
    %dma_wait3A_98 = tpu.memref_squeeze %dma_wait3A_97 : memref<1x80x128xf32, #tpu.memory_space<vmem>> -> memref<80x128xf32, #tpu.memory_space<vmem>>
    %dma_wait3A_99 = arith.constant 0 : i32
    %dma_wait3A_100 = tpu.memref_slice %arg5[%dma_wait3A_93, %dma_wait3A_99] : memref<20x80xi32, #tpu.memory_space<vmem>> -> memref<1x80xi32, #tpu.memory_space<vmem>>
    %dma_wait3A_101 = tpu.memref_squeeze %dma_wait3A_100 : memref<1x80xi32, #tpu.memory_space<vmem>> -> memref<80xi32, #tpu.memory_space<vmem>>
    %dma_wait3A_102 = arith.constant 0 : i32
    %dma_wait3A_103 = arith.constant 0 : i32
    %dma_wait3A_104 = tpu.memref_slice %arg2[%dma_wait3A_102, %dma_wait3A_103] : memref<100000x128xf32, #tpu.memory_space<hbm>> -> memref<100000x128xf32, #tpu.memory_space<hbm>>
    tpu.wait_indirect_dma semaphore(%arg8 : memref<!tpu.dma_semaphore, #tpu.memory_space<semaphore_mem>>) src(%dma_wait3A_104 : memref<100000x128xf32, #tpu.memory_space<hbm>>) dst(%dma_wait3A_98 : memref<80x128xf32, #tpu.memory_space<vmem>>)
    %dma_start3A_105 = arith.constant 4 : i32
    %dma_start3A_106 = arith.constant 0 : i32
    %dma_start3A_107 = arith.constant 0 : i32
    %dma_start3A_108 = arith.constant 0 : i32
    %dma_start3A_109 = tpu.memref_slice %arg6[%dma_start3A_106, %dma_start3A_107, %dma_start3A_108] : memref<2x80x128xf32, #tpu.memory_space<vmem>> -> memref<1x80x128xf32, #tpu.memory_space<vmem>>
    %dma_start3A_110 = tpu.memref_squeeze %dma_start3A_109 : memref<1x80x128xf32, #tpu.memory_space<vmem>> -> memref<80x128xf32, #tpu.memory_space<vmem>>
    %dma_start3A_111 = arith.constant 0 : i32
    %dma_start3A_112 = tpu.memref_slice %arg5[%dma_start3A_105, %dma_start3A_111] : memref<20x80xi32, #tpu.memory_space<vmem>> -> memref<1x80xi32, #tpu.memory_space<vmem>>
    %dma_start3A_113 = tpu.memref_squeeze %dma_start3A_112 : memref<1x80xi32, #tpu.memory_space<vmem>> -> memref<80xi32, #tpu.memory_space<vmem>>
    %dma_start3A_114 = arith.constant 0 : i32
    %dma_start3A_115 = arith.constant 0 : i32
    %dma_start3A_116 = tpu.memref_slice %arg2[%dma_start3A_114, %dma_start3A_115] : memref<100000x128xf32, #tpu.memory_space<hbm>> -> memref<100000x128xf32, #tpu.memory_space<hbm>>
    tpu.enqueue_indirect_dma source(%dma_start3A_116 : memref<100000x128xf32, #tpu.memory_space<hbm>>) target(%dma_start3A_110 : memref<80x128xf32, #tpu.memory_space<vmem>>) offsets(%dma_start3A_113 : memref<80xi32, #tpu.memory_space<vmem>>) semaphore(%arg7 : memref<!tpu.dma_semaphore, #tpu.memory_space<semaphore_mem>>)
    %add3A_117 = arith.constant 240 : i32
    %add3A_118 = arith.addi %mul3A_2, %add3A_117 : i32
    %run_scoped3A_119 = arith.constant 1 : i32
    "tpu.region"() ({
      %run_scoped3A_540 = tpu.sem_alloc : memref<!tpu.dma_semaphore, #tpu.memory_space<semaphore_mem>>
      %dma_start3A_541 = arith.constant 0 : i32
      %dma_start3A_542 = arith.constant 0 : i32
      %dma_start3A_543 = tpu.memref_slice %arg6[%run_scoped3A_119, %dma_start3A_541, %dma_start3A_542] : memref<2x80x128xf32, #tpu.memory_space<vmem>> -> memref<1x80x128xf32, #tpu.memory_space<vmem>>
      %dma_start3A_544 = tpu.memref_squeeze %dma_start3A_543 : memref<1x80x128xf32, #tpu.memory_space<vmem>> -> memref<80x128xf32, #tpu.memory_space<vmem>>
      %dma_start3A_545 = arith.constant 0 : i32
      %dma_start3A_546 = tpu.memref_slice %arg4[%add3A_118, %dma_start3A_545] : memref<51200x128xf32, #tpu.memory_space<hbm>> -> memref<80x128xf32, #tpu.memory_space<hbm>>
      %dma_start3A_547 = arith.constant 0 : i32
      %dma_start3A_548 = tpu.memref_slice %arg4[%add3A_118, %dma_start3A_547] : memref<51200x128xf32, #tpu.memory_space<hbm>> -> memref<80x128xf32, #tpu.memory_space<hbm>>
      %dma_start3A_549 = arith.constant 0 : i32
      %dma_start3A_550 = arith.constant 0 : i32
      %dma_start3A_551 = tpu.memref_slice %arg6[%run_scoped3A_119, %dma_start3A_549, %dma_start3A_550] : memref<2x80x128xf32, #tpu.memory_space<vmem>> -> memref<1x80x128xf32, #tpu.memory_space<vmem>>
      %dma_start3A_552 = tpu.memref_squeeze %dma_start3A_551 : memref<1x80x128xf32, #tpu.memory_space<vmem>> -> memref<80x128xf32, #tpu.memory_space<vmem>>
      tpu.enqueue_dma source(%dma_start3A_552 : memref<80x128xf32, #tpu.memory_space<vmem>>) target(%dma_start3A_548 : memref<80x128xf32, #tpu.memory_space<hbm>>) target_semaphore(%run_scoped3A_540 : memref<!tpu.dma_semaphore, #tpu.memory_space<semaphore_mem>>)
      %dma_wait3A_553 = arith.constant 0 : i32
      %dma_wait3A_554 = arith.constant 0 : i32
      %dma_wait3A_555 = tpu.memref_slice %arg6[%run_scoped3A_119, %dma_wait3A_553, %dma_wait3A_554] : memref<2x80x128xf32, #tpu.memory_space<vmem>> -> memref<1x80x128xf32, #tpu.memory_space<vmem>>
      %dma_wait3A_556 = tpu.memref_squeeze %dma_wait3A_555 : memref<1x80x128xf32, #tpu.memory_space<vmem>> -> memref<80x128xf32, #tpu.memory_space<vmem>>
      %dma_wait3A_557 = arith.constant 0 : i32
      %dma_wait3A_558 = tpu.memref_slice %arg4[%add3A_118, %dma_wait3A_557] : memref<51200x128xf32, #tpu.memory_space<hbm>> -> memref<80x128xf32, #tpu.memory_space<hbm>>
      %dma_wait3A_559 = arith.constant 0 : i32
      %dma_wait3A_560 = tpu.memref_slice %arg4[%add3A_118, %dma_wait3A_559] : memref<51200x128xf32, #tpu.memory_space<hbm>> -> memref<80x128xf32, #tpu.memory_space<hbm>>
      %dma_wait3A_561 = arith.constant 0 : i32
      %dma_wait3A_562 = arith.constant 0 : i32
      %dma_wait3A_563 = tpu.memref_slice %arg6[%run_scoped3A_119, %dma_wait3A_561, %dma_wait3A_562] : memref<2x80x128xf32, #tpu.memory_space<vmem>> -> memref<1x80x128xf32, #tpu.memory_space<vmem>>
      %dma_wait3A_564 = tpu.memref_squeeze %dma_wait3A_563 : memref<1x80x128xf32, #tpu.memory_space<vmem>> -> memref<80x128xf32, #tpu.memory_space<vmem>>
      tpu.wait_dma2 semaphore(%run_scoped3A_540 : memref<!tpu.dma_semaphore, #tpu.memory_space<semaphore_mem>>) src(%dma_wait3A_564 : memref<80x128xf32, #tpu.memory_space<vmem>>) dst(%dma_wait3A_560 : memref<80x128xf32, #tpu.memory_space<hbm>>)
      tpu.yield
    }) : () -> ()
    %dma_wait3A_120 = arith.constant 4 : i32
    %dma_wait3A_121 = arith.constant 0 : i32
    %dma_wait3A_122 = arith.constant 0 : i32
    %dma_wait3A_123 = arith.constant 0 : i32
    %dma_wait3A_124 = tpu.memref_slice %arg6[%dma_wait3A_121, %dma_wait3A_122, %dma_wait3A_123] : memref<2x80x128xf32, #tpu.memory_space<vmem>> -> memref<1x80x128xf32, #tpu.memory_space<vmem>>
    %dma_wait3A_125 = tpu.memref_squeeze %dma_wait3A_124 : memref<1x80x128xf32, #tpu.memory_space<vmem>> -> memref<80x128xf32, #tpu.memory_space<vmem>>
    %dma_wait3A_126 = arith.constant 0 : i32
    %dma_wait3A_127 = tpu.memref_slice %arg5[%dma_wait3A_120, %dma_wait3A_126] : memref<20x80xi32, #tpu.memory_space<vmem>> -> memref<1x80xi32, #tpu.memory_space<vmem>>
    %dma_wait3A_128 = tpu.memref_squeeze %dma_wait3A_127 : memref<1x80xi32, #tpu.memory_space<vmem>> -> memref<80xi32, #tpu.memory_space<vmem>>
    %dma_wait3A_129 = arith.constant 0 : i32
    %dma_wait3A_130 = arith.constant 0 : i32
    %dma_wait3A_131 = tpu.memref_slice %arg2[%dma_wait3A_129, %dma_wait3A_130] : memref<100000x128xf32, #tpu.memory_space<hbm>> -> memref<100000x128xf32, #tpu.memory_space<hbm>>
    tpu.wait_indirect_dma semaphore(%arg7 : memref<!tpu.dma_semaphore, #tpu.memory_space<semaphore_mem>>) src(%dma_wait3A_131 : memref<100000x128xf32, #tpu.memory_space<hbm>>) dst(%dma_wait3A_125 : memref<80x128xf32, #tpu.memory_space<vmem>>)
    %dma_start3A_132 = arith.constant 5 : i32
    %dma_start3A_133 = arith.constant 1 : i32
    %dma_start3A_134 = arith.constant 0 : i32
    %dma_start3A_135 = arith.constant 0 : i32
    %dma_start3A_136 = tpu.memref_slice %arg6[%dma_start3A_133, %dma_start3A_134, %dma_start3A_135] : memref<2x80x128xf32, #tpu.memory_space<vmem>> -> memref<1x80x128xf32, #tpu.memory_space<vmem>>
    %dma_start3A_137 = tpu.memref_squeeze %dma_start3A_136 : memref<1x80x128xf32, #tpu.memory_space<vmem>> -> memref<80x128xf32, #tpu.memory_space<vmem>>
    %dma_start3A_138 = arith.constant 0 : i32
    %dma_start3A_139 = tpu.memref_slice %arg5[%dma_start3A_132, %dma_start3A_138] : memref<20x80xi32, #tpu.memory_space<vmem>> -> memref<1x80xi32, #tpu.memory_space<vmem>>
    %dma_start3A_140 = tpu.memref_squeeze %dma_start3A_139 : memref<1x80xi32, #tpu.memory_space<vmem>> -> memref<80xi32, #tpu.memory_space<vmem>>
    %dma_start3A_141 = arith.constant 0 : i32
    %dma_start3A_142 = arith.constant 0 : i32
    %dma_start3A_143 = tpu.memref_slice %arg2[%dma_start3A_141, %dma_start3A_142] : memref<100000x128xf32, #tpu.memory_space<hbm>> -> memref<100000x128xf32, #tpu.memory_space<hbm>>
    tpu.enqueue_indirect_dma source(%dma_start3A_143 : memref<100000x128xf32, #tpu.memory_space<hbm>>) target(%dma_start3A_137 : memref<80x128xf32, #tpu.memory_space<vmem>>) offsets(%dma_start3A_140 : memref<80xi32, #tpu.memory_space<vmem>>) semaphore(%arg8 : memref<!tpu.dma_semaphore, #tpu.memory_space<semaphore_mem>>)
    %add3A_144 = arith.constant 320 : i32
    %add3A_145 = arith.addi %mul3A_2, %add3A_144 : i32
    %run_scoped3A_146 = arith.constant 0 : i32
    "tpu.region"() ({
      %run_scoped3A_540 = tpu.sem_alloc : memref<!tpu.dma_semaphore, #tpu.memory_space<semaphore_mem>>
      %dma_start3A_541 = arith.constant 0 : i32
      %dma_start3A_542 = arith.constant 0 : i32
      %dma_start3A_543 = tpu.memref_slice %arg6[%run_scoped3A_146, %dma_start3A_541, %dma_start3A_542] : memref<2x80x128xf32, #tpu.memory_space<vmem>> -> memref<1x80x128xf32, #tpu.memory_space<vmem>>
      %dma_start3A_544 = tpu.memref_squeeze %dma_start3A_543 : memref<1x80x128xf32, #tpu.memory_space<vmem>> -> memref<80x128xf32, #tpu.memory_space<vmem>>
      %dma_start3A_545 = arith.constant 0 : i32
      %dma_start3A_546 = tpu.memref_slice %arg4[%add3A_145, %dma_start3A_545] : memref<51200x128xf32, #tpu.memory_space<hbm>> -> memref<80x128xf32, #tpu.memory_space<hbm>>
      %dma_start3A_547 = arith.constant 0 : i32
      %dma_start3A_548 = tpu.memref_slice %arg4[%add3A_145, %dma_start3A_547] : memref<51200x128xf32, #tpu.memory_space<hbm>> -> memref<80x128xf32, #tpu.memory_space<hbm>>
      %dma_start3A_549 = arith.constant 0 : i32
      %dma_start3A_550 = arith.constant 0 : i32
      %dma_start3A_551 = tpu.memref_slice %arg6[%run_scoped3A_146, %dma_start3A_549, %dma_start3A_550] : memref<2x80x128xf32, #tpu.memory_space<vmem>> -> memref<1x80x128xf32, #tpu.memory_space<vmem>>
      %dma_start3A_552 = tpu.memref_squeeze %dma_start3A_551 : memref<1x80x128xf32, #tpu.memory_space<vmem>> -> memref<80x128xf32, #tpu.memory_space<vmem>>
      tpu.enqueue_dma source(%dma_start3A_552 : memref<80x128xf32, #tpu.memory_space<vmem>>) target(%dma_start3A_548 : memref<80x128xf32, #tpu.memory_space<hbm>>) target_semaphore(%run_scoped3A_540 : memref<!tpu.dma_semaphore, #tpu.memory_space<semaphore_mem>>)
      %dma_wait3A_553 = arith.constant 0 : i32
      %dma_wait3A_554 = arith.constant 0 : i32
      %dma_wait3A_555 = tpu.memref_slice %arg6[%run_scoped3A_146, %dma_wait3A_553, %dma_wait3A_554] : memref<2x80x128xf32, #tpu.memory_space<vmem>> -> memref<1x80x128xf32, #tpu.memory_space<vmem>>
      %dma_wait3A_556 = tpu.memref_squeeze %dma_wait3A_555 : memref<1x80x128xf32, #tpu.memory_space<vmem>> -> memref<80x128xf32, #tpu.memory_space<vmem>>
      %dma_wait3A_557 = arith.constant 0 : i32
      %dma_wait3A_558 = tpu.memref_slice %arg4[%add3A_145, %dma_wait3A_557] : memref<51200x128xf32, #tpu.memory_space<hbm>> -> memref<80x128xf32, #tpu.memory_space<hbm>>
      %dma_wait3A_559 = arith.constant 0 : i32
      %dma_wait3A_560 = tpu.memref_slice %arg4[%add3A_145, %dma_wait3A_559] : memref<51200x128xf32, #tpu.memory_space<hbm>> -> memref<80x128xf32, #tpu.memory_space<hbm>>
      %dma_wait3A_561 = arith.constant 0 : i32
      %dma_wait3A_562 = arith.constant 0 : i32
      %dma_wait3A_563 = tpu.memref_slice %arg6[%run_scoped3A_146, %dma_wait3A_561, %dma_wait3A_562] : memref<2x80x128xf32, #tpu.memory_space<vmem>> -> memref<1x80x128xf32, #tpu.memory_space<vmem>>
      %dma_wait3A_564 = tpu.memref_squeeze %dma_wait3A_563 : memref<1x80x128xf32, #tpu.memory_space<vmem>> -> memref<80x128xf32, #tpu.memory_space<vmem>>
      tpu.wait_dma2 semaphore(%run_scoped3A_540 : memref<!tpu.dma_semaphore, #tpu.memory_space<semaphore_mem>>) src(%dma_wait3A_564 : memref<80x128xf32, #tpu.memory_space<vmem>>) dst(%dma_wait3A_560 : memref<80x128xf32, #tpu.memory_space<hbm>>)
      tpu.yield
    }) : () -> ()
    %dma_wait3A_147 = arith.constant 5 : i32
    %dma_wait3A_148 = arith.constant 1 : i32
    %dma_wait3A_149 = arith.constant 0 : i32
    %dma_wait3A_150 = arith.constant 0 : i32
    %dma_wait3A_151 = tpu.memref_slice %arg6[%dma_wait3A_148, %dma_wait3A_149, %dma_wait3A_150] : memref<2x80x128xf32, #tpu.memory_space<vmem>> -> memref<1x80x128xf32, #tpu.memory_space<vmem>>
    %dma_wait3A_152 = tpu.memref_squeeze %dma_wait3A_151 : memref<1x80x128xf32, #tpu.memory_space<vmem>> -> memref<80x128xf32, #tpu.memory_space<vmem>>
    %dma_wait3A_153 = arith.constant 0 : i32
    %dma_wait3A_154 = tpu.memref_slice %arg5[%dma_wait3A_147, %dma_wait3A_153] : memref<20x80xi32, #tpu.memory_space<vmem>> -> memref<1x80xi32, #tpu.memory_space<vmem>>
    %dma_wait3A_155 = tpu.memref_squeeze %dma_wait3A_154 : memref<1x80xi32, #tpu.memory_space<vmem>> -> memref<80xi32, #tpu.memory_space<vmem>>
    %dma_wait3A_156 = arith.constant 0 : i32
    %dma_wait3A_157 = arith.constant 0 : i32
    %dma_wait3A_158 = tpu.memref_slice %arg2[%dma_wait3A_156, %dma_wait3A_157] : memref<100000x128xf32, #tpu.memory_space<hbm>> -> memref<100000x128xf32, #tpu.memory_space<hbm>>
    tpu.wait_indirect_dma semaphore(%arg8 : memref<!tpu.dma_semaphore, #tpu.memory_space<semaphore_mem>>) src(%dma_wait3A_158 : memref<100000x128xf32, #tpu.memory_space<hbm>>) dst(%dma_wait3A_152 : memref<80x128xf32, #tpu.memory_space<vmem>>)
    %dma_start3A_159 = arith.constant 6 : i32
    %dma_start3A_160 = arith.constant 0 : i32
    %dma_start3A_161 = arith.constant 0 : i32
    %dma_start3A_162 = arith.constant 0 : i32
    %dma_start3A_163 = tpu.memref_slice %arg6[%dma_start3A_160, %dma_start3A_161, %dma_start3A_162] : memref<2x80x128xf32, #tpu.memory_space<vmem>> -> memref<1x80x128xf32, #tpu.memory_space<vmem>>
    %dma_start3A_164 = tpu.memref_squeeze %dma_start3A_163 : memref<1x80x128xf32, #tpu.memory_space<vmem>> -> memref<80x128xf32, #tpu.memory_space<vmem>>
    %dma_start3A_165 = arith.constant 0 : i32
    %dma_start3A_166 = tpu.memref_slice %arg5[%dma_start3A_159, %dma_start3A_165] : memref<20x80xi32, #tpu.memory_space<vmem>> -> memref<1x80xi32, #tpu.memory_space<vmem>>
    %dma_start3A_167 = tpu.memref_squeeze %dma_start3A_166 : memref<1x80xi32, #tpu.memory_space<vmem>> -> memref<80xi32, #tpu.memory_space<vmem>>
    %dma_start3A_168 = arith.constant 0 : i32
    %dma_start3A_169 = arith.constant 0 : i32
    %dma_start3A_170 = tpu.memref_slice %arg2[%dma_start3A_168, %dma_start3A_169] : memref<100000x128xf32, #tpu.memory_space<hbm>> -> memref<100000x128xf32, #tpu.memory_space<hbm>>
    tpu.enqueue_indirect_dma source(%dma_start3A_170 : memref<100000x128xf32, #tpu.memory_space<hbm>>) target(%dma_start3A_164 : memref<80x128xf32, #tpu.memory_space<vmem>>) offsets(%dma_start3A_167 : memref<80xi32, #tpu.memory_space<vmem>>) semaphore(%arg7 : memref<!tpu.dma_semaphore, #tpu.memory_space<semaphore_mem>>)
    %add3A_171 = arith.constant 400 : i32
    %add3A_172 = arith.addi %mul3A_2, %add3A_171 : i32
    %run_scoped3A_173 = arith.constant 1 : i32
    "tpu.region"() ({
      %run_scoped3A_540 = tpu.sem_alloc : memref<!tpu.dma_semaphore, #tpu.memory_space<semaphore_mem>>
      %dma_start3A_541 = arith.constant 0 : i32
      %dma_start3A_542 = arith.constant 0 : i32
      %dma_start3A_543 = tpu.memref_slice %arg6[%run_scoped3A_173, %dma_start3A_541, %dma_start3A_542] : memref<2x80x128xf32, #tpu.memory_space<vmem>> -> memref<1x80x128xf32, #tpu.memory_space<vmem>>
      %dma_start3A_544 = tpu.memref_squeeze %dma_start3A_543 : memref<1x80x128xf32, #tpu.memory_space<vmem>> -> memref<80x128xf32, #tpu.memory_space<vmem>>
      %dma_start3A_545 = arith.constant 0 : i32
      %dma_start3A_546 = tpu.memref_slice %arg4[%add3A_172, %dma_start3A_545] : memref<51200x128xf32, #tpu.memory_space<hbm>> -> memref<80x128xf32, #tpu.memory_space<hbm>>
      %dma_start3A_547 = arith.constant 0 : i32
      %dma_start3A_548 = tpu.memref_slice %arg4[%add3A_172, %dma_start3A_547] : memref<51200x128xf32, #tpu.memory_space<hbm>> -> memref<80x128xf32, #tpu.memory_space<hbm>>
      %dma_start3A_549 = arith.constant 0 : i32
      %dma_start3A_550 = arith.constant 0 : i32
      %dma_start3A_551 = tpu.memref_slice %arg6[%run_scoped3A_173, %dma_start3A_549, %dma_start3A_550] : memref<2x80x128xf32, #tpu.memory_space<vmem>> -> memref<1x80x128xf32, #tpu.memory_space<vmem>>
      %dma_start3A_552 = tpu.memref_squeeze %dma_start3A_551 : memref<1x80x128xf32, #tpu.memory_space<vmem>> -> memref<80x128xf32, #tpu.memory_space<vmem>>
      tpu.enqueue_dma source(%dma_start3A_552 : memref<80x128xf32, #tpu.memory_space<vmem>>) target(%dma_start3A_548 : memref<80x128xf32, #tpu.memory_space<hbm>>) target_semaphore(%run_scoped3A_540 : memref<!tpu.dma_semaphore, #tpu.memory_space<semaphore_mem>>)
      %dma_wait3A_553 = arith.constant 0 : i32
      %dma_wait3A_554 = arith.constant 0 : i32
      %dma_wait3A_555 = tpu.memref_slice %arg6[%run_scoped3A_173, %dma_wait3A_553, %dma_wait3A_554] : memref<2x80x128xf32, #tpu.memory_space<vmem>> -> memref<1x80x128xf32, #tpu.memory_space<vmem>>
      %dma_wait3A_556 = tpu.memref_squeeze %dma_wait3A_555 : memref<1x80x128xf32, #tpu.memory_space<vmem>> -> memref<80x128xf32, #tpu.memory_space<vmem>>
      %dma_wait3A_557 = arith.constant 0 : i32
      %dma_wait3A_558 = tpu.memref_slice %arg4[%add3A_172, %dma_wait3A_557] : memref<51200x128xf32, #tpu.memory_space<hbm>> -> memref<80x128xf32, #tpu.memory_space<hbm>>
      %dma_wait3A_559 = arith.constant 0 : i32
      %dma_wait3A_560 = tpu.memref_slice %arg4[%add3A_172, %dma_wait3A_559] : memref<51200x128xf32, #tpu.memory_space<hbm>> -> memref<80x128xf32, #tpu.memory_space<hbm>>
      %dma_wait3A_561 = arith.constant 0 : i32
      %dma_wait3A_562 = arith.constant 0 : i32
      %dma_wait3A_563 = tpu.memref_slice %arg6[%run_scoped3A_173, %dma_wait3A_561, %dma_wait3A_562] : memref<2x80x128xf32, #tpu.memory_space<vmem>> -> memref<1x80x128xf32, #tpu.memory_space<vmem>>
      %dma_wait3A_564 = tpu.memref_squeeze %dma_wait3A_563 : memref<1x80x128xf32, #tpu.memory_space<vmem>> -> memref<80x128xf32, #tpu.memory_space<vmem>>
      tpu.wait_dma2 semaphore(%run_scoped3A_540 : memref<!tpu.dma_semaphore, #tpu.memory_space<semaphore_mem>>) src(%dma_wait3A_564 : memref<80x128xf32, #tpu.memory_space<vmem>>) dst(%dma_wait3A_560 : memref<80x128xf32, #tpu.memory_space<hbm>>)
      tpu.yield
    }) : () -> ()
    %dma_wait3A_174 = arith.constant 6 : i32
    %dma_wait3A_175 = arith.constant 0 : i32
    %dma_wait3A_176 = arith.constant 0 : i32
    %dma_wait3A_177 = arith.constant 0 : i32
    %dma_wait3A_178 = tpu.memref_slice %arg6[%dma_wait3A_175, %dma_wait3A_176, %dma_wait3A_177] : memref<2x80x128xf32, #tpu.memory_space<vmem>> -> memref<1x80x128xf32, #tpu.memory_space<vmem>>
    %dma_wait3A_179 = tpu.memref_squeeze %dma_wait3A_178 : memref<1x80x128xf32, #tpu.memory_space<vmem>> -> memref<80x128xf32, #tpu.memory_space<vmem>>
    %dma_wait3A_180 = arith.constant 0 : i32
    %dma_wait3A_181 = tpu.memref_slice %arg5[%dma_wait3A_174, %dma_wait3A_180] : memref<20x80xi32, #tpu.memory_space<vmem>> -> memref<1x80xi32, #tpu.memory_space<vmem>>
    %dma_wait3A_182 = tpu.memref_squeeze %dma_wait3A_181 : memref<1x80xi32, #tpu.memory_space<vmem>> -> memref<80xi32, #tpu.memory_space<vmem>>
    %dma_wait3A_183 = arith.constant 0 : i32
    %dma_wait3A_184 = arith.constant 0 : i32
    %dma_wait3A_185 = tpu.memref_slice %arg2[%dma_wait3A_183, %dma_wait3A_184] : memref<100000x128xf32, #tpu.memory_space<hbm>> -> memref<100000x128xf32, #tpu.memory_space<hbm>>
    tpu.wait_indirect_dma semaphore(%arg7 : memref<!tpu.dma_semaphore, #tpu.memory_space<semaphore_mem>>) src(%dma_wait3A_185 : memref<100000x128xf32, #tpu.memory_space<hbm>>) dst(%dma_wait3A_179 : memref<80x128xf32, #tpu.memory_space<vmem>>)
    %dma_start3A_186 = arith.constant 7 : i32
    %dma_start3A_187 = arith.constant 1 : i32
    %dma_start3A_188 = arith.constant 0 : i32
    %dma_start3A_189 = arith.constant 0 : i32
    %dma_start3A_190 = tpu.memref_slice %arg6[%dma_start3A_187, %dma_start3A_188, %dma_start3A_189] : memref<2x80x128xf32, #tpu.memory_space<vmem>> -> memref<1x80x128xf32, #tpu.memory_space<vmem>>
    %dma_start3A_191 = tpu.memref_squeeze %dma_start3A_190 : memref<1x80x128xf32, #tpu.memory_space<vmem>> -> memref<80x128xf32, #tpu.memory_space<vmem>>
    %dma_start3A_192 = arith.constant 0 : i32
    %dma_start3A_193 = tpu.memref_slice %arg5[%dma_start3A_186, %dma_start3A_192] : memref<20x80xi32, #tpu.memory_space<vmem>> -> memref<1x80xi32, #tpu.memory_space<vmem>>
    %dma_start3A_194 = tpu.memref_squeeze %dma_start3A_193 : memref<1x80xi32, #tpu.memory_space<vmem>> -> memref<80xi32, #tpu.memory_space<vmem>>
    %dma_start3A_195 = arith.constant 0 : i32
    %dma_start3A_196 = arith.constant 0 : i32
    %dma_start3A_197 = tpu.memref_slice %arg2[%dma_start3A_195, %dma_start3A_196] : memref<100000x128xf32, #tpu.memory_space<hbm>> -> memref<100000x128xf32, #tpu.memory_space<hbm>>
    tpu.enqueue_indirect_dma source(%dma_start3A_197 : memref<100000x128xf32, #tpu.memory_space<hbm>>) target(%dma_start3A_191 : memref<80x128xf32, #tpu.memory_space<vmem>>) offsets(%dma_start3A_194 : memref<80xi32, #tpu.memory_space<vmem>>) semaphore(%arg8 : memref<!tpu.dma_semaphore, #tpu.memory_space<semaphore_mem>>)
    %add3A_198 = arith.constant 480 : i32
    %add3A_199 = arith.addi %mul3A_2, %add3A_198 : i32
    %run_scoped3A_200 = arith.constant 0 : i32
    "tpu.region"() ({
      %run_scoped3A_540 = tpu.sem_alloc : memref<!tpu.dma_semaphore, #tpu.memory_space<semaphore_mem>>
      %dma_start3A_541 = arith.constant 0 : i32
      %dma_start3A_542 = arith.constant 0 : i32
      %dma_start3A_543 = tpu.memref_slice %arg6[%run_scoped3A_200, %dma_start3A_541, %dma_start3A_542] : memref<2x80x128xf32, #tpu.memory_space<vmem>> -> memref<1x80x128xf32, #tpu.memory_space<vmem>>
      %dma_start3A_544 = tpu.memref_squeeze %dma_start3A_543 : memref<1x80x128xf32, #tpu.memory_space<vmem>> -> memref<80x128xf32, #tpu.memory_space<vmem>>
      %dma_start3A_545 = arith.constant 0 : i32
      %dma_start3A_546 = tpu.memref_slice %arg4[%add3A_199, %dma_start3A_545] : memref<51200x128xf32, #tpu.memory_space<hbm>> -> memref<80x128xf32, #tpu.memory_space<hbm>>
      %dma_start3A_547 = arith.constant 0 : i32
      %dma_start3A_548 = tpu.memref_slice %arg4[%add3A_199, %dma_start3A_547] : memref<51200x128xf32, #tpu.memory_space<hbm>> -> memref<80x128xf32, #tpu.memory_space<hbm>>
      %dma_start3A_549 = arith.constant 0 : i32
      %dma_start3A_550 = arith.constant 0 : i32
      %dma_start3A_551 = tpu.memref_slice %arg6[%run_scoped3A_200, %dma_start3A_549, %dma_start3A_550] : memref<2x80x128xf32, #tpu.memory_space<vmem>> -> memref<1x80x128xf32, #tpu.memory_space<vmem>>
      %dma_start3A_552 = tpu.memref_squeeze %dma_start3A_551 : memref<1x80x128xf32, #tpu.memory_space<vmem>> -> memref<80x128xf32, #tpu.memory_space<vmem>>
      tpu.enqueue_dma source(%dma_start3A_552 : memref<80x128xf32, #tpu.memory_space<vmem>>) target(%dma_start3A_548 : memref<80x128xf32, #tpu.memory_space<hbm>>) target_semaphore(%run_scoped3A_540 : memref<!tpu.dma_semaphore, #tpu.memory_space<semaphore_mem>>)
      %dma_wait3A_553 = arith.constant 0 : i32
      %dma_wait3A_554 = arith.constant 0 : i32
      %dma_wait3A_555 = tpu.memref_slice %arg6[%run_scoped3A_200, %dma_wait3A_553, %dma_wait3A_554] : memref<2x80x128xf32, #tpu.memory_space<vmem>> -> memref<1x80x128xf32, #tpu.memory_space<vmem>>
      %dma_wait3A_556 = tpu.memref_squeeze %dma_wait3A_555 : memref<1x80x128xf32, #tpu.memory_space<vmem>> -> memref<80x128xf32, #tpu.memory_space<vmem>>
      %dma_wait3A_557 = arith.constant 0 : i32
      %dma_wait3A_558 = tpu.memref_slice %arg4[%add3A_199, %dma_wait3A_557] : memref<51200x128xf32, #tpu.memory_space<hbm>> -> memref<80x128xf32, #tpu.memory_space<hbm>>
      %dma_wait3A_559 = arith.constant 0 : i32
      %dma_wait3A_560 = tpu.memref_slice %arg4[%add3A_199, %dma_wait3A_559] : memref<51200x128xf32, #tpu.memory_space<hbm>> -> memref<80x128xf32, #tpu.memory_space<hbm>>
      %dma_wait3A_561 = arith.constant 0 : i32
      %dma_wait3A_562 = arith.constant 0 : i32
      %dma_wait3A_563 = tpu.memref_slice %arg6[%run_scoped3A_200, %dma_wait3A_561, %dma_wait3A_562] : memref<2x80x128xf32, #tpu.memory_space<vmem>> -> memref<1x80x128xf32, #tpu.memory_space<vmem>>
      %dma_wait3A_564 = tpu.memref_squeeze %dma_wait3A_563 : memref<1x80x128xf32, #tpu.memory_space<vmem>> -> memref<80x128xf32, #tpu.memory_space<vmem>>
      tpu.wait_dma2 semaphore(%run_scoped3A_540 : memref<!tpu.dma_semaphore, #tpu.memory_space<semaphore_mem>>) src(%dma_wait3A_564 : memref<80x128xf32, #tpu.memory_space<vmem>>) dst(%dma_wait3A_560 : memref<80x128xf32, #tpu.memory_space<hbm>>)
      tpu.yield
    }) : () -> ()
    %dma_wait3A_201 = arith.constant 7 : i32
    %dma_wait3A_202 = arith.constant 1 : i32
    %dma_wait3A_203 = arith.constant 0 : i32
    %dma_wait3A_204 = arith.constant 0 : i32
    %dma_wait3A_205 = tpu.memref_slice %arg6[%dma_wait3A_202, %dma_wait3A_203, %dma_wait3A_204] : memref<2x80x128xf32, #tpu.memory_space<vmem>> -> memref<1x80x128xf32, #tpu.memory_space<vmem>>
    %dma_wait3A_206 = tpu.memref_squeeze %dma_wait3A_205 : memref<1x80x128xf32, #tpu.memory_space<vmem>> -> memref<80x128xf32, #tpu.memory_space<vmem>>
    %dma_wait3A_207 = arith.constant 0 : i32
    %dma_wait3A_208 = tpu.memref_slice %arg5[%dma_wait3A_201, %dma_wait3A_207] : memref<20x80xi32, #tpu.memory_space<vmem>> -> memref<1x80xi32, #tpu.memory_space<vmem>>
    %dma_wait3A_209 = tpu.memref_squeeze %dma_wait3A_208 : memref<1x80xi32, #tpu.memory_space<vmem>> -> memref<80xi32, #tpu.memory_space<vmem>>
    %dma_wait3A_210 = arith.constant 0 : i32
    %dma_wait3A_211 = arith.constant 0 : i32
    %dma_wait3A_212 = tpu.memref_slice %arg2[%dma_wait3A_210, %dma_wait3A_211] : memref<100000x128xf32, #tpu.memory_space<hbm>> -> memref<100000x128xf32, #tpu.memory_space<hbm>>
    tpu.wait_indirect_dma semaphore(%arg8 : memref<!tpu.dma_semaphore, #tpu.memory_space<semaphore_mem>>) src(%dma_wait3A_212 : memref<100000x128xf32, #tpu.memory_space<hbm>>) dst(%dma_wait3A_206 : memref<80x128xf32, #tpu.memory_space<vmem>>)
    %dma_start3A_213 = arith.constant 8 : i32
    %dma_start3A_214 = arith.constant 0 : i32
    %dma_start3A_215 = arith.constant 0 : i32
    %dma_start3A_216 = arith.constant 0 : i32
    %dma_start3A_217 = tpu.memref_slice %arg6[%dma_start3A_214, %dma_start3A_215, %dma_start3A_216] : memref<2x80x128xf32, #tpu.memory_space<vmem>> -> memref<1x80x128xf32, #tpu.memory_space<vmem>>
    %dma_start3A_218 = tpu.memref_squeeze %dma_start3A_217 : memref<1x80x128xf32, #tpu.memory_space<vmem>> -> memref<80x128xf32, #tpu.memory_space<vmem>>
    %dma_start3A_219 = arith.constant 0 : i32
    %dma_start3A_220 = tpu.memref_slice %arg5[%dma_start3A_213, %dma_start3A_219] : memref<20x80xi32, #tpu.memory_space<vmem>> -> memref<1x80xi32, #tpu.memory_space<vmem>>
    %dma_start3A_221 = tpu.memref_squeeze %dma_start3A_220 : memref<1x80xi32, #tpu.memory_space<vmem>> -> memref<80xi32, #tpu.memory_space<vmem>>
    %dma_start3A_222 = arith.constant 0 : i32
    %dma_start3A_223 = arith.constant 0 : i32
    %dma_start3A_224 = tpu.memref_slice %arg2[%dma_start3A_222, %dma_start3A_223] : memref<100000x128xf32, #tpu.memory_space<hbm>> -> memref<100000x128xf32, #tpu.memory_space<hbm>>
    tpu.enqueue_indirect_dma source(%dma_start3A_224 : memref<100000x128xf32, #tpu.memory_space<hbm>>) target(%dma_start3A_218 : memref<80x128xf32, #tpu.memory_space<vmem>>) offsets(%dma_start3A_221 : memref<80xi32, #tpu.memory_space<vmem>>) semaphore(%arg7 : memref<!tpu.dma_semaphore, #tpu.memory_space<semaphore_mem>>)
    %add3A_225 = arith.constant 560 : i32
    %add3A_226 = arith.addi %mul3A_2, %add3A_225 : i32
    %run_scoped3A_227 = arith.constant 1 : i32
    "tpu.region"() ({
      %run_scoped3A_540 = tpu.sem_alloc : memref<!tpu.dma_semaphore, #tpu.memory_space<semaphore_mem>>
      %dma_start3A_541 = arith.constant 0 : i32
      %dma_start3A_542 = arith.constant 0 : i32
      %dma_start3A_543 = tpu.memref_slice %arg6[%run_scoped3A_227, %dma_start3A_541, %dma_start3A_542] : memref<2x80x128xf32, #tpu.memory_space<vmem>> -> memref<1x80x128xf32, #tpu.memory_space<vmem>>
      %dma_start3A_544 = tpu.memref_squeeze %dma_start3A_543 : memref<1x80x128xf32, #tpu.memory_space<vmem>> -> memref<80x128xf32, #tpu.memory_space<vmem>>
      %dma_start3A_545 = arith.constant 0 : i32
      %dma_start3A_546 = tpu.memref_slice %arg4[%add3A_226, %dma_start3A_545] : memref<51200x128xf32, #tpu.memory_space<hbm>> -> memref<80x128xf32, #tpu.memory_space<hbm>>
      %dma_start3A_547 = arith.constant 0 : i32
      %dma_start3A_548 = tpu.memref_slice %arg4[%add3A_226, %dma_start3A_547] : memref<51200x128xf32, #tpu.memory_space<hbm>> -> memref<80x128xf32, #tpu.memory_space<hbm>>
      %dma_start3A_549 = arith.constant 0 : i32
      %dma_start3A_550 = arith.constant 0 : i32
      %dma_start3A_551 = tpu.memref_slice %arg6[%run_scoped3A_227, %dma_start3A_549, %dma_start3A_550] : memref<2x80x128xf32, #tpu.memory_space<vmem>> -> memref<1x80x128xf32, #tpu.memory_space<vmem>>
      %dma_start3A_552 = tpu.memref_squeeze %dma_start3A_551 : memref<1x80x128xf32, #tpu.memory_space<vmem>> -> memref<80x128xf32, #tpu.memory_space<vmem>>
      tpu.enqueue_dma source(%dma_start3A_552 : memref<80x128xf32, #tpu.memory_space<vmem>>) target(%dma_start3A_548 : memref<80x128xf32, #tpu.memory_space<hbm>>) target_semaphore(%run_scoped3A_540 : memref<!tpu.dma_semaphore, #tpu.memory_space<semaphore_mem>>)
      %dma_wait3A_553 = arith.constant 0 : i32
      %dma_wait3A_554 = arith.constant 0 : i32
      %dma_wait3A_555 = tpu.memref_slice %arg6[%run_scoped3A_227, %dma_wait3A_553, %dma_wait3A_554] : memref<2x80x128xf32, #tpu.memory_space<vmem>> -> memref<1x80x128xf32, #tpu.memory_space<vmem>>
      %dma_wait3A_556 = tpu.memref_squeeze %dma_wait3A_555 : memref<1x80x128xf32, #tpu.memory_space<vmem>> -> memref<80x128xf32, #tpu.memory_space<vmem>>
      %dma_wait3A_557 = arith.constant 0 : i32
      %dma_wait3A_558 = tpu.memref_slice %arg4[%add3A_226, %dma_wait3A_557] : memref<51200x128xf32, #tpu.memory_space<hbm>> -> memref<80x128xf32, #tpu.memory_space<hbm>>
      %dma_wait3A_559 = arith.constant 0 : i32
      %dma_wait3A_560 = tpu.memref_slice %arg4[%add3A_226, %dma_wait3A_559] : memref<51200x128xf32, #tpu.memory_space<hbm>> -> memref<80x128xf32, #tpu.memory_space<hbm>>
      %dma_wait3A_561 = arith.constant 0 : i32
      %dma_wait3A_562 = arith.constant 0 : i32
      %dma_wait3A_563 = tpu.memref_slice %arg6[%run_scoped3A_227, %dma_wait3A_561, %dma_wait3A_562] : memref<2x80x128xf32, #tpu.memory_space<vmem>> -> memref<1x80x128xf32, #tpu.memory_space<vmem>>
      %dma_wait3A_564 = tpu.memref_squeeze %dma_wait3A_563 : memref<1x80x128xf32, #tpu.memory_space<vmem>> -> memref<80x128xf32, #tpu.memory_space<vmem>>
      tpu.wait_dma2 semaphore(%run_scoped3A_540 : memref<!tpu.dma_semaphore, #tpu.memory_space<semaphore_mem>>) src(%dma_wait3A_564 : memref<80x128xf32, #tpu.memory_space<vmem>>) dst(%dma_wait3A_560 : memref<80x128xf32, #tpu.memory_space<hbm>>)
      tpu.yield
    }) : () -> ()
    %dma_wait3A_228 = arith.constant 8 : i32
    %dma_wait3A_229 = arith.constant 0 : i32
    %dma_wait3A_230 = arith.constant 0 : i32
    %dma_wait3A_231 = arith.constant 0 : i32
    %dma_wait3A_232 = tpu.memref_slice %arg6[%dma_wait3A_229, %dma_wait3A_230, %dma_wait3A_231] : memref<2x80x128xf32, #tpu.memory_space<vmem>> -> memref<1x80x128xf32, #tpu.memory_space<vmem>>
    %dma_wait3A_233 = tpu.memref_squeeze %dma_wait3A_232 : memref<1x80x128xf32, #tpu.memory_space<vmem>> -> memref<80x128xf32, #tpu.memory_space<vmem>>
    %dma_wait3A_234 = arith.constant 0 : i32
    %dma_wait3A_235 = tpu.memref_slice %arg5[%dma_wait3A_228, %dma_wait3A_234] : memref<20x80xi32, #tpu.memory_space<vmem>> -> memref<1x80xi32, #tpu.memory_space<vmem>>
    %dma_wait3A_236 = tpu.memref_squeeze %dma_wait3A_235 : memref<1x80xi32, #tpu.memory_space<vmem>> -> memref<80xi32, #tpu.memory_space<vmem>>
    %dma_wait3A_237 = arith.constant 0 : i32
    %dma_wait3A_238 = arith.constant 0 : i32
    %dma_wait3A_239 = tpu.memref_slice %arg2[%dma_wait3A_237, %dma_wait3A_238] : memref<100000x128xf32, #tpu.memory_space<hbm>> -> memref<100000x128xf32, #tpu.memory_space<hbm>>
    tpu.wait_indirect_dma semaphore(%arg7 : memref<!tpu.dma_semaphore, #tpu.memory_space<semaphore_mem>>) src(%dma_wait3A_239 : memref<100000x128xf32, #tpu.memory_space<hbm>>) dst(%dma_wait3A_233 : memref<80x128xf32, #tpu.memory_space<vmem>>)
    %dma_start3A_240 = arith.constant 9 : i32
    %dma_start3A_241 = arith.constant 1 : i32
    %dma_start3A_242 = arith.constant 0 : i32
    %dma_start3A_243 = arith.constant 0 : i32
    %dma_start3A_244 = tpu.memref_slice %arg6[%dma_start3A_241, %dma_start3A_242, %dma_start3A_243] : memref<2x80x128xf32, #tpu.memory_space<vmem>> -> memref<1x80x128xf32, #tpu.memory_space<vmem>>
    %dma_start3A_245 = tpu.memref_squeeze %dma_start3A_244 : memref<1x80x128xf32, #tpu.memory_space<vmem>> -> memref<80x128xf32, #tpu.memory_space<vmem>>
    %dma_start3A_246 = arith.constant 0 : i32
    %dma_start3A_247 = tpu.memref_slice %arg5[%dma_start3A_240, %dma_start3A_246] : memref<20x80xi32, #tpu.memory_space<vmem>> -> memref<1x80xi32, #tpu.memory_space<vmem>>
    %dma_start3A_248 = tpu.memref_squeeze %dma_start3A_247 : memref<1x80xi32, #tpu.memory_space<vmem>> -> memref<80xi32, #tpu.memory_space<vmem>>
    %dma_start3A_249 = arith.constant 0 : i32
    %dma_start3A_250 = arith.constant 0 : i32
    %dma_start3A_251 = tpu.memref_slice %arg2[%dma_start3A_249, %dma_start3A_250] : memref<100000x128xf32, #tpu.memory_space<hbm>> -> memref<100000x128xf32, #tpu.memory_space<hbm>>
    tpu.enqueue_indirect_dma source(%dma_start3A_251 : memref<100000x128xf32, #tpu.memory_space<hbm>>) target(%dma_start3A_245 : memref<80x128xf32, #tpu.memory_space<vmem>>) offsets(%dma_start3A_248 : memref<80xi32, #tpu.memory_space<vmem>>) semaphore(%arg8 : memref<!tpu.dma_semaphore, #tpu.memory_space<semaphore_mem>>)
    %add3A_252 = arith.constant 640 : i32
    %add3A_253 = arith.addi %mul3A_2, %add3A_252 : i32
    %run_scoped3A_254 = arith.constant 0 : i32
    "tpu.region"() ({
      %run_scoped3A_540 = tpu.sem_alloc : memref<!tpu.dma_semaphore, #tpu.memory_space<semaphore_mem>>
      %dma_start3A_541 = arith.constant 0 : i32
      %dma_start3A_542 = arith.constant 0 : i32
      %dma_start3A_543 = tpu.memref_slice %arg6[%run_scoped3A_254, %dma_start3A_541, %dma_start3A_542] : memref<2x80x128xf32, #tpu.memory_space<vmem>> -> memref<1x80x128xf32, #tpu.memory_space<vmem>>
      %dma_start3A_544 = tpu.memref_squeeze %dma_start3A_543 : memref<1x80x128xf32, #tpu.memory_space<vmem>> -> memref<80x128xf32, #tpu.memory_space<vmem>>
      %dma_start3A_545 = arith.constant 0 : i32
      %dma_start3A_546 = tpu.memref_slice %arg4[%add3A_253, %dma_start3A_545] : memref<51200x128xf32, #tpu.memory_space<hbm>> -> memref<80x128xf32, #tpu.memory_space<hbm>>
      %dma_start3A_547 = arith.constant 0 : i32
      %dma_start3A_548 = tpu.memref_slice %arg4[%add3A_253, %dma_start3A_547] : memref<51200x128xf32, #tpu.memory_space<hbm>> -> memref<80x128xf32, #tpu.memory_space<hbm>>
      %dma_start3A_549 = arith.constant 0 : i32
      %dma_start3A_550 = arith.constant 0 : i32
      %dma_start3A_551 = tpu.memref_slice %arg6[%run_scoped3A_254, %dma_start3A_549, %dma_start3A_550] : memref<2x80x128xf32, #tpu.memory_space<vmem>> -> memref<1x80x128xf32, #tpu.memory_space<vmem>>
      %dma_start3A_552 = tpu.memref_squeeze %dma_start3A_551 : memref<1x80x128xf32, #tpu.memory_space<vmem>> -> memref<80x128xf32, #tpu.memory_space<vmem>>
      tpu.enqueue_dma source(%dma_start3A_552 : memref<80x128xf32, #tpu.memory_space<vmem>>) target(%dma_start3A_548 : memref<80x128xf32, #tpu.memory_space<hbm>>) target_semaphore(%run_scoped3A_540 : memref<!tpu.dma_semaphore, #tpu.memory_space<semaphore_mem>>)
      %dma_wait3A_553 = arith.constant 0 : i32
      %dma_wait3A_554 = arith.constant 0 : i32
      %dma_wait3A_555 = tpu.memref_slice %arg6[%run_scoped3A_254, %dma_wait3A_553, %dma_wait3A_554] : memref<2x80x128xf32, #tpu.memory_space<vmem>> -> memref<1x80x128xf32, #tpu.memory_space<vmem>>
      %dma_wait3A_556 = tpu.memref_squeeze %dma_wait3A_555 : memref<1x80x128xf32, #tpu.memory_space<vmem>> -> memref<80x128xf32, #tpu.memory_space<vmem>>
      %dma_wait3A_557 = arith.constant 0 : i32
      %dma_wait3A_558 = tpu.memref_slice %arg4[%add3A_253, %dma_wait3A_557] : memref<51200x128xf32, #tpu.memory_space<hbm>> -> memref<80x128xf32, #tpu.memory_space<hbm>>
      %dma_wait3A_559 = arith.constant 0 : i32
      %dma_wait3A_560 = tpu.memref_slice %arg4[%add3A_253, %dma_wait3A_559] : memref<51200x128xf32, #tpu.memory_space<hbm>> -> memref<80x128xf32, #tpu.memory_space<hbm>>
      %dma_wait3A_561 = arith.constant 0 : i32
      %dma_wait3A_562 = arith.constant 0 : i32
      %dma_wait3A_563 = tpu.memref_slice %arg6[%run_scoped3A_254, %dma_wait3A_561, %dma_wait3A_562] : memref<2x80x128xf32, #tpu.memory_space<vmem>> -> memref<1x80x128xf32, #tpu.memory_space<vmem>>
      %dma_wait3A_564 = tpu.memref_squeeze %dma_wait3A_563 : memref<1x80x128xf32, #tpu.memory_space<vmem>> -> memref<80x128xf32, #tpu.memory_space<vmem>>
      tpu.wait_dma2 semaphore(%run_scoped3A_540 : memref<!tpu.dma_semaphore, #tpu.memory_space<semaphore_mem>>) src(%dma_wait3A_564 : memref<80x128xf32, #tpu.memory_space<vmem>>) dst(%dma_wait3A_560 : memref<80x128xf32, #tpu.memory_space<hbm>>)
      tpu.yield
    }) : () -> ()
    %dma_wait3A_255 = arith.constant 9 : i32
    %dma_wait3A_256 = arith.constant 1 : i32
    %dma_wait3A_257 = arith.constant 0 : i32
    %dma_wait3A_258 = arith.constant 0 : i32
    %dma_wait3A_259 = tpu.memref_slice %arg6[%dma_wait3A_256, %dma_wait3A_257, %dma_wait3A_258] : memref<2x80x128xf32, #tpu.memory_space<vmem>> -> memref<1x80x128xf32, #tpu.memory_space<vmem>>
    %dma_wait3A_260 = tpu.memref_squeeze %dma_wait3A_259 : memref<1x80x128xf32, #tpu.memory_space<vmem>> -> memref<80x128xf32, #tpu.memory_space<vmem>>
    %dma_wait3A_261 = arith.constant 0 : i32
    %dma_wait3A_262 = tpu.memref_slice %arg5[%dma_wait3A_255, %dma_wait3A_261] : memref<20x80xi32, #tpu.memory_space<vmem>> -> memref<1x80xi32, #tpu.memory_space<vmem>>
    %dma_wait3A_263 = tpu.memref_squeeze %dma_wait3A_262 : memref<1x80xi32, #tpu.memory_space<vmem>> -> memref<80xi32, #tpu.memory_space<vmem>>
    %dma_wait3A_264 = arith.constant 0 : i32
    %dma_wait3A_265 = arith.constant 0 : i32
    %dma_wait3A_266 = tpu.memref_slice %arg2[%dma_wait3A_264, %dma_wait3A_265] : memref<100000x128xf32, #tpu.memory_space<hbm>> -> memref<100000x128xf32, #tpu.memory_space<hbm>>
    tpu.wait_indirect_dma semaphore(%arg8 : memref<!tpu.dma_semaphore, #tpu.memory_space<semaphore_mem>>) src(%dma_wait3A_266 : memref<100000x128xf32, #tpu.memory_space<hbm>>) dst(%dma_wait3A_260 : memref<80x128xf32, #tpu.memory_space<vmem>>)
    %dma_start3A_267 = arith.constant 10 : i32
    %dma_start3A_268 = arith.constant 0 : i32
    %dma_start3A_269 = arith.constant 0 : i32
    %dma_start3A_270 = arith.constant 0 : i32
    %dma_start3A_271 = tpu.memref_slice %arg6[%dma_start3A_268, %dma_start3A_269, %dma_start3A_270] : memref<2x80x128xf32, #tpu.memory_space<vmem>> -> memref<1x80x128xf32, #tpu.memory_space<vmem>>
    %dma_start3A_272 = tpu.memref_squeeze %dma_start3A_271 : memref<1x80x128xf32, #tpu.memory_space<vmem>> -> memref<80x128xf32, #tpu.memory_space<vmem>>
    %dma_start3A_273 = arith.constant 0 : i32
    %dma_start3A_274 = tpu.memref_slice %arg5[%dma_start3A_267, %dma_start3A_273] : memref<20x80xi32, #tpu.memory_space<vmem>> -> memref<1x80xi32, #tpu.memory_space<vmem>>
    %dma_start3A_275 = tpu.memref_squeeze %dma_start3A_274 : memref<1x80xi32, #tpu.memory_space<vmem>> -> memref<80xi32, #tpu.memory_space<vmem>>
    %dma_start3A_276 = arith.constant 0 : i32
    %dma_start3A_277 = arith.constant 0 : i32
    %dma_start3A_278 = tpu.memref_slice %arg2[%dma_start3A_276, %dma_start3A_277] : memref<100000x128xf32, #tpu.memory_space<hbm>> -> memref<100000x128xf32, #tpu.memory_space<hbm>>
    tpu.enqueue_indirect_dma source(%dma_start3A_278 : memref<100000x128xf32, #tpu.memory_space<hbm>>) target(%dma_start3A_272 : memref<80x128xf32, #tpu.memory_space<vmem>>) offsets(%dma_start3A_275 : memref<80xi32, #tpu.memory_space<vmem>>) semaphore(%arg7 : memref<!tpu.dma_semaphore, #tpu.memory_space<semaphore_mem>>)
    %add3A_279 = arith.constant 720 : i32
    %add3A_280 = arith.addi %mul3A_2, %add3A_279 : i32
    %run_scoped3A_281 = arith.constant 1 : i32
    "tpu.region"() ({
      %run_scoped3A_540 = tpu.sem_alloc : memref<!tpu.dma_semaphore, #tpu.memory_space<semaphore_mem>>
      %dma_start3A_541 = arith.constant 0 : i32
      %dma_start3A_542 = arith.constant 0 : i32
      %dma_start3A_543 = tpu.memref_slice %arg6[%run_scoped3A_281, %dma_start3A_541, %dma_start3A_542] : memref<2x80x128xf32, #tpu.memory_space<vmem>> -> memref<1x80x128xf32, #tpu.memory_space<vmem>>
      %dma_start3A_544 = tpu.memref_squeeze %dma_start3A_543 : memref<1x80x128xf32, #tpu.memory_space<vmem>> -> memref<80x128xf32, #tpu.memory_space<vmem>>
      %dma_start3A_545 = arith.constant 0 : i32
      %dma_start3A_546 = tpu.memref_slice %arg4[%add3A_280, %dma_start3A_545] : memref<51200x128xf32, #tpu.memory_space<hbm>> -> memref<80x128xf32, #tpu.memory_space<hbm>>
      %dma_start3A_547 = arith.constant 0 : i32
      %dma_start3A_548 = tpu.memref_slice %arg4[%add3A_280, %dma_start3A_547] : memref<51200x128xf32, #tpu.memory_space<hbm>> -> memref<80x128xf32, #tpu.memory_space<hbm>>
      %dma_start3A_549 = arith.constant 0 : i32
      %dma_start3A_550 = arith.constant 0 : i32
      %dma_start3A_551 = tpu.memref_slice %arg6[%run_scoped3A_281, %dma_start3A_549, %dma_start3A_550] : memref<2x80x128xf32, #tpu.memory_space<vmem>> -> memref<1x80x128xf32, #tpu.memory_space<vmem>>
      %dma_start3A_552 = tpu.memref_squeeze %dma_start3A_551 : memref<1x80x128xf32, #tpu.memory_space<vmem>> -> memref<80x128xf32, #tpu.memory_space<vmem>>
      tpu.enqueue_dma source(%dma_start3A_552 : memref<80x128xf32, #tpu.memory_space<vmem>>) target(%dma_start3A_548 : memref<80x128xf32, #tpu.memory_space<hbm>>) target_semaphore(%run_scoped3A_540 : memref<!tpu.dma_semaphore, #tpu.memory_space<semaphore_mem>>)
      %dma_wait3A_553 = arith.constant 0 : i32
      %dma_wait3A_554 = arith.constant 0 : i32
      %dma_wait3A_555 = tpu.memref_slice %arg6[%run_scoped3A_281, %dma_wait3A_553, %dma_wait3A_554] : memref<2x80x128xf32, #tpu.memory_space<vmem>> -> memref<1x80x128xf32, #tpu.memory_space<vmem>>
      %dma_wait3A_556 = tpu.memref_squeeze %dma_wait3A_555 : memref<1x80x128xf32, #tpu.memory_space<vmem>> -> memref<80x128xf32, #tpu.memory_space<vmem>>
      %dma_wait3A_557 = arith.constant 0 : i32
      %dma_wait3A_558 = tpu.memref_slice %arg4[%add3A_280, %dma_wait3A_557] : memref<51200x128xf32, #tpu.memory_space<hbm>> -> memref<80x128xf32, #tpu.memory_space<hbm>>
      %dma_wait3A_559 = arith.constant 0 : i32
      %dma_wait3A_560 = tpu.memref_slice %arg4[%add3A_280, %dma_wait3A_559] : memref<51200x128xf32, #tpu.memory_space<hbm>> -> memref<80x128xf32, #tpu.memory_space<hbm>>
      %dma_wait3A_561 = arith.constant 0 : i32
      %dma_wait3A_562 = arith.constant 0 : i32
      %dma_wait3A_563 = tpu.memref_slice %arg6[%run_scoped3A_281, %dma_wait3A_561, %dma_wait3A_562] : memref<2x80x128xf32, #tpu.memory_space<vmem>> -> memref<1x80x128xf32, #tpu.memory_space<vmem>>
      %dma_wait3A_564 = tpu.memref_squeeze %dma_wait3A_563 : memref<1x80x128xf32, #tpu.memory_space<vmem>> -> memref<80x128xf32, #tpu.memory_space<vmem>>
      tpu.wait_dma2 semaphore(%run_scoped3A_540 : memref<!tpu.dma_semaphore, #tpu.memory_space<semaphore_mem>>) src(%dma_wait3A_564 : memref<80x128xf32, #tpu.memory_space<vmem>>) dst(%dma_wait3A_560 : memref<80x128xf32, #tpu.memory_space<hbm>>)
      tpu.yield
    }) : () -> ()
    %dma_wait3A_282 = arith.constant 10 : i32
    %dma_wait3A_283 = arith.constant 0 : i32
    %dma_wait3A_284 = arith.constant 0 : i32
    %dma_wait3A_285 = arith.constant 0 : i32
    %dma_wait3A_286 = tpu.memref_slice %arg6[%dma_wait3A_283, %dma_wait3A_284, %dma_wait3A_285] : memref<2x80x128xf32, #tpu.memory_space<vmem>> -> memref<1x80x128xf32, #tpu.memory_space<vmem>>
    %dma_wait3A_287 = tpu.memref_squeeze %dma_wait3A_286 : memref<1x80x128xf32, #tpu.memory_space<vmem>> -> memref<80x128xf32, #tpu.memory_space<vmem>>
    %dma_wait3A_288 = arith.constant 0 : i32
    %dma_wait3A_289 = tpu.memref_slice %arg5[%dma_wait3A_282, %dma_wait3A_288] : memref<20x80xi32, #tpu.memory_space<vmem>> -> memref<1x80xi32, #tpu.memory_space<vmem>>
    %dma_wait3A_290 = tpu.memref_squeeze %dma_wait3A_289 : memref<1x80xi32, #tpu.memory_space<vmem>> -> memref<80xi32, #tpu.memory_space<vmem>>
    %dma_wait3A_291 = arith.constant 0 : i32
    %dma_wait3A_292 = arith.constant 0 : i32
    %dma_wait3A_293 = tpu.memref_slice %arg2[%dma_wait3A_291, %dma_wait3A_292] : memref<100000x128xf32, #tpu.memory_space<hbm>> -> memref<100000x128xf32, #tpu.memory_space<hbm>>
    tpu.wait_indirect_dma semaphore(%arg7 : memref<!tpu.dma_semaphore, #tpu.memory_space<semaphore_mem>>) src(%dma_wait3A_293 : memref<100000x128xf32, #tpu.memory_space<hbm>>) dst(%dma_wait3A_287 : memref<80x128xf32, #tpu.memory_space<vmem>>)
    %dma_start3A_294 = arith.constant 11 : i32
    %dma_start3A_295 = arith.constant 1 : i32
    %dma_start3A_296 = arith.constant 0 : i32
    %dma_start3A_297 = arith.constant 0 : i32
    %dma_start3A_298 = tpu.memref_slice %arg6[%dma_start3A_295, %dma_start3A_296, %dma_start3A_297] : memref<2x80x128xf32, #tpu.memory_space<vmem>> -> memref<1x80x128xf32, #tpu.memory_space<vmem>>
    %dma_start3A_299 = tpu.memref_squeeze %dma_start3A_298 : memref<1x80x128xf32, #tpu.memory_space<vmem>> -> memref<80x128xf32, #tpu.memory_space<vmem>>
    %dma_start3A_300 = arith.constant 0 : i32
    %dma_start3A_301 = tpu.memref_slice %arg5[%dma_start3A_294, %dma_start3A_300] : memref<20x80xi32, #tpu.memory_space<vmem>> -> memref<1x80xi32, #tpu.memory_space<vmem>>
    %dma_start3A_302 = tpu.memref_squeeze %dma_start3A_301 : memref<1x80xi32, #tpu.memory_space<vmem>> -> memref<80xi32, #tpu.memory_space<vmem>>
    %dma_start3A_303 = arith.constant 0 : i32
    %dma_start3A_304 = arith.constant 0 : i32
    %dma_start3A_305 = tpu.memref_slice %arg2[%dma_start3A_303, %dma_start3A_304] : memref<100000x128xf32, #tpu.memory_space<hbm>> -> memref<100000x128xf32, #tpu.memory_space<hbm>>
    tpu.enqueue_indirect_dma source(%dma_start3A_305 : memref<100000x128xf32, #tpu.memory_space<hbm>>) target(%dma_start3A_299 : memref<80x128xf32, #tpu.memory_space<vmem>>) offsets(%dma_start3A_302 : memref<80xi32, #tpu.memory_space<vmem>>) semaphore(%arg8 : memref<!tpu.dma_semaphore, #tpu.memory_space<semaphore_mem>>)
    %add3A_306 = arith.constant 800 : i32
    %add3A_307 = arith.addi %mul3A_2, %add3A_306 : i32
    %run_scoped3A_308 = arith.constant 0 : i32
    "tpu.region"() ({
      %run_scoped3A_540 = tpu.sem_alloc : memref<!tpu.dma_semaphore, #tpu.memory_space<semaphore_mem>>
      %dma_start3A_541 = arith.constant 0 : i32
      %dma_start3A_542 = arith.constant 0 : i32
      %dma_start3A_543 = tpu.memref_slice %arg6[%run_scoped3A_308, %dma_start3A_541, %dma_start3A_542] : memref<2x80x128xf32, #tpu.memory_space<vmem>> -> memref<1x80x128xf32, #tpu.memory_space<vmem>>
      %dma_start3A_544 = tpu.memref_squeeze %dma_start3A_543 : memref<1x80x128xf32, #tpu.memory_space<vmem>> -> memref<80x128xf32, #tpu.memory_space<vmem>>
      %dma_start3A_545 = arith.constant 0 : i32
      %dma_start3A_546 = tpu.memref_slice %arg4[%add3A_307, %dma_start3A_545] : memref<51200x128xf32, #tpu.memory_space<hbm>> -> memref<80x128xf32, #tpu.memory_space<hbm>>
      %dma_start3A_547 = arith.constant 0 : i32
      %dma_start3A_548 = tpu.memref_slice %arg4[%add3A_307, %dma_start3A_547] : memref<51200x128xf32, #tpu.memory_space<hbm>> -> memref<80x128xf32, #tpu.memory_space<hbm>>
      %dma_start3A_549 = arith.constant 0 : i32
      %dma_start3A_550 = arith.constant 0 : i32
      %dma_start3A_551 = tpu.memref_slice %arg6[%run_scoped3A_308, %dma_start3A_549, %dma_start3A_550] : memref<2x80x128xf32, #tpu.memory_space<vmem>> -> memref<1x80x128xf32, #tpu.memory_space<vmem>>
      %dma_start3A_552 = tpu.memref_squeeze %dma_start3A_551 : memref<1x80x128xf32, #tpu.memory_space<vmem>> -> memref<80x128xf32, #tpu.memory_space<vmem>>
      tpu.enqueue_dma source(%dma_start3A_552 : memref<80x128xf32, #tpu.memory_space<vmem>>) target(%dma_start3A_548 : memref<80x128xf32, #tpu.memory_space<hbm>>) target_semaphore(%run_scoped3A_540 : memref<!tpu.dma_semaphore, #tpu.memory_space<semaphore_mem>>)
      %dma_wait3A_553 = arith.constant 0 : i32
      %dma_wait3A_554 = arith.constant 0 : i32
      %dma_wait3A_555 = tpu.memref_slice %arg6[%run_scoped3A_308, %dma_wait3A_553, %dma_wait3A_554] : memref<2x80x128xf32, #tpu.memory_space<vmem>> -> memref<1x80x128xf32, #tpu.memory_space<vmem>>
      %dma_wait3A_556 = tpu.memref_squeeze %dma_wait3A_555 : memref<1x80x128xf32, #tpu.memory_space<vmem>> -> memref<80x128xf32, #tpu.memory_space<vmem>>
      %dma_wait3A_557 = arith.constant 0 : i32
      %dma_wait3A_558 = tpu.memref_slice %arg4[%add3A_307, %dma_wait3A_557] : memref<51200x128xf32, #tpu.memory_space<hbm>> -> memref<80x128xf32, #tpu.memory_space<hbm>>
      %dma_wait3A_559 = arith.constant 0 : i32
      %dma_wait3A_560 = tpu.memref_slice %arg4[%add3A_307, %dma_wait3A_559] : memref<51200x128xf32, #tpu.memory_space<hbm>> -> memref<80x128xf32, #tpu.memory_space<hbm>>
      %dma_wait3A_561 = arith.constant 0 : i32
      %dma_wait3A_562 = arith.constant 0 : i32
      %dma_wait3A_563 = tpu.memref_slice %arg6[%run_scoped3A_308, %dma_wait3A_561, %dma_wait3A_562] : memref<2x80x128xf32, #tpu.memory_space<vmem>> -> memref<1x80x128xf32, #tpu.memory_space<vmem>>
      %dma_wait3A_564 = tpu.memref_squeeze %dma_wait3A_563 : memref<1x80x128xf32, #tpu.memory_space<vmem>> -> memref<80x128xf32, #tpu.memory_space<vmem>>
      tpu.wait_dma2 semaphore(%run_scoped3A_540 : memref<!tpu.dma_semaphore, #tpu.memory_space<semaphore_mem>>) src(%dma_wait3A_564 : memref<80x128xf32, #tpu.memory_space<vmem>>) dst(%dma_wait3A_560 : memref<80x128xf32, #tpu.memory_space<hbm>>)
      tpu.yield
    }) : () -> ()
    %dma_wait3A_309 = arith.constant 11 : i32
    %dma_wait3A_310 = arith.constant 1 : i32
    %dma_wait3A_311 = arith.constant 0 : i32
    %dma_wait3A_312 = arith.constant 0 : i32
    %dma_wait3A_313 = tpu.memref_slice %arg6[%dma_wait3A_310, %dma_wait3A_311, %dma_wait3A_312] : memref<2x80x128xf32, #tpu.memory_space<vmem>> -> memref<1x80x128xf32, #tpu.memory_space<vmem>>
    %dma_wait3A_314 = tpu.memref_squeeze %dma_wait3A_313 : memref<1x80x128xf32, #tpu.memory_space<vmem>> -> memref<80x128xf32, #tpu.memory_space<vmem>>
    %dma_wait3A_315 = arith.constant 0 : i32
    %dma_wait3A_316 = tpu.memref_slice %arg5[%dma_wait3A_309, %dma_wait3A_315] : memref<20x80xi32, #tpu.memory_space<vmem>> -> memref<1x80xi32, #tpu.memory_space<vmem>>
    %dma_wait3A_317 = tpu.memref_squeeze %dma_wait3A_316 : memref<1x80xi32, #tpu.memory_space<vmem>> -> memref<80xi32, #tpu.memory_space<vmem>>
    %dma_wait3A_318 = arith.constant 0 : i32
    %dma_wait3A_319 = arith.constant 0 : i32
    %dma_wait3A_320 = tpu.memref_slice %arg2[%dma_wait3A_318, %dma_wait3A_319] : memref<100000x128xf32, #tpu.memory_space<hbm>> -> memref<100000x128xf32, #tpu.memory_space<hbm>>
    tpu.wait_indirect_dma semaphore(%arg8 : memref<!tpu.dma_semaphore, #tpu.memory_space<semaphore_mem>>) src(%dma_wait3A_320 : memref<100000x128xf32, #tpu.memory_space<hbm>>) dst(%dma_wait3A_314 : memref<80x128xf32, #tpu.memory_space<vmem>>)
    %dma_start3A_321 = arith.constant 12 : i32
    %dma_start3A_322 = arith.constant 0 : i32
    %dma_start3A_323 = arith.constant 0 : i32
    %dma_start3A_324 = arith.constant 0 : i32
    %dma_start3A_325 = tpu.memref_slice %arg6[%dma_start3A_322, %dma_start3A_323, %dma_start3A_324] : memref<2x80x128xf32, #tpu.memory_space<vmem>> -> memref<1x80x128xf32, #tpu.memory_space<vmem>>
    %dma_start3A_326 = tpu.memref_squeeze %dma_start3A_325 : memref<1x80x128xf32, #tpu.memory_space<vmem>> -> memref<80x128xf32, #tpu.memory_space<vmem>>
    %dma_start3A_327 = arith.constant 0 : i32
    %dma_start3A_328 = tpu.memref_slice %arg5[%dma_start3A_321, %dma_start3A_327] : memref<20x80xi32, #tpu.memory_space<vmem>> -> memref<1x80xi32, #tpu.memory_space<vmem>>
    %dma_start3A_329 = tpu.memref_squeeze %dma_start3A_328 : memref<1x80xi32, #tpu.memory_space<vmem>> -> memref<80xi32, #tpu.memory_space<vmem>>
    %dma_start3A_330 = arith.constant 0 : i32
    %dma_start3A_331 = arith.constant 0 : i32
    %dma_start3A_332 = tpu.memref_slice %arg2[%dma_start3A_330, %dma_start3A_331] : memref<100000x128xf32, #tpu.memory_space<hbm>> -> memref<100000x128xf32, #tpu.memory_space<hbm>>
    tpu.enqueue_indirect_dma source(%dma_start3A_332 : memref<100000x128xf32, #tpu.memory_space<hbm>>) target(%dma_start3A_326 : memref<80x128xf32, #tpu.memory_space<vmem>>) offsets(%dma_start3A_329 : memref<80xi32, #tpu.memory_space<vmem>>) semaphore(%arg7 : memref<!tpu.dma_semaphore, #tpu.memory_space<semaphore_mem>>)
    %add3A_333 = arith.constant 880 : i32
    %add3A_334 = arith.addi %mul3A_2, %add3A_333 : i32
    %run_scoped3A_335 = arith.constant 1 : i32
    "tpu.region"() ({
      %run_scoped3A_540 = tpu.sem_alloc : memref<!tpu.dma_semaphore, #tpu.memory_space<semaphore_mem>>
      %dma_start3A_541 = arith.constant 0 : i32
      %dma_start3A_542 = arith.constant 0 : i32
      %dma_start3A_543 = tpu.memref_slice %arg6[%run_scoped3A_335, %dma_start3A_541, %dma_start3A_542] : memref<2x80x128xf32, #tpu.memory_space<vmem>> -> memref<1x80x128xf32, #tpu.memory_space<vmem>>
      %dma_start3A_544 = tpu.memref_squeeze %dma_start3A_543 : memref<1x80x128xf32, #tpu.memory_space<vmem>> -> memref<80x128xf32, #tpu.memory_space<vmem>>
      %dma_start3A_545 = arith.constant 0 : i32
      %dma_start3A_546 = tpu.memref_slice %arg4[%add3A_334, %dma_start3A_545] : memref<51200x128xf32, #tpu.memory_space<hbm>> -> memref<80x128xf32, #tpu.memory_space<hbm>>
      %dma_start3A_547 = arith.constant 0 : i32
      %dma_start3A_548 = tpu.memref_slice %arg4[%add3A_334, %dma_start3A_547] : memref<51200x128xf32, #tpu.memory_space<hbm>> -> memref<80x128xf32, #tpu.memory_space<hbm>>
      %dma_start3A_549 = arith.constant 0 : i32
      %dma_start3A_550 = arith.constant 0 : i32
      %dma_start3A_551 = tpu.memref_slice %arg6[%run_scoped3A_335, %dma_start3A_549, %dma_start3A_550] : memref<2x80x128xf32, #tpu.memory_space<vmem>> -> memref<1x80x128xf32, #tpu.memory_space<vmem>>
      %dma_start3A_552 = tpu.memref_squeeze %dma_start3A_551 : memref<1x80x128xf32, #tpu.memory_space<vmem>> -> memref<80x128xf32, #tpu.memory_space<vmem>>
      tpu.enqueue_dma source(%dma_start3A_552 : memref<80x128xf32, #tpu.memory_space<vmem>>) target(%dma_start3A_548 : memref<80x128xf32, #tpu.memory_space<hbm>>) target_semaphore(%run_scoped3A_540 : memref<!tpu.dma_semaphore, #tpu.memory_space<semaphore_mem>>)
      %dma_wait3A_553 = arith.constant 0 : i32
      %dma_wait3A_554 = arith.constant 0 : i32
      %dma_wait3A_555 = tpu.memref_slice %arg6[%run_scoped3A_335, %dma_wait3A_553, %dma_wait3A_554] : memref<2x80x128xf32, #tpu.memory_space<vmem>> -> memref<1x80x128xf32, #tpu.memory_space<vmem>>
      %dma_wait3A_556 = tpu.memref_squeeze %dma_wait3A_555 : memref<1x80x128xf32, #tpu.memory_space<vmem>> -> memref<80x128xf32, #tpu.memory_space<vmem>>
      %dma_wait3A_557 = arith.constant 0 : i32
      %dma_wait3A_558 = tpu.memref_slice %arg4[%add3A_334, %dma_wait3A_557] : memref<51200x128xf32, #tpu.memory_space<hbm>> -> memref<80x128xf32, #tpu.memory_space<hbm>>
      %dma_wait3A_559 = arith.constant 0 : i32
      %dma_wait3A_560 = tpu.memref_slice %arg4[%add3A_334, %dma_wait3A_559] : memref<51200x128xf32, #tpu.memory_space<hbm>> -> memref<80x128xf32, #tpu.memory_space<hbm>>
      %dma_wait3A_561 = arith.constant 0 : i32
      %dma_wait3A_562 = arith.constant 0 : i32
      %dma_wait3A_563 = tpu.memref_slice %arg6[%run_scoped3A_335, %dma_wait3A_561, %dma_wait3A_562] : memref<2x80x128xf32, #tpu.memory_space<vmem>> -> memref<1x80x128xf32, #tpu.memory_space<vmem>>
      %dma_wait3A_564 = tpu.memref_squeeze %dma_wait3A_563 : memref<1x80x128xf32, #tpu.memory_space<vmem>> -> memref<80x128xf32, #tpu.memory_space<vmem>>
      tpu.wait_dma2 semaphore(%run_scoped3A_540 : memref<!tpu.dma_semaphore, #tpu.memory_space<semaphore_mem>>) src(%dma_wait3A_564 : memref<80x128xf32, #tpu.memory_space<vmem>>) dst(%dma_wait3A_560 : memref<80x128xf32, #tpu.memory_space<hbm>>)
      tpu.yield
    }) : () -> ()
    %dma_wait3A_336 = arith.constant 12 : i32
    %dma_wait3A_337 = arith.constant 0 : i32
    %dma_wait3A_338 = arith.constant 0 : i32
    %dma_wait3A_339 = arith.constant 0 : i32
    %dma_wait3A_340 = tpu.memref_slice %arg6[%dma_wait3A_337, %dma_wait3A_338, %dma_wait3A_339] : memref<2x80x128xf32, #tpu.memory_space<vmem>> -> memref<1x80x128xf32, #tpu.memory_space<vmem>>
    %dma_wait3A_341 = tpu.memref_squeeze %dma_wait3A_340 : memref<1x80x128xf32, #tpu.memory_space<vmem>> -> memref<80x128xf32, #tpu.memory_space<vmem>>
    %dma_wait3A_342 = arith.constant 0 : i32
    %dma_wait3A_343 = tpu.memref_slice %arg5[%dma_wait3A_336, %dma_wait3A_342] : memref<20x80xi32, #tpu.memory_space<vmem>> -> memref<1x80xi32, #tpu.memory_space<vmem>>
    %dma_wait3A_344 = tpu.memref_squeeze %dma_wait3A_343 : memref<1x80xi32, #tpu.memory_space<vmem>> -> memref<80xi32, #tpu.memory_space<vmem>>
    %dma_wait3A_345 = arith.constant 0 : i32
    %dma_wait3A_346 = arith.constant 0 : i32
    %dma_wait3A_347 = tpu.memref_slice %arg2[%dma_wait3A_345, %dma_wait3A_346] : memref<100000x128xf32, #tpu.memory_space<hbm>> -> memref<100000x128xf32, #tpu.memory_space<hbm>>
    tpu.wait_indirect_dma semaphore(%arg7 : memref<!tpu.dma_semaphore, #tpu.memory_space<semaphore_mem>>) src(%dma_wait3A_347 : memref<100000x128xf32, #tpu.memory_space<hbm>>) dst(%dma_wait3A_341 : memref<80x128xf32, #tpu.memory_space<vmem>>)
    %dma_start3A_348 = arith.constant 13 : i32
    %dma_start3A_349 = arith.constant 1 : i32
    %dma_start3A_350 = arith.constant 0 : i32
    %dma_start3A_351 = arith.constant 0 : i32
    %dma_start3A_352 = tpu.memref_slice %arg6[%dma_start3A_349, %dma_start3A_350, %dma_start3A_351] : memref<2x80x128xf32, #tpu.memory_space<vmem>> -> memref<1x80x128xf32, #tpu.memory_space<vmem>>
    %dma_start3A_353 = tpu.memref_squeeze %dma_start3A_352 : memref<1x80x128xf32, #tpu.memory_space<vmem>> -> memref<80x128xf32, #tpu.memory_space<vmem>>
    %dma_start3A_354 = arith.constant 0 : i32
    %dma_start3A_355 = tpu.memref_slice %arg5[%dma_start3A_348, %dma_start3A_354] : memref<20x80xi32, #tpu.memory_space<vmem>> -> memref<1x80xi32, #tpu.memory_space<vmem>>
    %dma_start3A_356 = tpu.memref_squeeze %dma_start3A_355 : memref<1x80xi32, #tpu.memory_space<vmem>> -> memref<80xi32, #tpu.memory_space<vmem>>
    %dma_start3A_357 = arith.constant 0 : i32
    %dma_start3A_358 = arith.constant 0 : i32
    %dma_start3A_359 = tpu.memref_slice %arg2[%dma_start3A_357, %dma_start3A_358] : memref<100000x128xf32, #tpu.memory_space<hbm>> -> memref<100000x128xf32, #tpu.memory_space<hbm>>
    tpu.enqueue_indirect_dma source(%dma_start3A_359 : memref<100000x128xf32, #tpu.memory_space<hbm>>) target(%dma_start3A_353 : memref<80x128xf32, #tpu.memory_space<vmem>>) offsets(%dma_start3A_356 : memref<80xi32, #tpu.memory_space<vmem>>) semaphore(%arg8 : memref<!tpu.dma_semaphore, #tpu.memory_space<semaphore_mem>>)
    %add3A_360 = arith.constant 960 : i32
    %add3A_361 = arith.addi %mul3A_2, %add3A_360 : i32
    %run_scoped3A_362 = arith.constant 0 : i32
    "tpu.region"() ({
      %run_scoped3A_540 = tpu.sem_alloc : memref<!tpu.dma_semaphore, #tpu.memory_space<semaphore_mem>>
      %dma_start3A_541 = arith.constant 0 : i32
      %dma_start3A_542 = arith.constant 0 : i32
      %dma_start3A_543 = tpu.memref_slice %arg6[%run_scoped3A_362, %dma_start3A_541, %dma_start3A_542] : memref<2x80x128xf32, #tpu.memory_space<vmem>> -> memref<1x80x128xf32, #tpu.memory_space<vmem>>
      %dma_start3A_544 = tpu.memref_squeeze %dma_start3A_543 : memref<1x80x128xf32, #tpu.memory_space<vmem>> -> memref<80x128xf32, #tpu.memory_space<vmem>>
      %dma_start3A_545 = arith.constant 0 : i32
      %dma_start3A_546 = tpu.memref_slice %arg4[%add3A_361, %dma_start3A_545] : memref<51200x128xf32, #tpu.memory_space<hbm>> -> memref<80x128xf32, #tpu.memory_space<hbm>>
      %dma_start3A_547 = arith.constant 0 : i32
      %dma_start3A_548 = tpu.memref_slice %arg4[%add3A_361, %dma_start3A_547] : memref<51200x128xf32, #tpu.memory_space<hbm>> -> memref<80x128xf32, #tpu.memory_space<hbm>>
      %dma_start3A_549 = arith.constant 0 : i32
      %dma_start3A_550 = arith.constant 0 : i32
      %dma_start3A_551 = tpu.memref_slice %arg6[%run_scoped3A_362, %dma_start3A_549, %dma_start3A_550] : memref<2x80x128xf32, #tpu.memory_space<vmem>> -> memref<1x80x128xf32, #tpu.memory_space<vmem>>
      %dma_start3A_552 = tpu.memref_squeeze %dma_start3A_551 : memref<1x80x128xf32, #tpu.memory_space<vmem>> -> memref<80x128xf32, #tpu.memory_space<vmem>>
      tpu.enqueue_dma source(%dma_start3A_552 : memref<80x128xf32, #tpu.memory_space<vmem>>) target(%dma_start3A_548 : memref<80x128xf32, #tpu.memory_space<hbm>>) target_semaphore(%run_scoped3A_540 : memref<!tpu.dma_semaphore, #tpu.memory_space<semaphore_mem>>)
      %dma_wait3A_553 = arith.constant 0 : i32
      %dma_wait3A_554 = arith.constant 0 : i32
      %dma_wait3A_555 = tpu.memref_slice %arg6[%run_scoped3A_362, %dma_wait3A_553, %dma_wait3A_554] : memref<2x80x128xf32, #tpu.memory_space<vmem>> -> memref<1x80x128xf32, #tpu.memory_space<vmem>>
      %dma_wait3A_556 = tpu.memref_squeeze %dma_wait3A_555 : memref<1x80x128xf32, #tpu.memory_space<vmem>> -> memref<80x128xf32, #tpu.memory_space<vmem>>
      %dma_wait3A_557 = arith.constant 0 : i32
      %dma_wait3A_558 = tpu.memref_slice %arg4[%add3A_361, %dma_wait3A_557] : memref<51200x128xf32, #tpu.memory_space<hbm>> -> memref<80x128xf32, #tpu.memory_space<hbm>>
      %dma_wait3A_559 = arith.constant 0 : i32
      %dma_wait3A_560 = tpu.memref_slice %arg4[%add3A_361, %dma_wait3A_559] : memref<51200x128xf32, #tpu.memory_space<hbm>> -> memref<80x128xf32, #tpu.memory_space<hbm>>
      %dma_wait3A_561 = arith.constant 0 : i32
      %dma_wait3A_562 = arith.constant 0 : i32
      %dma_wait3A_563 = tpu.memref_slice %arg6[%run_scoped3A_362, %dma_wait3A_561, %dma_wait3A_562] : memref<2x80x128xf32, #tpu.memory_space<vmem>> -> memref<1x80x128xf32, #tpu.memory_space<vmem>>
      %dma_wait3A_564 = tpu.memref_squeeze %dma_wait3A_563 : memref<1x80x128xf32, #tpu.memory_space<vmem>> -> memref<80x128xf32, #tpu.memory_space<vmem>>
      tpu.wait_dma2 semaphore(%run_scoped3A_540 : memref<!tpu.dma_semaphore, #tpu.memory_space<semaphore_mem>>) src(%dma_wait3A_564 : memref<80x128xf32, #tpu.memory_space<vmem>>) dst(%dma_wait3A_560 : memref<80x128xf32, #tpu.memory_space<hbm>>)
      tpu.yield
    }) : () -> ()
    %dma_wait3A_363 = arith.constant 13 : i32
    %dma_wait3A_364 = arith.constant 1 : i32
    %dma_wait3A_365 = arith.constant 0 : i32
    %dma_wait3A_366 = arith.constant 0 : i32
    %dma_wait3A_367 = tpu.memref_slice %arg6[%dma_wait3A_364, %dma_wait3A_365, %dma_wait3A_366] : memref<2x80x128xf32, #tpu.memory_space<vmem>> -> memref<1x80x128xf32, #tpu.memory_space<vmem>>
    %dma_wait3A_368 = tpu.memref_squeeze %dma_wait3A_367 : memref<1x80x128xf32, #tpu.memory_space<vmem>> -> memref<80x128xf32, #tpu.memory_space<vmem>>
    %dma_wait3A_369 = arith.constant 0 : i32
    %dma_wait3A_370 = tpu.memref_slice %arg5[%dma_wait3A_363, %dma_wait3A_369] : memref<20x80xi32, #tpu.memory_space<vmem>> -> memref<1x80xi32, #tpu.memory_space<vmem>>
    %dma_wait3A_371 = tpu.memref_squeeze %dma_wait3A_370 : memref<1x80xi32, #tpu.memory_space<vmem>> -> memref<80xi32, #tpu.memory_space<vmem>>
    %dma_wait3A_372 = arith.constant 0 : i32
    %dma_wait3A_373 = arith.constant 0 : i32
    %dma_wait3A_374 = tpu.memref_slice %arg2[%dma_wait3A_372, %dma_wait3A_373] : memref<100000x128xf32, #tpu.memory_space<hbm>> -> memref<100000x128xf32, #tpu.memory_space<hbm>>
    tpu.wait_indirect_dma semaphore(%arg8 : memref<!tpu.dma_semaphore, #tpu.memory_space<semaphore_mem>>) src(%dma_wait3A_374 : memref<100000x128xf32, #tpu.memory_space<hbm>>) dst(%dma_wait3A_368 : memref<80x128xf32, #tpu.memory_space<vmem>>)
    %dma_start3A_375 = arith.constant 14 : i32
    %dma_start3A_376 = arith.constant 0 : i32
    %dma_start3A_377 = arith.constant 0 : i32
    %dma_start3A_378 = arith.constant 0 : i32
    %dma_start3A_379 = tpu.memref_slice %arg6[%dma_start3A_376, %dma_start3A_377, %dma_start3A_378] : memref<2x80x128xf32, #tpu.memory_space<vmem>> -> memref<1x80x128xf32, #tpu.memory_space<vmem>>
    %dma_start3A_380 = tpu.memref_squeeze %dma_start3A_379 : memref<1x80x128xf32, #tpu.memory_space<vmem>> -> memref<80x128xf32, #tpu.memory_space<vmem>>
    %dma_start3A_381 = arith.constant 0 : i32
    %dma_start3A_382 = tpu.memref_slice %arg5[%dma_start3A_375, %dma_start3A_381] : memref<20x80xi32, #tpu.memory_space<vmem>> -> memref<1x80xi32, #tpu.memory_space<vmem>>
    %dma_start3A_383 = tpu.memref_squeeze %dma_start3A_382 : memref<1x80xi32, #tpu.memory_space<vmem>> -> memref<80xi32, #tpu.memory_space<vmem>>
    %dma_start3A_384 = arith.constant 0 : i32
    %dma_start3A_385 = arith.constant 0 : i32
    %dma_start3A_386 = tpu.memref_slice %arg2[%dma_start3A_384, %dma_start3A_385] : memref<100000x128xf32, #tpu.memory_space<hbm>> -> memref<100000x128xf32, #tpu.memory_space<hbm>>
    tpu.enqueue_indirect_dma source(%dma_start3A_386 : memref<100000x128xf32, #tpu.memory_space<hbm>>) target(%dma_start3A_380 : memref<80x128xf32, #tpu.memory_space<vmem>>) offsets(%dma_start3A_383 : memref<80xi32, #tpu.memory_space<vmem>>) semaphore(%arg7 : memref<!tpu.dma_semaphore, #tpu.memory_space<semaphore_mem>>)
    %add3A_387 = arith.constant 1040 : i32
    %add3A_388 = arith.addi %mul3A_2, %add3A_387 : i32
    %run_scoped3A_389 = arith.constant 1 : i32
    "tpu.region"() ({
      %run_scoped3A_540 = tpu.sem_alloc : memref<!tpu.dma_semaphore, #tpu.memory_space<semaphore_mem>>
      %dma_start3A_541 = arith.constant 0 : i32
      %dma_start3A_542 = arith.constant 0 : i32
      %dma_start3A_543 = tpu.memref_slice %arg6[%run_scoped3A_389, %dma_start3A_541, %dma_start3A_542] : memref<2x80x128xf32, #tpu.memory_space<vmem>> -> memref<1x80x128xf32, #tpu.memory_space<vmem>>
      %dma_start3A_544 = tpu.memref_squeeze %dma_start3A_543 : memref<1x80x128xf32, #tpu.memory_space<vmem>> -> memref<80x128xf32, #tpu.memory_space<vmem>>
      %dma_start3A_545 = arith.constant 0 : i32
      %dma_start3A_546 = tpu.memref_slice %arg4[%add3A_388, %dma_start3A_545] : memref<51200x128xf32, #tpu.memory_space<hbm>> -> memref<80x128xf32, #tpu.memory_space<hbm>>
      %dma_start3A_547 = arith.constant 0 : i32
      %dma_start3A_548 = tpu.memref_slice %arg4[%add3A_388, %dma_start3A_547] : memref<51200x128xf32, #tpu.memory_space<hbm>> -> memref<80x128xf32, #tpu.memory_space<hbm>>
      %dma_start3A_549 = arith.constant 0 : i32
      %dma_start3A_550 = arith.constant 0 : i32
      %dma_start3A_551 = tpu.memref_slice %arg6[%run_scoped3A_389, %dma_start3A_549, %dma_start3A_550] : memref<2x80x128xf32, #tpu.memory_space<vmem>> -> memref<1x80x128xf32, #tpu.memory_space<vmem>>
      %dma_start3A_552 = tpu.memref_squeeze %dma_start3A_551 : memref<1x80x128xf32, #tpu.memory_space<vmem>> -> memref<80x128xf32, #tpu.memory_space<vmem>>
      tpu.enqueue_dma source(%dma_start3A_552 : memref<80x128xf32, #tpu.memory_space<vmem>>) target(%dma_start3A_548 : memref<80x128xf32, #tpu.memory_space<hbm>>) target_semaphore(%run_scoped3A_540 : memref<!tpu.dma_semaphore, #tpu.memory_space<semaphore_mem>>)
      %dma_wait3A_553 = arith.constant 0 : i32
      %dma_wait3A_554 = arith.constant 0 : i32
      %dma_wait3A_555 = tpu.memref_slice %arg6[%run_scoped3A_389, %dma_wait3A_553, %dma_wait3A_554] : memref<2x80x128xf32, #tpu.memory_space<vmem>> -> memref<1x80x128xf32, #tpu.memory_space<vmem>>
      %dma_wait3A_556 = tpu.memref_squeeze %dma_wait3A_555 : memref<1x80x128xf32, #tpu.memory_space<vmem>> -> memref<80x128xf32, #tpu.memory_space<vmem>>
      %dma_wait3A_557 = arith.constant 0 : i32
      %dma_wait3A_558 = tpu.memref_slice %arg4[%add3A_388, %dma_wait3A_557] : memref<51200x128xf32, #tpu.memory_space<hbm>> -> memref<80x128xf32, #tpu.memory_space<hbm>>
      %dma_wait3A_559 = arith.constant 0 : i32
      %dma_wait3A_560 = tpu.memref_slice %arg4[%add3A_388, %dma_wait3A_559] : memref<51200x128xf32, #tpu.memory_space<hbm>> -> memref<80x128xf32, #tpu.memory_space<hbm>>
      %dma_wait3A_561 = arith.constant 0 : i32
      %dma_wait3A_562 = arith.constant 0 : i32
      %dma_wait3A_563 = tpu.memref_slice %arg6[%run_scoped3A_389, %dma_wait3A_561, %dma_wait3A_562] : memref<2x80x128xf32, #tpu.memory_space<vmem>> -> memref<1x80x128xf32, #tpu.memory_space<vmem>>
      %dma_wait3A_564 = tpu.memref_squeeze %dma_wait3A_563 : memref<1x80x128xf32, #tpu.memory_space<vmem>> -> memref<80x128xf32, #tpu.memory_space<vmem>>
      tpu.wait_dma2 semaphore(%run_scoped3A_540 : memref<!tpu.dma_semaphore, #tpu.memory_space<semaphore_mem>>) src(%dma_wait3A_564 : memref<80x128xf32, #tpu.memory_space<vmem>>) dst(%dma_wait3A_560 : memref<80x128xf32, #tpu.memory_space<hbm>>)
      tpu.yield
    }) : () -> ()
    %dma_wait3A_390 = arith.constant 14 : i32
    %dma_wait3A_391 = arith.constant 0 : i32
    %dma_wait3A_392 = arith.constant 0 : i32
    %dma_wait3A_393 = arith.constant 0 : i32
    %dma_wait3A_394 = tpu.memref_slice %arg6[%dma_wait3A_391, %dma_wait3A_392, %dma_wait3A_393] : memref<2x80x128xf32, #tpu.memory_space<vmem>> -> memref<1x80x128xf32, #tpu.memory_space<vmem>>
    %dma_wait3A_395 = tpu.memref_squeeze %dma_wait3A_394 : memref<1x80x128xf32, #tpu.memory_space<vmem>> -> memref<80x128xf32, #tpu.memory_space<vmem>>
    %dma_wait3A_396 = arith.constant 0 : i32
    %dma_wait3A_397 = tpu.memref_slice %arg5[%dma_wait3A_390, %dma_wait3A_396] : memref<20x80xi32, #tpu.memory_space<vmem>> -> memref<1x80xi32, #tpu.memory_space<vmem>>
    %dma_wait3A_398 = tpu.memref_squeeze %dma_wait3A_397 : memref<1x80xi32, #tpu.memory_space<vmem>> -> memref<80xi32, #tpu.memory_space<vmem>>
    %dma_wait3A_399 = arith.constant 0 : i32
    %dma_wait3A_400 = arith.constant 0 : i32
    %dma_wait3A_401 = tpu.memref_slice %arg2[%dma_wait3A_399, %dma_wait3A_400] : memref<100000x128xf32, #tpu.memory_space<hbm>> -> memref<100000x128xf32, #tpu.memory_space<hbm>>
    tpu.wait_indirect_dma semaphore(%arg7 : memref<!tpu.dma_semaphore, #tpu.memory_space<semaphore_mem>>) src(%dma_wait3A_401 : memref<100000x128xf32, #tpu.memory_space<hbm>>) dst(%dma_wait3A_395 : memref<80x128xf32, #tpu.memory_space<vmem>>)
    %dma_start3A_402 = arith.constant 15 : i32
    %dma_start3A_403 = arith.constant 1 : i32
    %dma_start3A_404 = arith.constant 0 : i32
    %dma_start3A_405 = arith.constant 0 : i32
    %dma_start3A_406 = tpu.memref_slice %arg6[%dma_start3A_403, %dma_start3A_404, %dma_start3A_405] : memref<2x80x128xf32, #tpu.memory_space<vmem>> -> memref<1x80x128xf32, #tpu.memory_space<vmem>>
    %dma_start3A_407 = tpu.memref_squeeze %dma_start3A_406 : memref<1x80x128xf32, #tpu.memory_space<vmem>> -> memref<80x128xf32, #tpu.memory_space<vmem>>
    %dma_start3A_408 = arith.constant 0 : i32
    %dma_start3A_409 = tpu.memref_slice %arg5[%dma_start3A_402, %dma_start3A_408] : memref<20x80xi32, #tpu.memory_space<vmem>> -> memref<1x80xi32, #tpu.memory_space<vmem>>
    %dma_start3A_410 = tpu.memref_squeeze %dma_start3A_409 : memref<1x80xi32, #tpu.memory_space<vmem>> -> memref<80xi32, #tpu.memory_space<vmem>>
    %dma_start3A_411 = arith.constant 0 : i32
    %dma_start3A_412 = arith.constant 0 : i32
    %dma_start3A_413 = tpu.memref_slice %arg2[%dma_start3A_411, %dma_start3A_412] : memref<100000x128xf32, #tpu.memory_space<hbm>> -> memref<100000x128xf32, #tpu.memory_space<hbm>>
    tpu.enqueue_indirect_dma source(%dma_start3A_413 : memref<100000x128xf32, #tpu.memory_space<hbm>>) target(%dma_start3A_407 : memref<80x128xf32, #tpu.memory_space<vmem>>) offsets(%dma_start3A_410 : memref<80xi32, #tpu.memory_space<vmem>>) semaphore(%arg8 : memref<!tpu.dma_semaphore, #tpu.memory_space<semaphore_mem>>)
    %add3A_414 = arith.constant 1120 : i32
    %add3A_415 = arith.addi %mul3A_2, %add3A_414 : i32
    %run_scoped3A_416 = arith.constant 0 : i32
    "tpu.region"() ({
      %run_scoped3A_540 = tpu.sem_alloc : memref<!tpu.dma_semaphore, #tpu.memory_space<semaphore_mem>>
      %dma_start3A_541 = arith.constant 0 : i32
      %dma_start3A_542 = arith.constant 0 : i32
      %dma_start3A_543 = tpu.memref_slice %arg6[%run_scoped3A_416, %dma_start3A_541, %dma_start3A_542] : memref<2x80x128xf32, #tpu.memory_space<vmem>> -> memref<1x80x128xf32, #tpu.memory_space<vmem>>
      %dma_start3A_544 = tpu.memref_squeeze %dma_start3A_543 : memref<1x80x128xf32, #tpu.memory_space<vmem>> -> memref<80x128xf32, #tpu.memory_space<vmem>>
      %dma_start3A_545 = arith.constant 0 : i32
      %dma_start3A_546 = tpu.memref_slice %arg4[%add3A_415, %dma_start3A_545] : memref<51200x128xf32, #tpu.memory_space<hbm>> -> memref<80x128xf32, #tpu.memory_space<hbm>>
      %dma_start3A_547 = arith.constant 0 : i32
      %dma_start3A_548 = tpu.memref_slice %arg4[%add3A_415, %dma_start3A_547] : memref<51200x128xf32, #tpu.memory_space<hbm>> -> memref<80x128xf32, #tpu.memory_space<hbm>>
      %dma_start3A_549 = arith.constant 0 : i32
      %dma_start3A_550 = arith.constant 0 : i32
      %dma_start3A_551 = tpu.memref_slice %arg6[%run_scoped3A_416, %dma_start3A_549, %dma_start3A_550] : memref<2x80x128xf32, #tpu.memory_space<vmem>> -> memref<1x80x128xf32, #tpu.memory_space<vmem>>
      %dma_start3A_552 = tpu.memref_squeeze %dma_start3A_551 : memref<1x80x128xf32, #tpu.memory_space<vmem>> -> memref<80x128xf32, #tpu.memory_space<vmem>>
      tpu.enqueue_dma source(%dma_start3A_552 : memref<80x128xf32, #tpu.memory_space<vmem>>) target(%dma_start3A_548 : memref<80x128xf32, #tpu.memory_space<hbm>>) target_semaphore(%run_scoped3A_540 : memref<!tpu.dma_semaphore, #tpu.memory_space<semaphore_mem>>)
      %dma_wait3A_553 = arith.constant 0 : i32
      %dma_wait3A_554 = arith.constant 0 : i32
      %dma_wait3A_555 = tpu.memref_slice %arg6[%run_scoped3A_416, %dma_wait3A_553, %dma_wait3A_554] : memref<2x80x128xf32, #tpu.memory_space<vmem>> -> memref<1x80x128xf32, #tpu.memory_space<vmem>>
      %dma_wait3A_556 = tpu.memref_squeeze %dma_wait3A_555 : memref<1x80x128xf32, #tpu.memory_space<vmem>> -> memref<80x128xf32, #tpu.memory_space<vmem>>
      %dma_wait3A_557 = arith.constant 0 : i32
      %dma_wait3A_558 = tpu.memref_slice %arg4[%add3A_415, %dma_wait3A_557] : memref<51200x128xf32, #tpu.memory_space<hbm>> -> memref<80x128xf32, #tpu.memory_space<hbm>>
      %dma_wait3A_559 = arith.constant 0 : i32
      %dma_wait3A_560 = tpu.memref_slice %arg4[%add3A_415, %dma_wait3A_559] : memref<51200x128xf32, #tpu.memory_space<hbm>> -> memref<80x128xf32, #tpu.memory_space<hbm>>
      %dma_wait3A_561 = arith.constant 0 : i32
      %dma_wait3A_562 = arith.constant 0 : i32
      %dma_wait3A_563 = tpu.memref_slice %arg6[%run_scoped3A_416, %dma_wait3A_561, %dma_wait3A_562] : memref<2x80x128xf32, #tpu.memory_space<vmem>> -> memref<1x80x128xf32, #tpu.memory_space<vmem>>
      %dma_wait3A_564 = tpu.memref_squeeze %dma_wait3A_563 : memref<1x80x128xf32, #tpu.memory_space<vmem>> -> memref<80x128xf32, #tpu.memory_space<vmem>>
      tpu.wait_dma2 semaphore(%run_scoped3A_540 : memref<!tpu.dma_semaphore, #tpu.memory_space<semaphore_mem>>) src(%dma_wait3A_564 : memref<80x128xf32, #tpu.memory_space<vmem>>) dst(%dma_wait3A_560 : memref<80x128xf32, #tpu.memory_space<hbm>>)
      tpu.yield
    }) : () -> ()
    %dma_wait3A_417 = arith.constant 15 : i32
    %dma_wait3A_418 = arith.constant 1 : i32
    %dma_wait3A_419 = arith.constant 0 : i32
    %dma_wait3A_420 = arith.constant 0 : i32
    %dma_wait3A_421 = tpu.memref_slice %arg6[%dma_wait3A_418, %dma_wait3A_419, %dma_wait3A_420] : memref<2x80x128xf32, #tpu.memory_space<vmem>> -> memref<1x80x128xf32, #tpu.memory_space<vmem>>
    %dma_wait3A_422 = tpu.memref_squeeze %dma_wait3A_421 : memref<1x80x128xf32, #tpu.memory_space<vmem>> -> memref<80x128xf32, #tpu.memory_space<vmem>>
    %dma_wait3A_423 = arith.constant 0 : i32
    %dma_wait3A_424 = tpu.memref_slice %arg5[%dma_wait3A_417, %dma_wait3A_423] : memref<20x80xi32, #tpu.memory_space<vmem>> -> memref<1x80xi32, #tpu.memory_space<vmem>>
    %dma_wait3A_425 = tpu.memref_squeeze %dma_wait3A_424 : memref<1x80xi32, #tpu.memory_space<vmem>> -> memref<80xi32, #tpu.memory_space<vmem>>
    %dma_wait3A_426 = arith.constant 0 : i32
    %dma_wait3A_427 = arith.constant 0 : i32
    %dma_wait3A_428 = tpu.memref_slice %arg2[%dma_wait3A_426, %dma_wait3A_427] : memref<100000x128xf32, #tpu.memory_space<hbm>> -> memref<100000x128xf32, #tpu.memory_space<hbm>>
    tpu.wait_indirect_dma semaphore(%arg8 : memref<!tpu.dma_semaphore, #tpu.memory_space<semaphore_mem>>) src(%dma_wait3A_428 : memref<100000x128xf32, #tpu.memory_space<hbm>>) dst(%dma_wait3A_422 : memref<80x128xf32, #tpu.memory_space<vmem>>)
    %dma_start3A_429 = arith.constant 16 : i32
    %dma_start3A_430 = arith.constant 0 : i32
    %dma_start3A_431 = arith.constant 0 : i32
    %dma_start3A_432 = arith.constant 0 : i32
    %dma_start3A_433 = tpu.memref_slice %arg6[%dma_start3A_430, %dma_start3A_431, %dma_start3A_432] : memref<2x80x128xf32, #tpu.memory_space<vmem>> -> memref<1x80x128xf32, #tpu.memory_space<vmem>>
    %dma_start3A_434 = tpu.memref_squeeze %dma_start3A_433 : memref<1x80x128xf32, #tpu.memory_space<vmem>> -> memref<80x128xf32, #tpu.memory_space<vmem>>
    %dma_start3A_435 = arith.constant 0 : i32
    %dma_start3A_436 = tpu.memref_slice %arg5[%dma_start3A_429, %dma_start3A_435] : memref<20x80xi32, #tpu.memory_space<vmem>> -> memref<1x80xi32, #tpu.memory_space<vmem>>
    %dma_start3A_437 = tpu.memref_squeeze %dma_start3A_436 : memref<1x80xi32, #tpu.memory_space<vmem>> -> memref<80xi32, #tpu.memory_space<vmem>>
    %dma_start3A_438 = arith.constant 0 : i32
    %dma_start3A_439 = arith.constant 0 : i32
    %dma_start3A_440 = tpu.memref_slice %arg2[%dma_start3A_438, %dma_start3A_439] : memref<100000x128xf32, #tpu.memory_space<hbm>> -> memref<100000x128xf32, #tpu.memory_space<hbm>>
    tpu.enqueue_indirect_dma source(%dma_start3A_440 : memref<100000x128xf32, #tpu.memory_space<hbm>>) target(%dma_start3A_434 : memref<80x128xf32, #tpu.memory_space<vmem>>) offsets(%dma_start3A_437 : memref<80xi32, #tpu.memory_space<vmem>>) semaphore(%arg7 : memref<!tpu.dma_semaphore, #tpu.memory_space<semaphore_mem>>)
    %add3A_441 = arith.constant 1200 : i32
    %add3A_442 = arith.addi %mul3A_2, %add3A_441 : i32
    %run_scoped3A_443 = arith.constant 1 : i32
    "tpu.region"() ({
      %run_scoped3A_540 = tpu.sem_alloc : memref<!tpu.dma_semaphore, #tpu.memory_space<semaphore_mem>>
      %dma_start3A_541 = arith.constant 0 : i32
      %dma_start3A_542 = arith.constant 0 : i32
      %dma_start3A_543 = tpu.memref_slice %arg6[%run_scoped3A_443, %dma_start3A_541, %dma_start3A_542] : memref<2x80x128xf32, #tpu.memory_space<vmem>> -> memref<1x80x128xf32, #tpu.memory_space<vmem>>
      %dma_start3A_544 = tpu.memref_squeeze %dma_start3A_543 : memref<1x80x128xf32, #tpu.memory_space<vmem>> -> memref<80x128xf32, #tpu.memory_space<vmem>>
      %dma_start3A_545 = arith.constant 0 : i32
      %dma_start3A_546 = tpu.memref_slice %arg4[%add3A_442, %dma_start3A_545] : memref<51200x128xf32, #tpu.memory_space<hbm>> -> memref<80x128xf32, #tpu.memory_space<hbm>>
      %dma_start3A_547 = arith.constant 0 : i32
      %dma_start3A_548 = tpu.memref_slice %arg4[%add3A_442, %dma_start3A_547] : memref<51200x128xf32, #tpu.memory_space<hbm>> -> memref<80x128xf32, #tpu.memory_space<hbm>>
      %dma_start3A_549 = arith.constant 0 : i32
      %dma_start3A_550 = arith.constant 0 : i32
      %dma_start3A_551 = tpu.memref_slice %arg6[%run_scoped3A_443, %dma_start3A_549, %dma_start3A_550] : memref<2x80x128xf32, #tpu.memory_space<vmem>> -> memref<1x80x128xf32, #tpu.memory_space<vmem>>
      %dma_start3A_552 = tpu.memref_squeeze %dma_start3A_551 : memref<1x80x128xf32, #tpu.memory_space<vmem>> -> memref<80x128xf32, #tpu.memory_space<vmem>>
      tpu.enqueue_dma source(%dma_start3A_552 : memref<80x128xf32, #tpu.memory_space<vmem>>) target(%dma_start3A_548 : memref<80x128xf32, #tpu.memory_space<hbm>>) target_semaphore(%run_scoped3A_540 : memref<!tpu.dma_semaphore, #tpu.memory_space<semaphore_mem>>)
      %dma_wait3A_553 = arith.constant 0 : i32
      %dma_wait3A_554 = arith.constant 0 : i32
      %dma_wait3A_555 = tpu.memref_slice %arg6[%run_scoped3A_443, %dma_wait3A_553, %dma_wait3A_554] : memref<2x80x128xf32, #tpu.memory_space<vmem>> -> memref<1x80x128xf32, #tpu.memory_space<vmem>>
      %dma_wait3A_556 = tpu.memref_squeeze %dma_wait3A_555 : memref<1x80x128xf32, #tpu.memory_space<vmem>> -> memref<80x128xf32, #tpu.memory_space<vmem>>
      %dma_wait3A_557 = arith.constant 0 : i32
      %dma_wait3A_558 = tpu.memref_slice %arg4[%add3A_442, %dma_wait3A_557] : memref<51200x128xf32, #tpu.memory_space<hbm>> -> memref<80x128xf32, #tpu.memory_space<hbm>>
      %dma_wait3A_559 = arith.constant 0 : i32
      %dma_wait3A_560 = tpu.memref_slice %arg4[%add3A_442, %dma_wait3A_559] : memref<51200x128xf32, #tpu.memory_space<hbm>> -> memref<80x128xf32, #tpu.memory_space<hbm>>
      %dma_wait3A_561 = arith.constant 0 : i32
      %dma_wait3A_562 = arith.constant 0 : i32
      %dma_wait3A_563 = tpu.memref_slice %arg6[%run_scoped3A_443, %dma_wait3A_561, %dma_wait3A_562] : memref<2x80x128xf32, #tpu.memory_space<vmem>> -> memref<1x80x128xf32, #tpu.memory_space<vmem>>
      %dma_wait3A_564 = tpu.memref_squeeze %dma_wait3A_563 : memref<1x80x128xf32, #tpu.memory_space<vmem>> -> memref<80x128xf32, #tpu.memory_space<vmem>>
      tpu.wait_dma2 semaphore(%run_scoped3A_540 : memref<!tpu.dma_semaphore, #tpu.memory_space<semaphore_mem>>) src(%dma_wait3A_564 : memref<80x128xf32, #tpu.memory_space<vmem>>) dst(%dma_wait3A_560 : memref<80x128xf32, #tpu.memory_space<hbm>>)
      tpu.yield
    }) : () -> ()
    %dma_wait3A_444 = arith.constant 16 : i32
    %dma_wait3A_445 = arith.constant 0 : i32
    %dma_wait3A_446 = arith.constant 0 : i32
    %dma_wait3A_447 = arith.constant 0 : i32
    %dma_wait3A_448 = tpu.memref_slice %arg6[%dma_wait3A_445, %dma_wait3A_446, %dma_wait3A_447] : memref<2x80x128xf32, #tpu.memory_space<vmem>> -> memref<1x80x128xf32, #tpu.memory_space<vmem>>
    %dma_wait3A_449 = tpu.memref_squeeze %dma_wait3A_448 : memref<1x80x128xf32, #tpu.memory_space<vmem>> -> memref<80x128xf32, #tpu.memory_space<vmem>>
    %dma_wait3A_450 = arith.constant 0 : i32
    %dma_wait3A_451 = tpu.memref_slice %arg5[%dma_wait3A_444, %dma_wait3A_450] : memref<20x80xi32, #tpu.memory_space<vmem>> -> memref<1x80xi32, #tpu.memory_space<vmem>>
    %dma_wait3A_452 = tpu.memref_squeeze %dma_wait3A_451 : memref<1x80xi32, #tpu.memory_space<vmem>> -> memref<80xi32, #tpu.memory_space<vmem>>
    %dma_wait3A_453 = arith.constant 0 : i32
    %dma_wait3A_454 = arith.constant 0 : i32
    %dma_wait3A_455 = tpu.memref_slice %arg2[%dma_wait3A_453, %dma_wait3A_454] : memref<100000x128xf32, #tpu.memory_space<hbm>> -> memref<100000x128xf32, #tpu.memory_space<hbm>>
    tpu.wait_indirect_dma semaphore(%arg7 : memref<!tpu.dma_semaphore, #tpu.memory_space<semaphore_mem>>) src(%dma_wait3A_455 : memref<100000x128xf32, #tpu.memory_space<hbm>>) dst(%dma_wait3A_449 : memref<80x128xf32, #tpu.memory_space<vmem>>)
    %dma_start3A_456 = arith.constant 17 : i32
    %dma_start3A_457 = arith.constant 1 : i32
    %dma_start3A_458 = arith.constant 0 : i32
    %dma_start3A_459 = arith.constant 0 : i32
    %dma_start3A_460 = tpu.memref_slice %arg6[%dma_start3A_457, %dma_start3A_458, %dma_start3A_459] : memref<2x80x128xf32, #tpu.memory_space<vmem>> -> memref<1x80x128xf32, #tpu.memory_space<vmem>>
    %dma_start3A_461 = tpu.memref_squeeze %dma_start3A_460 : memref<1x80x128xf32, #tpu.memory_space<vmem>> -> memref<80x128xf32, #tpu.memory_space<vmem>>
    %dma_start3A_462 = arith.constant 0 : i32
    %dma_start3A_463 = tpu.memref_slice %arg5[%dma_start3A_456, %dma_start3A_462] : memref<20x80xi32, #tpu.memory_space<vmem>> -> memref<1x80xi32, #tpu.memory_space<vmem>>
    %dma_start3A_464 = tpu.memref_squeeze %dma_start3A_463 : memref<1x80xi32, #tpu.memory_space<vmem>> -> memref<80xi32, #tpu.memory_space<vmem>>
    %dma_start3A_465 = arith.constant 0 : i32
    %dma_start3A_466 = arith.constant 0 : i32
    %dma_start3A_467 = tpu.memref_slice %arg2[%dma_start3A_465, %dma_start3A_466] : memref<100000x128xf32, #tpu.memory_space<hbm>> -> memref<100000x128xf32, #tpu.memory_space<hbm>>
    tpu.enqueue_indirect_dma source(%dma_start3A_467 : memref<100000x128xf32, #tpu.memory_space<hbm>>) target(%dma_start3A_461 : memref<80x128xf32, #tpu.memory_space<vmem>>) offsets(%dma_start3A_464 : memref<80xi32, #tpu.memory_space<vmem>>) semaphore(%arg8 : memref<!tpu.dma_semaphore, #tpu.memory_space<semaphore_mem>>)
    %add3A_468 = arith.constant 1280 : i32
    %add3A_469 = arith.addi %mul3A_2, %add3A_468 : i32
    %run_scoped3A_470 = arith.constant 0 : i32
    "tpu.region"() ({
      %run_scoped3A_540 = tpu.sem_alloc : memref<!tpu.dma_semaphore, #tpu.memory_space<semaphore_mem>>
      %dma_start3A_541 = arith.constant 0 : i32
      %dma_start3A_542 = arith.constant 0 : i32
      %dma_start3A_543 = tpu.memref_slice %arg6[%run_scoped3A_470, %dma_start3A_541, %dma_start3A_542] : memref<2x80x128xf32, #tpu.memory_space<vmem>> -> memref<1x80x128xf32, #tpu.memory_space<vmem>>
      %dma_start3A_544 = tpu.memref_squeeze %dma_start3A_543 : memref<1x80x128xf32, #tpu.memory_space<vmem>> -> memref<80x128xf32, #tpu.memory_space<vmem>>
      %dma_start3A_545 = arith.constant 0 : i32
      %dma_start3A_546 = tpu.memref_slice %arg4[%add3A_469, %dma_start3A_545] : memref<51200x128xf32, #tpu.memory_space<hbm>> -> memref<80x128xf32, #tpu.memory_space<hbm>>
      %dma_start3A_547 = arith.constant 0 : i32
      %dma_start3A_548 = tpu.memref_slice %arg4[%add3A_469, %dma_start3A_547] : memref<51200x128xf32, #tpu.memory_space<hbm>> -> memref<80x128xf32, #tpu.memory_space<hbm>>
      %dma_start3A_549 = arith.constant 0 : i32
      %dma_start3A_550 = arith.constant 0 : i32
      %dma_start3A_551 = tpu.memref_slice %arg6[%run_scoped3A_470, %dma_start3A_549, %dma_start3A_550] : memref<2x80x128xf32, #tpu.memory_space<vmem>> -> memref<1x80x128xf32, #tpu.memory_space<vmem>>
      %dma_start3A_552 = tpu.memref_squeeze %dma_start3A_551 : memref<1x80x128xf32, #tpu.memory_space<vmem>> -> memref<80x128xf32, #tpu.memory_space<vmem>>
      tpu.enqueue_dma source(%dma_start3A_552 : memref<80x128xf32, #tpu.memory_space<vmem>>) target(%dma_start3A_548 : memref<80x128xf32, #tpu.memory_space<hbm>>) target_semaphore(%run_scoped3A_540 : memref<!tpu.dma_semaphore, #tpu.memory_space<semaphore_mem>>)
      %dma_wait3A_553 = arith.constant 0 : i32
      %dma_wait3A_554 = arith.constant 0 : i32
      %dma_wait3A_555 = tpu.memref_slice %arg6[%run_scoped3A_470, %dma_wait3A_553, %dma_wait3A_554] : memref<2x80x128xf32, #tpu.memory_space<vmem>> -> memref<1x80x128xf32, #tpu.memory_space<vmem>>
      %dma_wait3A_556 = tpu.memref_squeeze %dma_wait3A_555 : memref<1x80x128xf32, #tpu.memory_space<vmem>> -> memref<80x128xf32, #tpu.memory_space<vmem>>
      %dma_wait3A_557 = arith.constant 0 : i32
      %dma_wait3A_558 = tpu.memref_slice %arg4[%add3A_469, %dma_wait3A_557] : memref<51200x128xf32, #tpu.memory_space<hbm>> -> memref<80x128xf32, #tpu.memory_space<hbm>>
      %dma_wait3A_559 = arith.constant 0 : i32
      %dma_wait3A_560 = tpu.memref_slice %arg4[%add3A_469, %dma_wait3A_559] : memref<51200x128xf32, #tpu.memory_space<hbm>> -> memref<80x128xf32, #tpu.memory_space<hbm>>
      %dma_wait3A_561 = arith.constant 0 : i32
      %dma_wait3A_562 = arith.constant 0 : i32
      %dma_wait3A_563 = tpu.memref_slice %arg6[%run_scoped3A_470, %dma_wait3A_561, %dma_wait3A_562] : memref<2x80x128xf32, #tpu.memory_space<vmem>> -> memref<1x80x128xf32, #tpu.memory_space<vmem>>
      %dma_wait3A_564 = tpu.memref_squeeze %dma_wait3A_563 : memref<1x80x128xf32, #tpu.memory_space<vmem>> -> memref<80x128xf32, #tpu.memory_space<vmem>>
      tpu.wait_dma2 semaphore(%run_scoped3A_540 : memref<!tpu.dma_semaphore, #tpu.memory_space<semaphore_mem>>) src(%dma_wait3A_564 : memref<80x128xf32, #tpu.memory_space<vmem>>) dst(%dma_wait3A_560 : memref<80x128xf32, #tpu.memory_space<hbm>>)
      tpu.yield
    }) : () -> ()
    %dma_wait3A_471 = arith.constant 17 : i32
    %dma_wait3A_472 = arith.constant 1 : i32
    %dma_wait3A_473 = arith.constant 0 : i32
    %dma_wait3A_474 = arith.constant 0 : i32
    %dma_wait3A_475 = tpu.memref_slice %arg6[%dma_wait3A_472, %dma_wait3A_473, %dma_wait3A_474] : memref<2x80x128xf32, #tpu.memory_space<vmem>> -> memref<1x80x128xf32, #tpu.memory_space<vmem>>
    %dma_wait3A_476 = tpu.memref_squeeze %dma_wait3A_475 : memref<1x80x128xf32, #tpu.memory_space<vmem>> -> memref<80x128xf32, #tpu.memory_space<vmem>>
    %dma_wait3A_477 = arith.constant 0 : i32
    %dma_wait3A_478 = tpu.memref_slice %arg5[%dma_wait3A_471, %dma_wait3A_477] : memref<20x80xi32, #tpu.memory_space<vmem>> -> memref<1x80xi32, #tpu.memory_space<vmem>>
    %dma_wait3A_479 = tpu.memref_squeeze %dma_wait3A_478 : memref<1x80xi32, #tpu.memory_space<vmem>> -> memref<80xi32, #tpu.memory_space<vmem>>
    %dma_wait3A_480 = arith.constant 0 : i32
    %dma_wait3A_481 = arith.constant 0 : i32
    %dma_wait3A_482 = tpu.memref_slice %arg2[%dma_wait3A_480, %dma_wait3A_481] : memref<100000x128xf32, #tpu.memory_space<hbm>> -> memref<100000x128xf32, #tpu.memory_space<hbm>>
    tpu.wait_indirect_dma semaphore(%arg8 : memref<!tpu.dma_semaphore, #tpu.memory_space<semaphore_mem>>) src(%dma_wait3A_482 : memref<100000x128xf32, #tpu.memory_space<hbm>>) dst(%dma_wait3A_476 : memref<80x128xf32, #tpu.memory_space<vmem>>)
    %dma_start3A_483 = arith.constant 18 : i32
    %dma_start3A_484 = arith.constant 0 : i32
    %dma_start3A_485 = arith.constant 0 : i32
    %dma_start3A_486 = arith.constant 0 : i32
    %dma_start3A_487 = tpu.memref_slice %arg6[%dma_start3A_484, %dma_start3A_485, %dma_start3A_486] : memref<2x80x128xf32, #tpu.memory_space<vmem>> -> memref<1x80x128xf32, #tpu.memory_space<vmem>>
    %dma_start3A_488 = tpu.memref_squeeze %dma_start3A_487 : memref<1x80x128xf32, #tpu.memory_space<vmem>> -> memref<80x128xf32, #tpu.memory_space<vmem>>
    %dma_start3A_489 = arith.constant 0 : i32
    %dma_start3A_490 = tpu.memref_slice %arg5[%dma_start3A_483, %dma_start3A_489] : memref<20x80xi32, #tpu.memory_space<vmem>> -> memref<1x80xi32, #tpu.memory_space<vmem>>
    %dma_start3A_491 = tpu.memref_squeeze %dma_start3A_490 : memref<1x80xi32, #tpu.memory_space<vmem>> -> memref<80xi32, #tpu.memory_space<vmem>>
    %dma_start3A_492 = arith.constant 0 : i32
    %dma_start3A_493 = arith.constant 0 : i32
    %dma_start3A_494 = tpu.memref_slice %arg2[%dma_start3A_492, %dma_start3A_493] : memref<100000x128xf32, #tpu.memory_space<hbm>> -> memref<100000x128xf32, #tpu.memory_space<hbm>>
    tpu.enqueue_indirect_dma source(%dma_start3A_494 : memref<100000x128xf32, #tpu.memory_space<hbm>>) target(%dma_start3A_488 : memref<80x128xf32, #tpu.memory_space<vmem>>) offsets(%dma_start3A_491 : memref<80xi32, #tpu.memory_space<vmem>>) semaphore(%arg7 : memref<!tpu.dma_semaphore, #tpu.memory_space<semaphore_mem>>)
    %add3A_495 = arith.constant 1360 : i32
    %add3A_496 = arith.addi %mul3A_2, %add3A_495 : i32
    %run_scoped3A_497 = arith.constant 1 : i32
    "tpu.region"() ({
      %run_scoped3A_540 = tpu.sem_alloc : memref<!tpu.dma_semaphore, #tpu.memory_space<semaphore_mem>>
      %dma_start3A_541 = arith.constant 0 : i32
      %dma_start3A_542 = arith.constant 0 : i32
      %dma_start3A_543 = tpu.memref_slice %arg6[%run_scoped3A_497, %dma_start3A_541, %dma_start3A_542] : memref<2x80x128xf32, #tpu.memory_space<vmem>> -> memref<1x80x128xf32, #tpu.memory_space<vmem>>
      %dma_start3A_544 = tpu.memref_squeeze %dma_start3A_543 : memref<1x80x128xf32, #tpu.memory_space<vmem>> -> memref<80x128xf32, #tpu.memory_space<vmem>>
      %dma_start3A_545 = arith.constant 0 : i32
      %dma_start3A_546 = tpu.memref_slice %arg4[%add3A_496, %dma_start3A_545] : memref<51200x128xf32, #tpu.memory_space<hbm>> -> memref<80x128xf32, #tpu.memory_space<hbm>>
      %dma_start3A_547 = arith.constant 0 : i32
      %dma_start3A_548 = tpu.memref_slice %arg4[%add3A_496, %dma_start3A_547] : memref<51200x128xf32, #tpu.memory_space<hbm>> -> memref<80x128xf32, #tpu.memory_space<hbm>>
      %dma_start3A_549 = arith.constant 0 : i32
      %dma_start3A_550 = arith.constant 0 : i32
      %dma_start3A_551 = tpu.memref_slice %arg6[%run_scoped3A_497, %dma_start3A_549, %dma_start3A_550] : memref<2x80x128xf32, #tpu.memory_space<vmem>> -> memref<1x80x128xf32, #tpu.memory_space<vmem>>
      %dma_start3A_552 = tpu.memref_squeeze %dma_start3A_551 : memref<1x80x128xf32, #tpu.memory_space<vmem>> -> memref<80x128xf32, #tpu.memory_space<vmem>>
      tpu.enqueue_dma source(%dma_start3A_552 : memref<80x128xf32, #tpu.memory_space<vmem>>) target(%dma_start3A_548 : memref<80x128xf32, #tpu.memory_space<hbm>>) target_semaphore(%run_scoped3A_540 : memref<!tpu.dma_semaphore, #tpu.memory_space<semaphore_mem>>)
      %dma_wait3A_553 = arith.constant 0 : i32
      %dma_wait3A_554 = arith.constant 0 : i32
      %dma_wait3A_555 = tpu.memref_slice %arg6[%run_scoped3A_497, %dma_wait3A_553, %dma_wait3A_554] : memref<2x80x128xf32, #tpu.memory_space<vmem>> -> memref<1x80x128xf32, #tpu.memory_space<vmem>>
      %dma_wait3A_556 = tpu.memref_squeeze %dma_wait3A_555 : memref<1x80x128xf32, #tpu.memory_space<vmem>> -> memref<80x128xf32, #tpu.memory_space<vmem>>
      %dma_wait3A_557 = arith.constant 0 : i32
      %dma_wait3A_558 = tpu.memref_slice %arg4[%add3A_496, %dma_wait3A_557] : memref<51200x128xf32, #tpu.memory_space<hbm>> -> memref<80x128xf32, #tpu.memory_space<hbm>>
      %dma_wait3A_559 = arith.constant 0 : i32
      %dma_wait3A_560 = tpu.memref_slice %arg4[%add3A_496, %dma_wait3A_559] : memref<51200x128xf32, #tpu.memory_space<hbm>> -> memref<80x128xf32, #tpu.memory_space<hbm>>
      %dma_wait3A_561 = arith.constant 0 : i32
      %dma_wait3A_562 = arith.constant 0 : i32
      %dma_wait3A_563 = tpu.memref_slice %arg6[%run_scoped3A_497, %dma_wait3A_561, %dma_wait3A_562] : memref<2x80x128xf32, #tpu.memory_space<vmem>> -> memref<1x80x128xf32, #tpu.memory_space<vmem>>
      %dma_wait3A_564 = tpu.memref_squeeze %dma_wait3A_563 : memref<1x80x128xf32, #tpu.memory_space<vmem>> -> memref<80x128xf32, #tpu.memory_space<vmem>>
      tpu.wait_dma2 semaphore(%run_scoped3A_540 : memref<!tpu.dma_semaphore, #tpu.memory_space<semaphore_mem>>) src(%dma_wait3A_564 : memref<80x128xf32, #tpu.memory_space<vmem>>) dst(%dma_wait3A_560 : memref<80x128xf32, #tpu.memory_space<hbm>>)
      tpu.yield
    }) : () -> ()
    %dma_wait3A_498 = arith.constant 18 : i32
    %dma_wait3A_499 = arith.constant 0 : i32
    %dma_wait3A_500 = arith.constant 0 : i32
    %dma_wait3A_501 = arith.constant 0 : i32
    %dma_wait3A_502 = tpu.memref_slice %arg6[%dma_wait3A_499, %dma_wait3A_500, %dma_wait3A_501] : memref<2x80x128xf32, #tpu.memory_space<vmem>> -> memref<1x80x128xf32, #tpu.memory_space<vmem>>
    %dma_wait3A_503 = tpu.memref_squeeze %dma_wait3A_502 : memref<1x80x128xf32, #tpu.memory_space<vmem>> -> memref<80x128xf32, #tpu.memory_space<vmem>>
    %dma_wait3A_504 = arith.constant 0 : i32
    %dma_wait3A_505 = tpu.memref_slice %arg5[%dma_wait3A_498, %dma_wait3A_504] : memref<20x80xi32, #tpu.memory_space<vmem>> -> memref<1x80xi32, #tpu.memory_space<vmem>>
    %dma_wait3A_506 = tpu.memref_squeeze %dma_wait3A_505 : memref<1x80xi32, #tpu.memory_space<vmem>> -> memref<80xi32, #tpu.memory_space<vmem>>
    %dma_wait3A_507 = arith.constant 0 : i32
    %dma_wait3A_508 = arith.constant 0 : i32
    %dma_wait3A_509 = tpu.memref_slice %arg2[%dma_wait3A_507, %dma_wait3A_508] : memref<100000x128xf32, #tpu.memory_space<hbm>> -> memref<100000x128xf32, #tpu.memory_space<hbm>>
    tpu.wait_indirect_dma semaphore(%arg7 : memref<!tpu.dma_semaphore, #tpu.memory_space<semaphore_mem>>) src(%dma_wait3A_509 : memref<100000x128xf32, #tpu.memory_space<hbm>>) dst(%dma_wait3A_503 : memref<80x128xf32, #tpu.memory_space<vmem>>)
    %dma_start3A_510 = arith.constant 19 : i32
    %dma_start3A_511 = arith.constant 1 : i32
    %dma_start3A_512 = arith.constant 0 : i32
    %dma_start3A_513 = arith.constant 0 : i32
    %dma_start3A_514 = tpu.memref_slice %arg6[%dma_start3A_511, %dma_start3A_512, %dma_start3A_513] : memref<2x80x128xf32, #tpu.memory_space<vmem>> -> memref<1x80x128xf32, #tpu.memory_space<vmem>>
    %dma_start3A_515 = tpu.memref_squeeze %dma_start3A_514 : memref<1x80x128xf32, #tpu.memory_space<vmem>> -> memref<80x128xf32, #tpu.memory_space<vmem>>
    %dma_start3A_516 = arith.constant 0 : i32
    %dma_start3A_517 = tpu.memref_slice %arg5[%dma_start3A_510, %dma_start3A_516] : memref<20x80xi32, #tpu.memory_space<vmem>> -> memref<1x80xi32, #tpu.memory_space<vmem>>
    %dma_start3A_518 = tpu.memref_squeeze %dma_start3A_517 : memref<1x80xi32, #tpu.memory_space<vmem>> -> memref<80xi32, #tpu.memory_space<vmem>>
    %dma_start3A_519 = arith.constant 0 : i32
    %dma_start3A_520 = arith.constant 0 : i32
    %dma_start3A_521 = tpu.memref_slice %arg2[%dma_start3A_519, %dma_start3A_520] : memref<100000x128xf32, #tpu.memory_space<hbm>> -> memref<100000x128xf32, #tpu.memory_space<hbm>>
    tpu.enqueue_indirect_dma source(%dma_start3A_521 : memref<100000x128xf32, #tpu.memory_space<hbm>>) target(%dma_start3A_515 : memref<80x128xf32, #tpu.memory_space<vmem>>) offsets(%dma_start3A_518 : memref<80xi32, #tpu.memory_space<vmem>>) semaphore(%arg8 : memref<!tpu.dma_semaphore, #tpu.memory_space<semaphore_mem>>)
    %add3A_522 = arith.constant 1440 : i32
    %add3A_523 = arith.addi %mul3A_2, %add3A_522 : i32
    %run_scoped3A_524 = arith.constant 0 : i32
    "tpu.region"() ({
      %run_scoped3A_540 = tpu.sem_alloc : memref<!tpu.dma_semaphore, #tpu.memory_space<semaphore_mem>>
      %dma_start3A_541 = arith.constant 0 : i32
      %dma_start3A_542 = arith.constant 0 : i32
      %dma_start3A_543 = tpu.memref_slice %arg6[%run_scoped3A_524, %dma_start3A_541, %dma_start3A_542] : memref<2x80x128xf32, #tpu.memory_space<vmem>> -> memref<1x80x128xf32, #tpu.memory_space<vmem>>
      %dma_start3A_544 = tpu.memref_squeeze %dma_start3A_543 : memref<1x80x128xf32, #tpu.memory_space<vmem>> -> memref<80x128xf32, #tpu.memory_space<vmem>>
      %dma_start3A_545 = arith.constant 0 : i32
      %dma_start3A_546 = tpu.memref_slice %arg4[%add3A_523, %dma_start3A_545] : memref<51200x128xf32, #tpu.memory_space<hbm>> -> memref<80x128xf32, #tpu.memory_space<hbm>>
      %dma_start3A_547 = arith.constant 0 : i32
      %dma_start3A_548 = tpu.memref_slice %arg4[%add3A_523, %dma_start3A_547] : memref<51200x128xf32, #tpu.memory_space<hbm>> -> memref<80x128xf32, #tpu.memory_space<hbm>>
      %dma_start3A_549 = arith.constant 0 : i32
      %dma_start3A_550 = arith.constant 0 : i32
      %dma_start3A_551 = tpu.memref_slice %arg6[%run_scoped3A_524, %dma_start3A_549, %dma_start3A_550] : memref<2x80x128xf32, #tpu.memory_space<vmem>> -> memref<1x80x128xf32, #tpu.memory_space<vmem>>
      %dma_start3A_552 = tpu.memref_squeeze %dma_start3A_551 : memref<1x80x128xf32, #tpu.memory_space<vmem>> -> memref<80x128xf32, #tpu.memory_space<vmem>>
      tpu.enqueue_dma source(%dma_start3A_552 : memref<80x128xf32, #tpu.memory_space<vmem>>) target(%dma_start3A_548 : memref<80x128xf32, #tpu.memory_space<hbm>>) target_semaphore(%run_scoped3A_540 : memref<!tpu.dma_semaphore, #tpu.memory_space<semaphore_mem>>)
      %dma_wait3A_553 = arith.constant 0 : i32
      %dma_wait3A_554 = arith.constant 0 : i32
      %dma_wait3A_555 = tpu.memref_slice %arg6[%run_scoped3A_524, %dma_wait3A_553, %dma_wait3A_554] : memref<2x80x128xf32, #tpu.memory_space<vmem>> -> memref<1x80x128xf32, #tpu.memory_space<vmem>>
      %dma_wait3A_556 = tpu.memref_squeeze %dma_wait3A_555 : memref<1x80x128xf32, #tpu.memory_space<vmem>> -> memref<80x128xf32, #tpu.memory_space<vmem>>
      %dma_wait3A_557 = arith.constant 0 : i32
      %dma_wait3A_558 = tpu.memref_slice %arg4[%add3A_523, %dma_wait3A_557] : memref<51200x128xf32, #tpu.memory_space<hbm>> -> memref<80x128xf32, #tpu.memory_space<hbm>>
      %dma_wait3A_559 = arith.constant 0 : i32
      %dma_wait3A_560 = tpu.memref_slice %arg4[%add3A_523, %dma_wait3A_559] : memref<51200x128xf32, #tpu.memory_space<hbm>> -> memref<80x128xf32, #tpu.memory_space<hbm>>
      %dma_wait3A_561 = arith.constant 0 : i32
      %dma_wait3A_562 = arith.constant 0 : i32
      %dma_wait3A_563 = tpu.memref_slice %arg6[%run_scoped3A_524, %dma_wait3A_561, %dma_wait3A_562] : memref<2x80x128xf32, #tpu.memory_space<vmem>> -> memref<1x80x128xf32, #tpu.memory_space<vmem>>
      %dma_wait3A_564 = tpu.memref_squeeze %dma_wait3A_563 : memref<1x80x128xf32, #tpu.memory_space<vmem>> -> memref<80x128xf32, #tpu.memory_space<vmem>>
      tpu.wait_dma2 semaphore(%run_scoped3A_540 : memref<!tpu.dma_semaphore, #tpu.memory_space<semaphore_mem>>) src(%dma_wait3A_564 : memref<80x128xf32, #tpu.memory_space<vmem>>) dst(%dma_wait3A_560 : memref<80x128xf32, #tpu.memory_space<hbm>>)
      tpu.yield
    }) : () -> ()
    %dma_wait3A_525 = arith.constant 19 : i32
    %dma_wait3A_526 = arith.constant 1 : i32
    %dma_wait3A_527 = arith.constant 0 : i32
    %dma_wait3A_528 = arith.constant 0 : i32
    %dma_wait3A_529 = tpu.memref_slice %arg6[%dma_wait3A_526, %dma_wait3A_527, %dma_wait3A_528] : memref<2x80x128xf32, #tpu.memory_space<vmem>> -> memref<1x80x128xf32, #tpu.memory_space<vmem>>
    %dma_wait3A_530 = tpu.memref_squeeze %dma_wait3A_529 : memref<1x80x128xf32, #tpu.memory_space<vmem>> -> memref<80x128xf32, #tpu.memory_space<vmem>>
    %dma_wait3A_531 = arith.constant 0 : i32
    %dma_wait3A_532 = tpu.memref_slice %arg5[%dma_wait3A_525, %dma_wait3A_531] : memref<20x80xi32, #tpu.memory_space<vmem>> -> memref<1x80xi32, #tpu.memory_space<vmem>>
    %dma_wait3A_533 = tpu.memref_squeeze %dma_wait3A_532 : memref<1x80xi32, #tpu.memory_space<vmem>> -> memref<80xi32, #tpu.memory_space<vmem>>
    %dma_wait3A_534 = arith.constant 0 : i32
    %dma_wait3A_535 = arith.constant 0 : i32
    %dma_wait3A_536 = tpu.memref_slice %arg2[%dma_wait3A_534, %dma_wait3A_535] : memref<100000x128xf32, #tpu.memory_space<hbm>> -> memref<100000x128xf32, #tpu.memory_space<hbm>>
    tpu.wait_indirect_dma semaphore(%arg8 : memref<!tpu.dma_semaphore, #tpu.memory_space<semaphore_mem>>) src(%dma_wait3A_536 : memref<100000x128xf32, #tpu.memory_space<hbm>>) dst(%dma_wait3A_530 : memref<80x128xf32, #tpu.memory_space<vmem>>)
    %add3A_537 = arith.constant 1520 : i32
    %add3A_538 = arith.addi %mul3A_2, %add3A_537 : i32
    %run_scoped3A_539 = arith.constant 1 : i32
    "tpu.region"() ({
      %run_scoped3A_540 = tpu.sem_alloc : memref<!tpu.dma_semaphore, #tpu.memory_space<semaphore_mem>>
      %dma_start3A_541 = arith.constant 0 : i32
      %dma_start3A_542 = arith.constant 0 : i32
      %dma_start3A_543 = tpu.memref_slice %arg6[%run_scoped3A_539, %dma_start3A_541, %dma_start3A_542] : memref<2x80x128xf32, #tpu.memory_space<vmem>> -> memref<1x80x128xf32, #tpu.memory_space<vmem>>
      %dma_start3A_544 = tpu.memref_squeeze %dma_start3A_543 : memref<1x80x128xf32, #tpu.memory_space<vmem>> -> memref<80x128xf32, #tpu.memory_space<vmem>>
      %dma_start3A_545 = arith.constant 0 : i32
      %dma_start3A_546 = tpu.memref_slice %arg4[%add3A_538, %dma_start3A_545] : memref<51200x128xf32, #tpu.memory_space<hbm>> -> memref<80x128xf32, #tpu.memory_space<hbm>>
      %dma_start3A_547 = arith.constant 0 : i32
      %dma_start3A_548 = tpu.memref_slice %arg4[%add3A_538, %dma_start3A_547] : memref<51200x128xf32, #tpu.memory_space<hbm>> -> memref<80x128xf32, #tpu.memory_space<hbm>>
      %dma_start3A_549 = arith.constant 0 : i32
      %dma_start3A_550 = arith.constant 0 : i32
      %dma_start3A_551 = tpu.memref_slice %arg6[%run_scoped3A_539, %dma_start3A_549, %dma_start3A_550] : memref<2x80x128xf32, #tpu.memory_space<vmem>> -> memref<1x80x128xf32, #tpu.memory_space<vmem>>
      %dma_start3A_552 = tpu.memref_squeeze %dma_start3A_551 : memref<1x80x128xf32, #tpu.memory_space<vmem>> -> memref<80x128xf32, #tpu.memory_space<vmem>>
      tpu.enqueue_dma source(%dma_start3A_552 : memref<80x128xf32, #tpu.memory_space<vmem>>) target(%dma_start3A_548 : memref<80x128xf32, #tpu.memory_space<hbm>>) target_semaphore(%run_scoped3A_540 : memref<!tpu.dma_semaphore, #tpu.memory_space<semaphore_mem>>)
      %dma_wait3A_553 = arith.constant 0 : i32
      %dma_wait3A_554 = arith.constant 0 : i32
      %dma_wait3A_555 = tpu.memref_slice %arg6[%run_scoped3A_539, %dma_wait3A_553, %dma_wait3A_554] : memref<2x80x128xf32, #tpu.memory_space<vmem>> -> memref<1x80x128xf32, #tpu.memory_space<vmem>>
      %dma_wait3A_556 = tpu.memref_squeeze %dma_wait3A_555 : memref<1x80x128xf32, #tpu.memory_space<vmem>> -> memref<80x128xf32, #tpu.memory_space<vmem>>
      %dma_wait3A_557 = arith.constant 0 : i32
      %dma_wait3A_558 = tpu.memref_slice %arg4[%add3A_538, %dma_wait3A_557] : memref<51200x128xf32, #tpu.memory_space<hbm>> -> memref<80x128xf32, #tpu.memory_space<hbm>>
      %dma_wait3A_559 = arith.constant 0 : i32
      %dma_wait3A_560 = tpu.memref_slice %arg4[%add3A_538, %dma_wait3A_559] : memref<51200x128xf32, #tpu.memory_space<hbm>> -> memref<80x128xf32, #tpu.memory_space<hbm>>
      %dma_wait3A_561 = arith.constant 0 : i32
      %dma_wait3A_562 = arith.constant 0 : i32
      %dma_wait3A_563 = tpu.memref_slice %arg6[%run_scoped3A_539, %dma_wait3A_561, %dma_wait3A_562] : memref<2x80x128xf32, #tpu.memory_space<vmem>> -> memref<1x80x128xf32, #tpu.memory_space<vmem>>
      %dma_wait3A_564 = tpu.memref_squeeze %dma_wait3A_563 : memref<1x80x128xf32, #tpu.memory_space<vmem>> -> memref<80x128xf32, #tpu.memory_space<vmem>>
      tpu.wait_dma2 semaphore(%run_scoped3A_540 : memref<!tpu.dma_semaphore, #tpu.memory_space<semaphore_mem>>) src(%dma_wait3A_564 : memref<80x128xf32, #tpu.memory_space<vmem>>) dst(%dma_wait3A_560 : memref<80x128xf32, #tpu.memory_space<hbm>>)
      tpu.yield
    }) : () -> ()
    return
  }
}

module attributes {stable_mosaic.version = 14 : i64} {
  func.func @body(%arg0: i32, %arg1: memref<3200x16xi32, #tpu.memory_space<vmem>>, %arg2: memref<256x64xf32, #tpu.memory_space<vmem>>, %arg3: memref<1024x1024xf32, #tpu.memory_space<vmem>>, %arg4: memref<1x64xf32, #tpu.memory_space<vmem>>, %arg5: memref<3200x64xf32, #tpu.memory_space<vmem>>) attributes {dimension_semantics = [#tpu.dimension_semantics<arbitrary>], iteration_bounds = array<i64: 16>, scalar_prefetch = 0 : i64, scratch_operands = 0 : i64, tpu.core_type = #tpu.core_type<tc>, window_params = [{transform_indices = @transform_0, window_bounds = array<i64: 3200, 16>}, {pipeline_mode = #tpu.pipeline_mode<synchronous>, transform_indices = @transform_1, window_bounds = array<i64: 256, 64>}, {pipeline_mode = #tpu.pipeline_mode<synchronous>, transform_indices = @transform_2, window_bounds = array<i64: 1024, 1024>}, {pipeline_mode = #tpu.pipeline_mode<synchronous>, transform_indices = @transform_3, window_bounds = array<i64: 1, 64>}, {transform_indices = @transform_4, window_bounds = array<i64: 3200, 64>}]} {
    %get3A = arith.constant 0 : index
    %get3A_0 = arith.constant 0 : index
    %get3A_1 = vector.load %arg2[%get3A, %get3A_0] : memref<256x64xf32, #tpu.memory_space<vmem>>, vector<256x64xf32>
    %get3A_2 = arith.constant 0 : index
    %get3A_3 = arith.constant 0 : index
    %get3A_4 = vector.load %arg1[%get3A_2, %get3A_3] : memref<3200x16xi32, #tpu.memory_space<vmem>>, vector<3200x1xi32>
    %iota3A = tpu.iota {dimensions = array<i32: 1>} : vector<3200x256xi32>
    %eq3A = vector.broadcast %get3A_4 : vector<3200x1xi32> to vector<3200x256xi32>
    %eq3A_5 = arith.cmpi eq, %eq3A, %iota3A : vector<3200x256xi32>
    %convert_element_type3A = arith.extui %eq3A_5 : vector<3200x256xi1> to vector<3200x256xi32>
    %convert_element_type3A_6 = arith.sitofp %convert_element_type3A : vector<3200x256xi32> to vector<3200x256xf32>
    %dot_general3A = arith.constant dense<0.000000e+00> : vector<3200x64xf32>
    %dot_general3A_7 = tpu.matmul %convert_element_type3A_6, %get3A_1, %dot_general3A {dimension_numbers = #tpu.dot_dimension_numbers<[1], [0], [0], [1], [0, 0, 1, 1], [], []>, transpose_lhs_hint = false} : vector<3200x256xf32>, vector<256x64xf32>, vector<3200x64xf32> -> vector<3200x64xf32>
    %get3A_8 = arith.constant 0 : index
    %get3A_9 = arith.constant 1 : index
    %get3A_10 = vector.load %arg1[%get3A_8, %get3A_9] : memref<3200x16xi32, #tpu.memory_space<vmem>>, vector<3200x1xi32>
    %iota3A_11 = tpu.iota {dimensions = array<i32: 1>} : vector<3200x256xi32>
    %eq3A_12 = vector.broadcast %get3A_10 : vector<3200x1xi32> to vector<3200x256xi32>
    %eq3A_13 = arith.cmpi eq, %eq3A_12, %iota3A_11 : vector<3200x256xi32>
    %convert_element_type3A_14 = arith.extui %eq3A_13 : vector<3200x256xi1> to vector<3200x256xi32>
    %convert_element_type3A_15 = arith.sitofp %convert_element_type3A_14 : vector<3200x256xi32> to vector<3200x256xf32>
    %dot_general3A_16 = arith.constant dense<0.000000e+00> : vector<3200x64xf32>
    %dot_general3A_17 = tpu.matmul %convert_element_type3A_15, %get3A_1, %dot_general3A_16 {dimension_numbers = #tpu.dot_dimension_numbers<[1], [0], [0], [1], [0, 0, 1, 1], [], []>, transpose_lhs_hint = false} : vector<3200x256xf32>, vector<256x64xf32>, vector<3200x64xf32> -> vector<3200x64xf32>
    %get3A_18 = arith.constant 0 : index
    %get3A_19 = arith.constant 2 : index
    %get3A_20 = vector.load %arg1[%get3A_18, %get3A_19] : memref<3200x16xi32, #tpu.memory_space<vmem>>, vector<3200x1xi32>
    %iota3A_21 = tpu.iota {dimensions = array<i32: 1>} : vector<3200x256xi32>
    %eq3A_22 = vector.broadcast %get3A_20 : vector<3200x1xi32> to vector<3200x256xi32>
    %eq3A_23 = arith.cmpi eq, %eq3A_22, %iota3A_21 : vector<3200x256xi32>
    %convert_element_type3A_24 = arith.extui %eq3A_23 : vector<3200x256xi1> to vector<3200x256xi32>
    %convert_element_type3A_25 = arith.sitofp %convert_element_type3A_24 : vector<3200x256xi32> to vector<3200x256xf32>
    %dot_general3A_26 = arith.constant dense<0.000000e+00> : vector<3200x64xf32>
    %dot_general3A_27 = tpu.matmul %convert_element_type3A_25, %get3A_1, %dot_general3A_26 {dimension_numbers = #tpu.dot_dimension_numbers<[1], [0], [0], [1], [0, 0, 1, 1], [], []>, transpose_lhs_hint = false} : vector<3200x256xf32>, vector<256x64xf32>, vector<3200x64xf32> -> vector<3200x64xf32>
    %get3A_28 = arith.constant 0 : index
    %get3A_29 = arith.constant 3 : index
    %get3A_30 = vector.load %arg1[%get3A_28, %get3A_29] : memref<3200x16xi32, #tpu.memory_space<vmem>>, vector<3200x1xi32>
    %iota3A_31 = tpu.iota {dimensions = array<i32: 1>} : vector<3200x256xi32>
    %eq3A_32 = vector.broadcast %get3A_30 : vector<3200x1xi32> to vector<3200x256xi32>
    %eq3A_33 = arith.cmpi eq, %eq3A_32, %iota3A_31 : vector<3200x256xi32>
    %convert_element_type3A_34 = arith.extui %eq3A_33 : vector<3200x256xi1> to vector<3200x256xi32>
    %convert_element_type3A_35 = arith.sitofp %convert_element_type3A_34 : vector<3200x256xi32> to vector<3200x256xf32>
    %dot_general3A_36 = arith.constant dense<0.000000e+00> : vector<3200x64xf32>
    %dot_general3A_37 = tpu.matmul %convert_element_type3A_35, %get3A_1, %dot_general3A_36 {dimension_numbers = #tpu.dot_dimension_numbers<[1], [0], [0], [1], [0, 0, 1, 1], [], []>, transpose_lhs_hint = false} : vector<3200x256xf32>, vector<256x64xf32>, vector<3200x64xf32> -> vector<3200x64xf32>
    %get3A_38 = arith.constant 0 : index
    %get3A_39 = arith.constant 4 : index
    %get3A_40 = vector.load %arg1[%get3A_38, %get3A_39] : memref<3200x16xi32, #tpu.memory_space<vmem>>, vector<3200x1xi32>
    %iota3A_41 = tpu.iota {dimensions = array<i32: 1>} : vector<3200x256xi32>
    %eq3A_42 = vector.broadcast %get3A_40 : vector<3200x1xi32> to vector<3200x256xi32>
    %eq3A_43 = arith.cmpi eq, %eq3A_42, %iota3A_41 : vector<3200x256xi32>
    %convert_element_type3A_44 = arith.extui %eq3A_43 : vector<3200x256xi1> to vector<3200x256xi32>
    %convert_element_type3A_45 = arith.sitofp %convert_element_type3A_44 : vector<3200x256xi32> to vector<3200x256xf32>
    %dot_general3A_46 = arith.constant dense<0.000000e+00> : vector<3200x64xf32>
    %dot_general3A_47 = tpu.matmul %convert_element_type3A_45, %get3A_1, %dot_general3A_46 {dimension_numbers = #tpu.dot_dimension_numbers<[1], [0], [0], [1], [0, 0, 1, 1], [], []>, transpose_lhs_hint = false} : vector<3200x256xf32>, vector<256x64xf32>, vector<3200x64xf32> -> vector<3200x64xf32>
    %get3A_48 = arith.constant 0 : index
    %get3A_49 = arith.constant 5 : index
    %get3A_50 = vector.load %arg1[%get3A_48, %get3A_49] : memref<3200x16xi32, #tpu.memory_space<vmem>>, vector<3200x1xi32>
    %iota3A_51 = tpu.iota {dimensions = array<i32: 1>} : vector<3200x256xi32>
    %eq3A_52 = vector.broadcast %get3A_50 : vector<3200x1xi32> to vector<3200x256xi32>
    %eq3A_53 = arith.cmpi eq, %eq3A_52, %iota3A_51 : vector<3200x256xi32>
    %convert_element_type3A_54 = arith.extui %eq3A_53 : vector<3200x256xi1> to vector<3200x256xi32>
    %convert_element_type3A_55 = arith.sitofp %convert_element_type3A_54 : vector<3200x256xi32> to vector<3200x256xf32>
    %dot_general3A_56 = arith.constant dense<0.000000e+00> : vector<3200x64xf32>
    %dot_general3A_57 = tpu.matmul %convert_element_type3A_55, %get3A_1, %dot_general3A_56 {dimension_numbers = #tpu.dot_dimension_numbers<[1], [0], [0], [1], [0, 0, 1, 1], [], []>, transpose_lhs_hint = false} : vector<3200x256xf32>, vector<256x64xf32>, vector<3200x64xf32> -> vector<3200x64xf32>
    %get3A_58 = arith.constant 0 : index
    %get3A_59 = arith.constant 6 : index
    %get3A_60 = vector.load %arg1[%get3A_58, %get3A_59] : memref<3200x16xi32, #tpu.memory_space<vmem>>, vector<3200x1xi32>
    %iota3A_61 = tpu.iota {dimensions = array<i32: 1>} : vector<3200x256xi32>
    %eq3A_62 = vector.broadcast %get3A_60 : vector<3200x1xi32> to vector<3200x256xi32>
    %eq3A_63 = arith.cmpi eq, %eq3A_62, %iota3A_61 : vector<3200x256xi32>
    %convert_element_type3A_64 = arith.extui %eq3A_63 : vector<3200x256xi1> to vector<3200x256xi32>
    %convert_element_type3A_65 = arith.sitofp %convert_element_type3A_64 : vector<3200x256xi32> to vector<3200x256xf32>
    %dot_general3A_66 = arith.constant dense<0.000000e+00> : vector<3200x64xf32>
    %dot_general3A_67 = tpu.matmul %convert_element_type3A_65, %get3A_1, %dot_general3A_66 {dimension_numbers = #tpu.dot_dimension_numbers<[1], [0], [0], [1], [0, 0, 1, 1], [], []>, transpose_lhs_hint = false} : vector<3200x256xf32>, vector<256x64xf32>, vector<3200x64xf32> -> vector<3200x64xf32>
    %get3A_68 = arith.constant 0 : index
    %get3A_69 = arith.constant 7 : index
    %get3A_70 = vector.load %arg1[%get3A_68, %get3A_69] : memref<3200x16xi32, #tpu.memory_space<vmem>>, vector<3200x1xi32>
    %iota3A_71 = tpu.iota {dimensions = array<i32: 1>} : vector<3200x256xi32>
    %eq3A_72 = vector.broadcast %get3A_70 : vector<3200x1xi32> to vector<3200x256xi32>
    %eq3A_73 = arith.cmpi eq, %eq3A_72, %iota3A_71 : vector<3200x256xi32>
    %convert_element_type3A_74 = arith.extui %eq3A_73 : vector<3200x256xi1> to vector<3200x256xi32>
    %convert_element_type3A_75 = arith.sitofp %convert_element_type3A_74 : vector<3200x256xi32> to vector<3200x256xf32>
    %dot_general3A_76 = arith.constant dense<0.000000e+00> : vector<3200x64xf32>
    %dot_general3A_77 = tpu.matmul %convert_element_type3A_75, %get3A_1, %dot_general3A_76 {dimension_numbers = #tpu.dot_dimension_numbers<[1], [0], [0], [1], [0, 0, 1, 1], [], []>, transpose_lhs_hint = false} : vector<3200x256xf32>, vector<256x64xf32>, vector<3200x64xf32> -> vector<3200x64xf32>
    %get3A_78 = arith.constant 0 : index
    %get3A_79 = arith.constant 8 : index
    %get3A_80 = vector.load %arg1[%get3A_78, %get3A_79] : memref<3200x16xi32, #tpu.memory_space<vmem>>, vector<3200x1xi32>
    %iota3A_81 = tpu.iota {dimensions = array<i32: 1>} : vector<3200x256xi32>
    %eq3A_82 = vector.broadcast %get3A_80 : vector<3200x1xi32> to vector<3200x256xi32>
    %eq3A_83 = arith.cmpi eq, %eq3A_82, %iota3A_81 : vector<3200x256xi32>
    %convert_element_type3A_84 = arith.extui %eq3A_83 : vector<3200x256xi1> to vector<3200x256xi32>
    %convert_element_type3A_85 = arith.sitofp %convert_element_type3A_84 : vector<3200x256xi32> to vector<3200x256xf32>
    %dot_general3A_86 = arith.constant dense<0.000000e+00> : vector<3200x64xf32>
    %dot_general3A_87 = tpu.matmul %convert_element_type3A_85, %get3A_1, %dot_general3A_86 {dimension_numbers = #tpu.dot_dimension_numbers<[1], [0], [0], [1], [0, 0, 1, 1], [], []>, transpose_lhs_hint = false} : vector<3200x256xf32>, vector<256x64xf32>, vector<3200x64xf32> -> vector<3200x64xf32>
    %get3A_88 = arith.constant 0 : index
    %get3A_89 = arith.constant 9 : index
    %get3A_90 = vector.load %arg1[%get3A_88, %get3A_89] : memref<3200x16xi32, #tpu.memory_space<vmem>>, vector<3200x1xi32>
    %iota3A_91 = tpu.iota {dimensions = array<i32: 1>} : vector<3200x256xi32>
    %eq3A_92 = vector.broadcast %get3A_90 : vector<3200x1xi32> to vector<3200x256xi32>
    %eq3A_93 = arith.cmpi eq, %eq3A_92, %iota3A_91 : vector<3200x256xi32>
    %convert_element_type3A_94 = arith.extui %eq3A_93 : vector<3200x256xi1> to vector<3200x256xi32>
    %convert_element_type3A_95 = arith.sitofp %convert_element_type3A_94 : vector<3200x256xi32> to vector<3200x256xf32>
    %dot_general3A_96 = arith.constant dense<0.000000e+00> : vector<3200x64xf32>
    %dot_general3A_97 = tpu.matmul %convert_element_type3A_95, %get3A_1, %dot_general3A_96 {dimension_numbers = #tpu.dot_dimension_numbers<[1], [0], [0], [1], [0, 0, 1, 1], [], []>, transpose_lhs_hint = false} : vector<3200x256xf32>, vector<256x64xf32>, vector<3200x64xf32> -> vector<3200x64xf32>
    %get3A_98 = arith.constant 0 : index
    %get3A_99 = arith.constant 10 : index
    %get3A_100 = vector.load %arg1[%get3A_98, %get3A_99] : memref<3200x16xi32, #tpu.memory_space<vmem>>, vector<3200x1xi32>
    %iota3A_101 = tpu.iota {dimensions = array<i32: 1>} : vector<3200x256xi32>
    %eq3A_102 = vector.broadcast %get3A_100 : vector<3200x1xi32> to vector<3200x256xi32>
    %eq3A_103 = arith.cmpi eq, %eq3A_102, %iota3A_101 : vector<3200x256xi32>
    %convert_element_type3A_104 = arith.extui %eq3A_103 : vector<3200x256xi1> to vector<3200x256xi32>
    %convert_element_type3A_105 = arith.sitofp %convert_element_type3A_104 : vector<3200x256xi32> to vector<3200x256xf32>
    %dot_general3A_106 = arith.constant dense<0.000000e+00> : vector<3200x64xf32>
    %dot_general3A_107 = tpu.matmul %convert_element_type3A_105, %get3A_1, %dot_general3A_106 {dimension_numbers = #tpu.dot_dimension_numbers<[1], [0], [0], [1], [0, 0, 1, 1], [], []>, transpose_lhs_hint = false} : vector<3200x256xf32>, vector<256x64xf32>, vector<3200x64xf32> -> vector<3200x64xf32>
    %get3A_108 = arith.constant 0 : index
    %get3A_109 = arith.constant 11 : index
    %get3A_110 = vector.load %arg1[%get3A_108, %get3A_109] : memref<3200x16xi32, #tpu.memory_space<vmem>>, vector<3200x1xi32>
    %iota3A_111 = tpu.iota {dimensions = array<i32: 1>} : vector<3200x256xi32>
    %eq3A_112 = vector.broadcast %get3A_110 : vector<3200x1xi32> to vector<3200x256xi32>
    %eq3A_113 = arith.cmpi eq, %eq3A_112, %iota3A_111 : vector<3200x256xi32>
    %convert_element_type3A_114 = arith.extui %eq3A_113 : vector<3200x256xi1> to vector<3200x256xi32>
    %convert_element_type3A_115 = arith.sitofp %convert_element_type3A_114 : vector<3200x256xi32> to vector<3200x256xf32>
    %dot_general3A_116 = arith.constant dense<0.000000e+00> : vector<3200x64xf32>
    %dot_general3A_117 = tpu.matmul %convert_element_type3A_115, %get3A_1, %dot_general3A_116 {dimension_numbers = #tpu.dot_dimension_numbers<[1], [0], [0], [1], [0, 0, 1, 1], [], []>, transpose_lhs_hint = false} : vector<3200x256xf32>, vector<256x64xf32>, vector<3200x64xf32> -> vector<3200x64xf32>
    %get3A_118 = arith.constant 0 : index
    %get3A_119 = arith.constant 12 : index
    %get3A_120 = vector.load %arg1[%get3A_118, %get3A_119] : memref<3200x16xi32, #tpu.memory_space<vmem>>, vector<3200x1xi32>
    %iota3A_121 = tpu.iota {dimensions = array<i32: 1>} : vector<3200x256xi32>
    %eq3A_122 = vector.broadcast %get3A_120 : vector<3200x1xi32> to vector<3200x256xi32>
    %eq3A_123 = arith.cmpi eq, %eq3A_122, %iota3A_121 : vector<3200x256xi32>
    %convert_element_type3A_124 = arith.extui %eq3A_123 : vector<3200x256xi1> to vector<3200x256xi32>
    %convert_element_type3A_125 = arith.sitofp %convert_element_type3A_124 : vector<3200x256xi32> to vector<3200x256xf32>
    %dot_general3A_126 = arith.constant dense<0.000000e+00> : vector<3200x64xf32>
    %dot_general3A_127 = tpu.matmul %convert_element_type3A_125, %get3A_1, %dot_general3A_126 {dimension_numbers = #tpu.dot_dimension_numbers<[1], [0], [0], [1], [0, 0, 1, 1], [], []>, transpose_lhs_hint = false} : vector<3200x256xf32>, vector<256x64xf32>, vector<3200x64xf32> -> vector<3200x64xf32>
    %get3A_128 = arith.constant 0 : index
    %get3A_129 = arith.constant 13 : index
    %get3A_130 = vector.load %arg1[%get3A_128, %get3A_129] : memref<3200x16xi32, #tpu.memory_space<vmem>>, vector<3200x1xi32>
    %iota3A_131 = tpu.iota {dimensions = array<i32: 1>} : vector<3200x256xi32>
    %eq3A_132 = vector.broadcast %get3A_130 : vector<3200x1xi32> to vector<3200x256xi32>
    %eq3A_133 = arith.cmpi eq, %eq3A_132, %iota3A_131 : vector<3200x256xi32>
    %convert_element_type3A_134 = arith.extui %eq3A_133 : vector<3200x256xi1> to vector<3200x256xi32>
    %convert_element_type3A_135 = arith.sitofp %convert_element_type3A_134 : vector<3200x256xi32> to vector<3200x256xf32>
    %dot_general3A_136 = arith.constant dense<0.000000e+00> : vector<3200x64xf32>
    %dot_general3A_137 = tpu.matmul %convert_element_type3A_135, %get3A_1, %dot_general3A_136 {dimension_numbers = #tpu.dot_dimension_numbers<[1], [0], [0], [1], [0, 0, 1, 1], [], []>, transpose_lhs_hint = false} : vector<3200x256xf32>, vector<256x64xf32>, vector<3200x64xf32> -> vector<3200x64xf32>
    %get3A_138 = arith.constant 0 : index
    %get3A_139 = arith.constant 14 : index
    %get3A_140 = vector.load %arg1[%get3A_138, %get3A_139] : memref<3200x16xi32, #tpu.memory_space<vmem>>, vector<3200x1xi32>
    %iota3A_141 = tpu.iota {dimensions = array<i32: 1>} : vector<3200x256xi32>
    %eq3A_142 = vector.broadcast %get3A_140 : vector<3200x1xi32> to vector<3200x256xi32>
    %eq3A_143 = arith.cmpi eq, %eq3A_142, %iota3A_141 : vector<3200x256xi32>
    %convert_element_type3A_144 = arith.extui %eq3A_143 : vector<3200x256xi1> to vector<3200x256xi32>
    %convert_element_type3A_145 = arith.sitofp %convert_element_type3A_144 : vector<3200x256xi32> to vector<3200x256xf32>
    %dot_general3A_146 = arith.constant dense<0.000000e+00> : vector<3200x64xf32>
    %dot_general3A_147 = tpu.matmul %convert_element_type3A_145, %get3A_1, %dot_general3A_146 {dimension_numbers = #tpu.dot_dimension_numbers<[1], [0], [0], [1], [0, 0, 1, 1], [], []>, transpose_lhs_hint = false} : vector<3200x256xf32>, vector<256x64xf32>, vector<3200x64xf32> -> vector<3200x64xf32>
    %get3A_148 = arith.constant 0 : index
    %get3A_149 = arith.constant 15 : index
    %get3A_150 = vector.load %arg1[%get3A_148, %get3A_149] : memref<3200x16xi32, #tpu.memory_space<vmem>>, vector<3200x1xi32>
    %iota3A_151 = tpu.iota {dimensions = array<i32: 1>} : vector<3200x256xi32>
    %eq3A_152 = vector.broadcast %get3A_150 : vector<3200x1xi32> to vector<3200x256xi32>
    %eq3A_153 = arith.cmpi eq, %eq3A_152, %iota3A_151 : vector<3200x256xi32>
    %convert_element_type3A_154 = arith.extui %eq3A_153 : vector<3200x256xi1> to vector<3200x256xi32>
    %convert_element_type3A_155 = arith.sitofp %convert_element_type3A_154 : vector<3200x256xi32> to vector<3200x256xf32>
    %dot_general3A_156 = arith.constant dense<0.000000e+00> : vector<3200x64xf32>
    %dot_general3A_157 = tpu.matmul %convert_element_type3A_155, %get3A_1, %dot_general3A_156 {dimension_numbers = #tpu.dot_dimension_numbers<[1], [0], [0], [1], [0, 0, 1, 1], [], []>, transpose_lhs_hint = false} : vector<3200x256xf32>, vector<256x64xf32>, vector<3200x64xf32> -> vector<3200x64xf32>
    %concatenate3A = tpu.concatenate %dot_general3A_7, %dot_general3A_17, %dot_general3A_27, %dot_general3A_37, %dot_general3A_47, %dot_general3A_57, %dot_general3A_67, %dot_general3A_77, %dot_general3A_87, %dot_general3A_97, %dot_general3A_107, %dot_general3A_117, %dot_general3A_127, %dot_general3A_137, %dot_general3A_147, %dot_general3A_157 in 1 : vector<3200x64xf32>, vector<3200x64xf32>, vector<3200x64xf32>, vector<3200x64xf32>, vector<3200x64xf32>, vector<3200x64xf32>, vector<3200x64xf32>, vector<3200x64xf32>, vector<3200x64xf32>, vector<3200x64xf32>, vector<3200x64xf32>, vector<3200x64xf32>, vector<3200x64xf32>, vector<3200x64xf32>, vector<3200x64xf32>, vector<3200x64xf32> -> vector<3200x1024xf32>
    %get3A_158 = arith.constant 0 : index
    %get3A_159 = arith.constant 0 : index
    %get3A_160 = vector.load %arg3[%get3A_158, %get3A_159] : memref<1024x1024xf32, #tpu.memory_space<vmem>>, vector<1024x1024xf32>
    %dot_general3A_161 = arith.constant dense<0.000000e+00> : vector<3200x1024xf32>
    %dot_general3A_162 = tpu.matmul %concatenate3A, %get3A_160, %dot_general3A_161 {dimension_numbers = #tpu.dot_dimension_numbers<[1], [0], [0], [1], [0, 0, 1, 1], [], []>, transpose_lhs_hint = false} : vector<3200x1024xf32>, vector<1024x1024xf32>, vector<3200x1024xf32> -> vector<3200x1024xf32>
    %slice3A = vector.extract_strided_slice %dot_general3A_162 {offsets = [0, 0], sizes = [3200, 128], strides = [1, 1]} : vector<3200x1024xf32> to vector<3200x128xf32>
    %slice3A_163 = vector.extract_strided_slice %dot_general3A_162 {offsets = [0, 128], sizes = [3200, 128], strides = [1, 1]} : vector<3200x1024xf32> to vector<3200x128xf32>
    %max3A = arith.maximumf %slice3A, %slice3A_163 : vector<3200x128xf32>
    %slice3A_164 = vector.extract_strided_slice %dot_general3A_162 {offsets = [0, 256], sizes = [3200, 128], strides = [1, 1]} : vector<3200x1024xf32> to vector<3200x128xf32>
    %max3A_165 = arith.maximumf %max3A, %slice3A_164 : vector<3200x128xf32>
    %slice3A_166 = vector.extract_strided_slice %dot_general3A_162 {offsets = [0, 384], sizes = [3200, 128], strides = [1, 1]} : vector<3200x1024xf32> to vector<3200x128xf32>
    %max3A_167 = arith.maximumf %max3A_165, %slice3A_166 : vector<3200x128xf32>
    %slice3A_168 = vector.extract_strided_slice %dot_general3A_162 {offsets = [0, 512], sizes = [3200, 128], strides = [1, 1]} : vector<3200x1024xf32> to vector<3200x128xf32>
    %max3A_169 = arith.maximumf %max3A_167, %slice3A_168 : vector<3200x128xf32>
    %slice3A_170 = vector.extract_strided_slice %dot_general3A_162 {offsets = [0, 640], sizes = [3200, 128], strides = [1, 1]} : vector<3200x1024xf32> to vector<3200x128xf32>
    %max3A_171 = arith.maximumf %max3A_169, %slice3A_170 : vector<3200x128xf32>
    %slice3A_172 = vector.extract_strided_slice %dot_general3A_162 {offsets = [0, 768], sizes = [3200, 128], strides = [1, 1]} : vector<3200x1024xf32> to vector<3200x128xf32>
    %max3A_173 = arith.maximumf %max3A_171, %slice3A_172 : vector<3200x128xf32>
    %slice3A_174 = vector.extract_strided_slice %dot_general3A_162 {offsets = [0, 896], sizes = [3200, 128], strides = [1, 1]} : vector<3200x1024xf32> to vector<3200x128xf32>
    %max3A_175 = arith.maximumf %max3A_173, %slice3A_174 : vector<3200x128xf32>
    %slice3A_176 = vector.extract_strided_slice %max3A_175 {offsets = [0, 0], sizes = [3200, 64], strides = [1, 1]} : vector<3200x128xf32> to vector<3200x64xf32>
    %slice3A_177 = vector.extract_strided_slice %max3A_175 {offsets = [0, 64], sizes = [3200, 64], strides = [1, 1]} : vector<3200x128xf32> to vector<3200x64xf32>
    %max3A_178 = arith.maximumf %slice3A_176, %slice3A_177 : vector<3200x64xf32>
    %get3A_179 = arith.constant 0 : index
    %get3A_180 = arith.constant 0 : index
    %get3A_181 = vector.load %arg4[%get3A_179, %get3A_180] : memref<1x64xf32, #tpu.memory_space<vmem>>, vector<1x64xf32>
    %add3A = vector.broadcast %get3A_181 : vector<1x64xf32> to vector<3200x64xf32>
    %add3A_182 = arith.addf %max3A_178, %add3A : vector<3200x64xf32>
    %swap3A = arith.constant 0 : index
    %swap3A_183 = arith.constant 0 : index
    %swap3A_184 = vector.load %arg5[%swap3A, %swap3A_183] : memref<3200x64xf32, #tpu.memory_space<vmem>>, vector<3200x64xf32>
    tpu.vector_store %arg5[%swap3A, %swap3A_183], %add3A_182 {strides = array<i32>} : memref<3200x64xf32, #tpu.memory_space<vmem>>, vector<3200x64xf32>,
    return
  }
  func.func @transform_0(%arg0: i32) -> (i32, i32) {
    %c0_i32 = arith.constant 0 : i32
    %c0_i32_0 = arith.constant 0 : i32
    return %arg0, %c0_i32 : i32, i32
  }
  func.func @transform_1(%arg0: i32) -> (i32, i32) {
    %c0_i32 = arith.constant 0 : i32
    %c0_i32_0 = arith.constant 0 : i32
    %c0_i32_1 = arith.constant 0 : i32
    return %c0_i32, %c0_i32_0 : i32, i32
  }
  func.func @transform_2(%arg0: i32) -> (i32, i32) {
    %c0_i32 = arith.constant 0 : i32
    %c0_i32_0 = arith.constant 0 : i32
    %c0_i32_1 = arith.constant 0 : i32
    return %c0_i32, %c0_i32_0 : i32, i32
  }
  func.func @transform_3(%arg0: i32) -> (i32, i32) {
    %c0_i32 = arith.constant 0 : i32
    %c0_i32_0 = arith.constant 0 : i32
    %c0_i32_1 = arith.constant 0 : i32
    return %c0_i32, %c0_i32_0 : i32, i32
  }
  func.func @transform_4(%arg0: i32) -> (i32, i32) {
    %c0_i32 = arith.constant 0 : i32
    %c0_i32_0 = arith.constant 0 : i32
    return %arg0, %c0_i32 : i32, i32
  }
}

module attributes {stable_mosaic.version = 14 : i64} {
  func.func @body(%arg0: i32, %arg1: memref<6400x128xf32, #tpu.memory_space<vmem>>, %arg2: memref<6400x64xf32, #tpu.memory_space<vmem>>, %arg3: memref<128x50x192xf32, #tpu.memory_space<vmem>>) attributes {dimension_semantics = [#tpu.dimension_semantics<arbitrary>], iteration_bounds = array<i64: 8>, scalar_prefetch = 0 : i64, scratch_operands = 0 : i64, tpu.core_type = #tpu.core_type<tc>, window_params = [{transform_indices = @transform_0, window_bounds = array<i64: 6400, 128>}, {transform_indices = @transform_1, window_bounds = array<i64: 6400, 64>}, {transform_indices = @transform_2, window_bounds = array<i64: 128, 50, 192>}]} {
    %get3A = arith.constant 0 : index
    %get3A_0 = arith.constant 0 : index
    %get3A_1 = vector.load %arg1[%get3A, %get3A_0] : memref<6400x128xf32, #tpu.memory_space<vmem>>, vector<6400x128xf32>
    %reshape3A = vector.shape_cast %get3A_1 : vector<6400x128xf32> to vector<128x50x128xf32>
    %swap3A = arith.constant 0 : index
    %swap3A_2 = arith.constant 0 : index
    %swap3A_3 = arith.constant 0 : index
    %swap3A_4 = vector.load %arg3[%swap3A, %swap3A_2, %swap3A_3] : memref<128x50x192xf32, #tpu.memory_space<vmem>>, vector<128x50x128xf32>
    tpu.vector_store %arg3[%swap3A, %swap3A_2, %swap3A_3], %reshape3A {strides = array<i32>} : memref<128x50x192xf32, #tpu.memory_space<vmem>>, vector<128x50x128xf32>,
    %get3A_5 = arith.constant 0 : index
    %get3A_6 = arith.constant 0 : index
    %get3A_7 = vector.load %arg2[%get3A_5, %get3A_6] : memref<6400x64xf32, #tpu.memory_space<vmem>>, vector<6400x64xf32>
    %reshape3A_8 = vector.shape_cast %get3A_7 : vector<6400x64xf32> to vector<128x50x64xf32>
    %swap3A_9 = arith.constant 0 : index
    %swap3A_10 = arith.constant 0 : index
    %swap3A_11 = arith.constant 128 : index
    %swap3A_12 = vector.load %arg3[%swap3A_9, %swap3A_10, %swap3A_11] : memref<128x50x192xf32, #tpu.memory_space<vmem>>, vector<128x50x64xf32>
    tpu.vector_store %arg3[%swap3A_9, %swap3A_10, %swap3A_11], %reshape3A_8 {strides = array<i32>} : memref<128x50x192xf32, #tpu.memory_space<vmem>>, vector<128x50x64xf32>,
    return
  }
  func.func @transform_0(%arg0: i32) -> (i32, i32) {
    %c0_i32 = arith.constant 0 : i32
    %c0_i32_0 = arith.constant 0 : i32
    return %arg0, %c0_i32 : i32, i32
  }
  func.func @transform_1(%arg0: i32) -> (i32, i32) {
    %c0_i32 = arith.constant 0 : i32
    %c0_i32_0 = arith.constant 0 : i32
    return %arg0, %c0_i32 : i32, i32
  }
  func.func @transform_2(%arg0: i32) -> (i32, i32, i32) {
    %c0_i32 = arith.constant 0 : i32
    %c0_i32_0 = arith.constant 0 : i32
    %c0_i32_1 = arith.constant 0 : i32
    return %arg0, %c0_i32, %c0_i32_0 : i32, i32, i32
  }
}

</mosaic_0001>

<sc_bundles>
// kernel: kernel.5.cloned.1.call-start
scs
__scs_entry_jumppad:
0x0: {  	(pc) =	sbr.rel $0x88, $3  }
0x1: {  	(tag) =	ssettag $0x0;
	lr =	simm.s32 $0x1  }
0x2: {  	[smem:$0x3F9B] =	sst lr;
	_ =	strace $0xD0000000  }
0x3: {  	_ = 	snop  }
0x4: {  	_ = 	snop  }
0x5: {  	_ = 	snop  }
0x6: {  	_ = 	snop  }
0x7: {  	_ = 	snop  }
__scs_overlays_trampoline_lowered:
0x8: {  	[smem:$0x3FAA] =	sst s0  }
0x9: {  	[smem:$0x3FAB] =	sst s1  }
0xa: {  	[smem:$0x3FAC] =	sst s2  }
0xb: {  	[smem:$0x3FAD] =	sst s3  }
0xc: {  	[smem:$0x3FAE] =	sst s4  }
0xd: {  	[smem:$0x3FAF] =	sst s5  }
0xe: {  	[smem:$0x3FB0] =	sst s6  }
0xf: {  	[smem:$0x3FB1] =	sst s7  }
0x10: {  	[smem:$0x3FB2] =	sst s8  }
0x11: {  	[smem:$0x3FB3] =	sst s9;
	s0 =	simm.s32 @!p0 $0x0  }
0x12: {  	s1 =	sld [smem:$0x3F99];
	s0 =	simm.s32 @p0 $0x1  }
0x13: {  	[smem:$0x3FB4] =	sst s0;
	s0 =	simm.s32 @!p1 $0x0  }
0x14: {  	s2 =	sld [smem:$0x3F98];
	s0 =	simm.s32 @p1 $0x1  }
0x15: {  	[smem:$0x3FB5] =	sst s0;
	s0 =	simm.s32 @!p2 $0x0  }
0x16: {  	s3 =	sld [smem:$0x3FDB];
	s0 =	simm.s32 @p2 $0x1  }
0x17: {  	s4 =	simm.s32 $0x1BF5;
	[smem:$0x3FB7] =	sst s0  }
0x18: {  	s0 =	sld [smem:$0x3F9A];
	_ =	swait.ge [sflag:s4], $0x0  }
0x19: {  	s7 =	sld [smem:$0x3F9B]  }
0x1a: {  	s8 =	sadd.s32 $0xFFFFE003, lr  }
0x1b: {  	s9 =	sadd.s32 $0xFFFFFEF7, lr;
	s5 =	simm.s32 $0xFFFFFFFF;
	p2 =	slt.u32 s8, $0xFFFFF086  }
0x1c: {  	p1 =	slt.u32 s9, $0xF7A;
	s5 =	simm.s32 @!p2 $0x0  }
0x1d: {  	s5 =	simm.s32 @p1 $0x1;
	p0 =	seq.s32 s7, s2  }
0x1e: {  	s7 =	smul.u32 @!p0 $0xF7A, s2;
	p2 =	seq.s32 @!p0 s5, $0x0  }
0x1f: {  	s9 =	smul.u32 $0xF7A, s1;
	s8 =	simm.s32 @!p0 $0x1BF5;
	p2 =	por !p2, p0  }
0x20: {  	[sflag:s8] =	ssyncset.s32 @!p0 $0xFFFFF086;
	s6 =	sadd.s32 @!p0 s3, s7;
	s7 =	simm.s32 @!p0 $0x108  }
0x21: {  	s3 =	sadd.s32 s3, s9;
	s6 =	sadd.s32 @!p0 $0x88, s6;
	s7 =	simm.s32 @p2 $0x1082  }
0x22: {  	[simem:s7], [sflag:s8] =	dma.local @!p0 [hbm:s6], $0xF7A  }
0x23: {  	s9 =	sor.u32 $0xD0000000, s2;
	s6 =	simm.s32 $0x108;
	_ =	swait.ge @!p0 [sflag:s8], $0x0  }
0x24: {  	s3 =	sadd.s32 $0x88, s3;
	s6 =	simm.s32 @!p1 $0x1082;
	[sflag:s4] =	ssyncset.s32 $0xFFFFF086  }
0x25: {  	[simem:s6], [sflag:s4] =	dma.local [hbm:s3], $0xF7A  }
0x26: {  	[smem:$0x3F9B] =	sst s1;
	(tag) =	ssettag s2;
	_ =	strace s9  }
0x27: {  	s1 =	sld [smem:$0x3FAB]  }
0x28: {  	s2 =	sld [smem:$0x3FAC]  }
0x29: {  	s4 =	sld [smem:$0x3FAE]  }
0x2a: {  	p0 =	seq.s32 s5, $0x0;
	s5 =	sld [smem:$0x3FAF]  }
0x2b: {  	s6 =	sld [smem:$0x3FB0]  }
0x2c: {  	s7 =	sld [smem:$0x3FB1]  }
0x2d: {  	s3 =	simm.s32 $0x108;
	s8 =	sld [smem:$0x3FB2]  }
0x2e: {  	s3 =	simm.s32 @!p0 $0x1082;
	s9 =	sld [smem:$0x3FB3]  }
0x2f: {  	lr =	sadd.s32 s0, s3;
	s0 =	sld [smem:$0x3FAA]  }
0x30: {  	s3 =	sld [smem:$0x3FAD]  }
0x31: {  	[smem:$0x3FB6] =	sst s10  }
0x32: {  	s10 =	sld [smem:$0x3FB4];
	_ =	sdelay $0x3  }
0x33: {  	p0 =	seq.s32 s10, $0x1;
	s10 =	sld [smem:$0x3FB6];
	_ =	sdelay $0x3  }
0x34: {  	[smem:$0x3FB6] =	sst s10  }
0x35: {  	s10 =	sld [smem:$0x3FB5];
	_ =	sdelay $0x3  }
0x36: {  	p1 =	seq.s32 s10, $0x1;
	s10 =	sld [smem:$0x3FB6];
	_ =	sdelay $0x3  }
0x37: {  	[smem:$0x3FB6] =	sst s10  }
0x38: {  	s10 =	sld [smem:$0x3FB7]  }
0x39: {  	_ = 	snop;
	(pc) =	sbr.ind lr, $3  }
0x3a: {  	_ = 	snop  }
0x3b: {  	_ = 	snop  }
0x3c: {  	p2 =	seq.s32 s10, $0x1;
	s10 =	sld [smem:$0x3FB6]  }
0x3d: {  	_ =	shalt  }
0x3e: {  	_ =	shalt  }
0x3f: {  	_ =	shalt  }
0x40: {  	_ =	shalt  }
0x41: {  	_ =	shalt  }
0x42: {  	_ =	shalt  }
0x43: {  	_ =	shalt  }
0x44: {  	_ =	shalt  }
0x45: {  	_ =	shalt  }
0x46: {  	_ =	shalt  }
0x47: {  	_ =	shalt  }
0x48: {  	_ =	shalt  }
0x49: {  	_ =	shalt  }
0x4a: {  	_ =	shalt  }
0x4b: {  	_ =	shalt  }
0x4c: {  	_ =	shalt  }
0x4d: {  	_ =	shalt  }
0x4e: {  	_ =	shalt  }
0x4f: {  	_ =	shalt  }
0x50: {  	_ =	shalt  }
0x51: {  	_ =	shalt  }
0x52: {  	_ =	shalt  }
0x53: {  	_ =	shalt  }
0x54: {  	_ =	shalt  }
0x55: {  	_ =	shalt  }
0x56: {  	_ =	shalt  }
0x57: {  	_ =	shalt  }
0x58: {  	_ =	shalt  }
0x59: {  	_ =	shalt  }
0x5a: {  	_ =	shalt  }
0x5b: {  	_ =	shalt  }
0x5c: {  	_ =	shalt  }
0x5d: {  	_ =	shalt  }
0x5e: {  	_ =	shalt  }
0x5f: {  	_ =	shalt  }
0x60: {  	_ =	shalt  }
0x61: {  	_ =	shalt  }
0x62: {  	_ =	shalt  }
0x63: {  	_ =	shalt  }
0x64: {  	_ =	shalt  }
0x65: {  	_ =	shalt  }
0x66: {  	_ =	shalt  }
0x67: {  	_ =	shalt  }
0x68: {  	_ =	shalt  }
0x69: {  	_ =	shalt  }
0x6a: {  	_ =	shalt  }
0x6b: {  	_ =	shalt  }
0x6c: {  	_ =	shalt  }
0x6d: {  	_ =	shalt  }
0x6e: {  	_ =	shalt  }
0x6f: {  	_ =	shalt  }
0x70: {  	_ =	shalt  }
0x71: {  	_ =	shalt  }
0x72: {  	_ =	shalt  }
0x73: {  	_ =	shalt  }
0x74: {  	_ =	shalt  }
0x75: {  	_ =	shalt  }
0x76: {  	_ =	shalt  }
0x77: {  	_ =	shalt  }
0x78: {  	_ =	shalt  }
0x79: {  	_ =	shalt  }
0x7a: {  	_ =	shalt  }
0x7b: {  	_ =	shalt  }
0x7c: {  	_ =	shalt  }
0x7d: {  	_ =	shalt  }
0x7e: {  	_ =	shalt  }
0x7f: {  	_ =	shalt  }
0x80: {  	_ =	shalt  }
0x81: {  	_ =	shalt  }
0x82: {  	_ =	shalt  }
0x83: {  	_ =	shalt  }
0x84: {  	_ =	shalt  }
0x85: {  	_ =	shalt  }
0x86: {  	_ =	shalt  }
0x87: {  	_ =	shalt  }
.Lfunc_end0:
.L_simem_size_0:
called_computation_lowered:
.L_overlay_start_0:
0x88: {  	s2 =	sld [smem:$0x3FD9]  }
0x89: {  	s3 =	sld [smem:$0x3FFE];
	_ =	sdelay $0x1  }
0x8a: {  	s1 =	srdreg.scid  }
0x8b: {  	s0 =	sand.u32 $0x1, s1  }
0x8c: {  	s17 =	sshll.u32 s0, $0xA;
	s2 =	sadd.s32 s3, s2  }
0x8d: {  	s2 =	sadd.s32 s2, s17  }
0x8e: {  	[smem:$0x3FC2] =	sst s2  }
0x8f: {  	_ = 	snop  }
0x90: {  	s2 =	sld [smem:$0x3FC7];
	(tm) =	ssettm $0x1  }
0x91: {  	s18 =	sld [smem:$0x3FFB];
	_ =	sdelay $0x3  }
0x92: {  	_ =	strace s18  }
0x93: {  	s3 =	sld [smem:$0x3FFC];
	_ =	sdelay $0x3  }
0x94: {  	_ =	strace s3  }
0x95: {  	s3 =	sld [smem:$0x3FFD];
	_ =	sdelay $0x3  }
0x96: {  	_ =	strace s3  }
0x97: {  	_ =	strace $0x8FFFFFFF  }
0x98: {  	s19 =	sld [smem:$0x3FDB];
	_ =	sdelay $0x1  }
0x99: {  	s4 =	simm.s32 $_scs_section_size  }
0x9a: {  	s5 =	simm.s32 $_size__tile_overlayer_lowered;
	s6 =	simm.s32 $_tile_overlayer_lowered  }
0x9b: {  	s22 =	simm.s32 $0x1BFF;
	s21 =	sshll.u32 s6, $0x1;
	s3 =	sadd.s32 s4, s19  }
0x9c: {  	s7 =	simm.s32 $0x0;
	s20 =	sshll.u32 s5, $0x1;
	s5 =	sadd.s32 s21, s3  }
0x9d: {  	[timem:s7], [sflag:s22] =	dma.local [hbm:s5], s20  }
0x9e: {  	_ =	swait.ge [sflag:s22], s20  }
0x9f: {  	s4 =	ssub.s32 $0x0, s20;
	[sflag:s22] =	ssyncset.done $0x0  }
0xa0: {  	[sflag:s22] =	ssyncadd.s32 s4;
	_ =	sdelay $0x1  }
0xa1: {  	s23 =	simm.s32 $0x1B8B  }
0xa2: {  	_ =	swait.ge [sflag:s23], $0x1  }
0xa3: {  	[sflag:s23] =	ssyncset.done $0x0  }
0xa4: {  	s25 =	simm.s32 $0x1B8E;
	s24 =	sld [smem:$0x3FFE];
	[sflag:s23] =	ssyncadd.s32 $0xFFFFFFFF  }
0xa5: {  	s26 =	simm.s32 $execute0_lowered;
	[smem:$0x3FD2] =	sst s25  }
0xa6: {  	s5 =	sshll.u32 s26, $0x1;
	_ =	strace $0x80000046;
	[dreg:$0x1] =	wrdreg $0xFFFFFFFF  }
0xa7: {  	s28 =	simm.s32 $_size_execute0_lowered;
	s3 =	sadd.s32 s3, s5;
	[dreg:$0x0] =	wrdreg $0x0  }
0xa8: {  	s5 =	sshll.u32 s28, $0x1;
	[dreg:$0x2] =	wrdreg s3  }
0xa9: {  	[dreg:$0x3] =	wrdreg s5  }
0xaa: {  	[dreg:$0x4] =	wrdreg $0xC0  }
0xab: {  	_ =	task [dreg:s7], $0x5FFFF  }
0xac: {  	[dreg:$0x1] =	wrdreg $0xFFFFFFFF  }
0xad: {  	[dreg:$0x0] =	wrdreg $0x60  }
0xae: {  	[dreg:$0x2] =	wrdreg s2  }
0xaf: {  	[dreg:$0x3] =	wrdreg s24  }
0xb0: {  	[dreg:$0x4] =	wrdreg $0x9  }
0xb1: {  	_ =	task.clear_ibuf [dreg:s7], $0x5FFFF;
	_ =	strace $0x90000046  }
0xb2: {  	s29 =	simm.s32 $0x9;
	_ =	strace $0x80000048  }
0xb3: {  	_ =	swait.ge [sflag:s29], $0x1  }
0xb4: {  	[sflag:s29] =	ssyncadd.s32 $0xFFFFFFFF  }
0xb5: {  	_ =	strace $0x90000048  }
0xb6: {  	_ =	sfence  }
0xb7: {  	s30 =	sld [smem:$0x0];
	_ =	sdelay $0x2  }
0xb8: {  	s31 =	sshll.u32 s1, $0xD;
	s1 =	sshrl.u32 s1, $0x2  }
0xb9: {  	s3 =	sand.u32 $0x4000, s31;
	s1 =	sadd.s32 s1, s30  }
0xba: {  	s0 =	sor.u32 s3, s0;
	s1 =	sshll.u32 s1, $0x11  }
0xbb: {  	s0 =	sor.u32 s1, s0  }
0xbc: {  	s0 =	sadd.s32 $0x8F2B, s0  }
0xbd: {  	[sflag:s0] =	ssyncadd.remote.s32 $0x1  }
0xbe: {  	_ =	sfence.sel $0xFFFF  }
0xbf: {  	[dreg:$0x0] =	wrdreg $0xFFFFFFFF;
	(pc) =	sbr.abs _section_cstart, $3  }
0xc0: {  	[dreg:$0x1] =	wrdreg $0xFFFFFFFF  }
0xc1: {  	_ =	task.clear_ibuf [dreg:s7], $0x2FFFF;
	_ =	strace $0x9FFFFFFF  }
0xc2: {  	(tm) =	ssettm $0x7FFFFFFF  }
0xc3: {  	_ =	shalt  }
tec
execute0_lowered:
.L_overlay_start_1:
0x0: {  	(tag) =	ssettag $0x1  }
0x1: {  	s0 =	srdreg.scid;
	s1 =	stileid.u32  }
0x2: {  	s0 =	sand.u32 $0x1, s0;
	s1 =	sshll.u32 s1, $0x1  }
0x3: {  	s3 =	rddreg [dreg:$0x0];
	s1 =	sor.u32 s0, s1  }
0x4: {  	s4 =	rddreg [dreg:$0x1];
	s2 =	simm.s32 $0x0;
	s5 =	smul.u32 $0x180, s1  }
0x5: {  	[smem:$0x7FF] =	sst s2;
	s6 =	smul.u32 $0x32000, s1  }
0x6: {  	_ =	strace $0x80000047;
	s1 =	smul.u32 $0x6400, s1;
	s5 =	sadd.s32 s5, s4  }
0x7: {  	s4 =	sadd.s32 $0x4400, s4;
	s6 =	sshrl.u32 s6, $0x3;
	s5 =	sadd.s32 $0x1400, s5  }
0x8: {  	s1 =	sadd.s32 s4, s1;
	s4 =	sadd.s32 s4, s6;
	[dreg:$0x3] =	wrdreg s5  }
0x9: {  	[dreg:$0x4] =	wrdreg s1;
	s9 =	sadd.s32 $0x500, s4  }
0xa: {  	s31 =	simm.s32 $0x80;
	s10 =	sadd.s32 $0xA00, s4;
	[dreg:$0x5] =	wrdreg s9  }
0xb: {  	s7 =	simm.s32 $0x3400;
	s11 =	sadd.s32 $0xF00, s4;
	[dreg:$0x6] =	wrdreg s10  }
0xc: {  	s8 =	simm.s32 $0x2;
	s12 =	sadd.s32 $0x1400, s4;
	[dreg:$0x7] =	wrdreg s11  }
0xd: {  	s30 =	simm.s32 $0x100;
	s13 =	sadd.s32 $0x1900, s4;
	[dreg:$0x8] =	wrdreg s12  }
0xe: {  	s29 =	simm.s32 $0x180;
	s14 =	sadd.s32 $0x1E00, s4;
	[dreg:$0x9] =	wrdreg s13  }
0xf: {  	s28 =	simm.s32 $0x200;
	s15 =	sadd.s32 $0x2300, s4;
	[dreg:$0xa] =	wrdreg s14  }
0x10: {  	p0 =	por $0x0, $0x0;
	s16 =	sadd.s32 $0x2800, s4;
	[dreg:$0xb] =	wrdreg s15  }
0x11: {  	s0 =	ssub.s32 $0x2, s0;
	s17 =	sadd.s32 $0x2D00, s4;
	[dreg:$0xc] =	wrdreg s16  }
0x12: {  	s24 =	sshrl.u32 s0, $0x1;
	s18 =	sadd.s32 $0x3200, s4;
	[dreg:$0xd] =	wrdreg s17  }
0x13: {  	s0 =	ssub.s32 s0, s24;
	s19 =	sadd.s32 $0x3700, s4;
	[dreg:$0xe] =	wrdreg s18  }
0x14: {  	s24 =	simm.s32 $0x380;
	s20 =	sadd.s32 $0x3C00, s4;
	[dreg:$0xf] =	wrdreg s19  }
0x15: {  	s0 =	smax.u32 s0, $0x1;
	s21 =	sadd.s32 $0x4100, s4;
	[dreg:$0x10] =	wrdreg s20  }
0x16: {  	p1 =	sne.s32 s0, $0x1;
	s22 =	sadd.s32 $0x4600, s4;
	[dreg:$0x11] =	wrdreg s21  }
0x17: {  	s23 =	sadd.s32 $0x4B00, s4;
	s25 =	sadd.s32 $0x5000, s4;
	[dreg:$0x12] =	wrdreg s22  }
0x18: {  	s26 =	sadd.s32 $0x5500, s4;
	s6 =	sadd.s32 $0x5A00, s4;
	[dreg:$0x13] =	wrdreg s23  }
0x19: {  	s5 =	sadd.s32 $0x5F00, s4;
	s4 =	simm.s32 $0x3;
	[dreg:$0x14] =	wrdreg s25  }
0x1a: {  	s1 =	sadd.s32 $0xFFFFFFFF, s0;
	[dreg:$0x15] =	wrdreg s26;
	s9 =	simm.s32 $0x50  }
0x1b: {  	s10 =	simm.s32 $0xC00;
	s11 =	simm.s32 $0x1;
	s26 =	simm.s32 $0x280  }
.Ltmp0:
0x1c: {  	s25 =	simm.s32 $0x300;
	s23 =	simm.s32 $0x400;
	(pc) =	sbr.rel @!p1 .LBB2_3-.Ltmp0, $4  }
0x1d: {  	s22 =	simm.s32 $0x480;
	s21 =	simm.s32 $0x500;
	s20 =	simm.s32 $0x580  }
0x1e: {  	s19 =	simm.s32 $0x600;
	s18 =	simm.s32 $0x680;
	s17 =	simm.s32 $0x700  }
0x1f: {  	s16 =	simm.s32 $0x780;
	s15 =	simm.s32 $0x800;
	s14 =	simm.s32 $0x880  }
0x20: {  	s13 =	simm.s32 $0x900;
	s12 =	simm.s32 $0x980;
	s0 =	rddreg [dreg:$0x3]  }
0x21: {  	[tilespmem:s2], [sflag:$0x3] =	stream.linear.gather [hbm4b:s0+s2], $0xA00, $0x38;
	[tilespmem:$0x5C00] =	vst v63  }
0x22: {  	_ =	swait.ge [sflag:s4], $0xA00  }
0x23: {  	[sflag:s4] =	ssyncset.done $0x0  }
0x24: {  	[sflag:s4] =	ssyncadd.s32 $0xFFFFF600  }
0x25: {  	[tilespmem:s10], [sflag:$0x1] =	stream.indirect.gather [hbm4b:s3+s9], $0x80, s2, s9, $0xb8;
	[tilespmem:$0x5C00] =	vst v63  }
0x26: {  	_ =	swait.ge [sflag:s11], $0x2800  }
0x27: {  	[sflag:s11] =	ssyncset.done $0x0  }
0x28: {  	[sflag:s11] =	ssyncadd.s32 $0xFFFFD800  }
0x29: {  	[tilespmem:s7], [sflag:$0x2] =	stream.indirect.gather [hbm4b:s3+s9], $0x80, s31, s9, $0xb8;
	[tilespmem:$0x5C00] =	vst v63  }
0x2a: {  	s0 =	rddreg [dreg:$0x4]  }
0x2b: {  	[hbm4b:s0+s2] =	stream.linear.scatter [tilespmem:s10], [sflag:$0x3], $0x2800, $0x38;
	[tilespmem:$0x5C00] =	vst v63  }
0x2c: {  	_ =	swait.ge [sflag:s4], $0x2800  }
0x2d: {  	[sflag:s4] =	ssyncset.done $0x0  }
0x2e: {  	[sflag:s4] =	ssyncadd.s32 $0xFFFFD800  }
0x2f: {  	_ =	swait.ge [sflag:s8], $0x2800  }
0x30: {  	[sflag:s8] =	ssyncset.done $0x0  }
0x31: {  	[sflag:s8] =	ssyncadd.s32 $0xFFFFD800  }
0x32: {  	[tilespmem:s10], [sflag:$0x1] =	stream.indirect.gather [hbm4b:s3+s9], $0x80, s30, s9, $0xb8;
	[tilespmem:$0x5C00] =	vst v63  }
0x33: {  	s0 =	rddreg [dreg:$0x5]  }
0x34: {  	[hbm4b:s0+s2] =	stream.linear.scatter [tilespmem:s7], [sflag:$0x3], $0x2800, $0x38;
	[tilespmem:$0x5C00] =	vst v63  }
0x35: {  	_ =	swait.ge [sflag:s4], $0x2800  }
0x36: {  	[sflag:s4] =	ssyncset.done $0x0  }
0x37: {  	[sflag:s4] =	ssyncadd.s32 $0xFFFFD800  }
0x38: {  	_ =	swait.ge [sflag:s11], $0x2800  }
0x39: {  	[sflag:s11] =	ssyncset.done $0x0  }
0x3a: {  	[sflag:s11] =	ssyncadd.s32 $0xFFFFD800  }
0x3b: {  	[tilespmem:s7], [sflag:$0x2] =	stream.indirect.gather [hbm4b:s3+s9], $0x80, s29, s9, $0xb8;
	[tilespmem:$0x5C00] =	vst v63  }
0x3c: {  	s0 =	rddreg [dreg:$0x6]  }
0x3d: {  	[hbm4b:s0+s2] =	stream.linear.scatter [tilespmem:s10], [sflag:$0x3], $0x2800, $0x38;
	[tilespmem:$0x5C00] =	vst v63  }
0x3e: {  	_ =	swait.ge [sflag:s4], $0x2800  }
0x3f: {  	[sflag:s4] =	ssyncset.done $0x0  }
0x40: {  	[sflag:s4] =	ssyncadd.s32 $0xFFFFD800  }
0x41: {  	_ =	swait.ge [sflag:s8], $0x2800  }
0x42: {  	[sflag:s8] =	ssyncset.done $0x0  }
0x43: {  	[sflag:s8] =	ssyncadd.s32 $0xFFFFD800  }
0x44: {  	[tilespmem:s10], [sflag:$0x1] =	stream.indirect.gather [hbm4b:s3+s9], $0x80, s28, s9, $0xb8;
	[tilespmem:$0x5C00] =	vst v63  }
0x45: {  	s0 =	rddreg [dreg:$0x7]  }
0x46: {  	[hbm4b:s0+s2] =	stream.linear.scatter [tilespmem:s7], [sflag:$0x3], $0x2800, $0x38;
	[tilespmem:$0x5C00] =	vst v63  }
0x47: {  	_ =	swait.ge [sflag:s4], $0x2800  }
0x48: {  	[sflag:s4] =	ssyncset.done $0x0  }
0x49: {  	[sflag:s4] =	ssyncadd.s32 $0xFFFFD800  }
0x4a: {  	_ =	swait.ge [sflag:s11], $0x2800  }
0x4b: {  	[sflag:s11] =	ssyncset.done $0x0  }
0x4c: {  	[sflag:s11] =	ssyncadd.s32 $0xFFFFD800  }
0x4d: {  	[tilespmem:s7], [sflag:$0x2] =	stream.indirect.gather [hbm4b:s3+s9], $0x80, s26, s9, $0xb8;
	[tilespmem:$0x5C00] =	vst v63  }
0x4e: {  	s0 =	rddreg [dreg:$0x8]  }
0x4f: {  	[hbm4b:s0+s2] =	stream.linear.scatter [tilespmem:s10], [sflag:$0x3], $0x2800, $0x38;
	[tilespmem:$0x5C00] =	vst v63  }
0x50: {  	_ =	swait.ge [sflag:s4], $0x2800  }
0x51: {  	[sflag:s4] =	ssyncset.done $0x0  }
0x52: {  	[sflag:s4] =	ssyncadd.s32 $0xFFFFD800  }
0x53: {  	_ =	swait.ge [sflag:s8], $0x2800  }
0x54: {  	[sflag:s8] =	ssyncset.done $0x0  }
0x55: {  	[sflag:s8] =	ssyncadd.s32 $0xFFFFD800  }
0x56: {  	[tilespmem:s10], [sflag:$0x1] =	stream.indirect.gather [hbm4b:s3+s9], $0x80, s25, s9, $0xb8;
	[tilespmem:$0x5C00] =	vst v63  }
0x57: {  	s0 =	rddreg [dreg:$0x9]  }
0x58: {  	[hbm4b:s0+s2] =	stream.linear.scatter [tilespmem:s7], [sflag:$0x3], $0x2800, $0x38;
	[tilespmem:$0x5C00] =	vst v63  }
0x59: {  	_ =	swait.ge [sflag:s4], $0x2800  }
0x5a: {  	[sflag:s4] =	ssyncset.done $0x0  }
0x5b: {  	[sflag:s4] =	ssyncadd.s32 $0xFFFFD800  }
0x5c: {  	_ =	swait.ge [sflag:s11], $0x2800  }
0x5d: {  	[sflag:s11] =	ssyncset.done $0x0  }
0x5e: {  	[sflag:s11] =	ssyncadd.s32 $0xFFFFD800  }
0x5f: {  	[tilespmem:s7], [sflag:$0x2] =	stream.indirect.gather [hbm4b:s3+s9], $0x80, s24, s9, $0xb8;
	[tilespmem:$0x5C00] =	vst v63  }
0x60: {  	s0 =	rddreg [dreg:$0xa]  }
0x61: {  	[hbm4b:s0+s2] =	stream.linear.scatter [tilespmem:s10], [sflag:$0x3], $0x2800, $0x38;
	[tilespmem:$0x5C00] =	vst v63  }
0x62: {  	_ =	swait.ge [sflag:s4], $0x2800  }
0x63: {  	[sflag:s4] =	ssyncset.done $0x0  }
0x64: {  	[sflag:s4] =	ssyncadd.s32 $0xFFFFD800  }
0x65: {  	_ =	swait.ge [sflag:s8], $0x2800  }
0x66: {  	[sflag:s8] =	ssyncset.done $0x0  }
0x67: {  	[sflag:s8] =	ssyncadd.s32 $0xFFFFD800  }
0x68: {  	[tilespmem:s10], [sflag:$0x1] =	stream.indirect.gather [hbm4b:s3+s9], $0x80, s23, s9, $0xb8;
	[tilespmem:$0x5C00] =	vst v63  }
0x69: {  	s0 =	rddreg [dreg:$0xb]  }
0x6a: {  	[hbm4b:s0+s2] =	stream.linear.scatter [tilespmem:s7], [sflag:$0x3], $0x2800, $0x38;
	[tilespmem:$0x5C00] =	vst v63  }
0x6b: {  	_ =	swait.ge [sflag:s4], $0x2800  }
0x6c: {  	[sflag:s4] =	ssyncset.done $0x0  }
0x6d: {  	[sflag:s4] =	ssyncadd.s32 $0xFFFFD800  }
0x6e: {  	_ =	swait.ge [sflag:s11], $0x2800  }
0x6f: {  	[sflag:s11] =	ssyncset.done $0x0  }
0x70: {  	[sflag:s11] =	ssyncadd.s32 $0xFFFFD800  }
0x71: {  	[tilespmem:s7], [sflag:$0x2] =	stream.indirect.gather [hbm4b:s3+s9], $0x80, s22, s9, $0xb8;
	[tilespmem:$0x5C00] =	vst v63  }
0x72: {  	s0 =	rddreg [dreg:$0xc]  }
0x73: {  	[hbm4b:s0+s2] =	stream.linear.scatter [tilespmem:s10], [sflag:$0x3], $0x2800, $0x38;
	[tilespmem:$0x5C00] =	vst v63  }
0x74: {  	_ =	swait.ge [sflag:s4], $0x2800  }
0x75: {  	[sflag:s4] =	ssyncset.done $0x0  }
0x76: {  	[sflag:s4] =	ssyncadd.s32 $0xFFFFD800  }
0x77: {  	_ =	swait.ge [sflag:s8], $0x2800  }
0x78: {  	[sflag:s8] =	ssyncset.done $0x0  }
0x79: {  	[sflag:s8] =	ssyncadd.s32 $0xFFFFD800  }
0x7a: {  	[tilespmem:s10], [sflag:$0x1] =	stream.indirect.gather [hbm4b:s3+s9], $0x80, s21, s9, $0xb8;
	[tilespmem:$0x5C00] =	vst v63  }
0x7b: {  	s0 =	rddreg [dreg:$0xd]  }
0x7c: {  	[hbm4b:s0+s2] =	stream.linear.scatter [tilespmem:s7], [sflag:$0x3], $0x2800, $0x38;
	[tilespmem:$0x5C00] =	vst v63  }
0x7d: {  	_ =	swait.ge [sflag:s4], $0x2800  }
0x7e: {  	[sflag:s4] =	ssyncset.done $0x0  }
0x7f: {  	[sflag:s4] =	ssyncadd.s32 $0xFFFFD800  }
0x80: {  	_ =	swait.ge [sflag:s11], $0x2800  }
0x81: {  	[sflag:s11] =	ssyncset.done $0x0  }
0x82: {  	[sflag:s11] =	ssyncadd.s32 $0xFFFFD800  }
0x83: {  	[tilespmem:s7], [sflag:$0x2] =	stream.indirect.gather [hbm4b:s3+s9], $0x80, s20, s9, $0xb8;
	[tilespmem:$0x5C00] =	vst v63  }
0x84: {  	s0 =	rddreg [dreg:$0xe]  }
0x85: {  	[hbm4b:s0+s2] =	stream.linear.scatter [tilespmem:s10], [sflag:$0x3], $0x2800, $0x38;
	[tilespmem:$0x5C00] =	vst v63  }
0x86: {  	_ =	swait.ge [sflag:s4], $0x2800  }
0x87: {  	[sflag:s4] =	ssyncset.done $0x0  }
0x88: {  	[sflag:s4] =	ssyncadd.s32 $0xFFFFD800  }
0x89: {  	_ =	swait.ge [sflag:s8], $0x2800  }
0x8a: {  	[sflag:s8] =	ssyncset.done $0x0  }
0x8b: {  	[sflag:s8] =	ssyncadd.s32 $0xFFFFD800  }
0x8c: {  	[tilespmem:s10], [sflag:$0x1] =	stream.indirect.gather [hbm4b:s3+s9], $0x80, s19, s9, $0xb8;
	[tilespmem:$0x5C00] =	vst v63  }
0x8d: {  	s0 =	rddreg [dreg:$0xf]  }
0x8e: {  	[hbm4b:s0+s2] =	stream.linear.scatter [tilespmem:s7], [sflag:$0x3], $0x2800, $0x38;
	[tilespmem:$0x5C00] =	vst v63  }
0x8f: {  	_ =	swait.ge [sflag:s4], $0x2800  }
0x90: {  	[sflag:s4] =	ssyncset.done $0x0  }
0x91: {  	[sflag:s4] =	ssyncadd.s32 $0xFFFFD800  }
0x92: {  	_ =	swait.ge [sflag:s11], $0x2800  }
0x93: {  	[sflag:s11] =	ssyncset.done $0x0  }
0x94: {  	[sflag:s11] =	ssyncadd.s32 $0xFFFFD800  }
0x95: {  	[tilespmem:s7], [sflag:$0x2] =	stream.indirect.gather [hbm4b:s3+s9], $0x80, s18, s9, $0xb8;
	[tilespmem:$0x5C00] =	vst v63  }
0x96: {  	s0 =	rddreg [dreg:$0x10]  }
0x97: {  	[hbm4b:s0+s2] =	stream.linear.scatter [tilespmem:s10], [sflag:$0x3], $0x2800, $0x38;
	[tilespmem:$0x5C00] =	vst v63  }
0x98: {  	_ =	swait.ge [sflag:s4], $0x2800  }
0x99: {  	[sflag:s4] =	ssyncset.done $0x0  }
0x9a: {  	[sflag:s4] =	ssyncadd.s32 $0xFFFFD800  }
0x9b: {  	_ =	swait.ge [sflag:s8], $0x2800  }
0x9c: {  	[sflag:s8] =	ssyncset.done $0x0  }
0x9d: {  	[sflag:s8] =	ssyncadd.s32 $0xFFFFD800  }
0x9e: {  	[tilespmem:s10], [sflag:$0x1] =	stream.indirect.gather [hbm4b:s3+s9], $0x80, s17, s9, $0xb8;
	[tilespmem:$0x5C00] =	vst v63  }
0x9f: {  	s0 =	rddreg [dreg:$0x11]  }
0xa0: {  	[hbm4b:s0+s2] =	stream.linear.scatter [tilespmem:s7], [sflag:$0x3], $0x2800, $0x38;
	[tilespmem:$0x5C00] =	vst v63  }
0xa1: {  	_ =	swait.ge [sflag:s4], $0x2800  }
0xa2: {  	[sflag:s4] =	ssyncset.done $0x0  }
0xa3: {  	[sflag:s4] =	ssyncadd.s32 $0xFFFFD800  }
0xa4: {  	_ =	swait.ge [sflag:s11], $0x2800  }
0xa5: {  	[sflag:s11] =	ssyncset.done $0x0  }
0xa6: {  	[sflag:s11] =	ssyncadd.s32 $0xFFFFD800  }
0xa7: {  	[tilespmem:s7], [sflag:$0x2] =	stream.indirect.gather [hbm4b:s3+s9], $0x80, s16, s9, $0xb8;
	[tilespmem:$0x5C00] =	vst v63  }
0xa8: {  	s0 =	rddreg [dreg:$0x12]  }
0xa9: {  	[hbm4b:s0+s2] =	stream.linear.scatter [tilespmem:s10], [sflag:$0x3], $0x2800, $0x38;
	[tilespmem:$0x5C00] =	vst v63  }
0xaa: {  	_ =	swait.ge [sflag:s4], $0x2800  }
0xab: {  	[sflag:s4] =	ssyncset.done $0x0  }
0xac: {  	[sflag:s4] =	ssyncadd.s32 $0xFFFFD800  }
0xad: {  	_ =	swait.ge [sflag:s8], $0x2800  }
0xae: {  	[sflag:s8] =	ssyncset.done $0x0  }
0xaf: {  	[sflag:s8] =	ssyncadd.s32 $0xFFFFD800  }
0xb0: {  	[tilespmem:s10], [sflag:$0x1] =	stream.indirect.gather [hbm4b:s3+s9], $0x80, s15, s9, $0xb8;
	[tilespmem:$0x5C00] =	vst v63  }
0xb1: {  	s0 =	rddreg [dreg:$0x13]  }
0xb2: {  	[hbm4b:s0+s2] =	stream.linear.scatter [tilespmem:s7], [sflag:$0x3], $0x2800, $0x38;
	[tilespmem:$0x5C00] =	vst v63  }
0xb3: {  	_ =	swait.ge [sflag:s4], $0x2800  }
0xb4: {  	[sflag:s4] =	ssyncset.done $0x0  }
0xb5: {  	[sflag:s4] =	ssyncadd.s32 $0xFFFFD800  }
0xb6: {  	_ =	swait.ge [sflag:s11], $0x2800  }
0xb7: {  	[sflag:s11] =	ssyncset.done $0x0  }
0xb8: {  	[sflag:s11] =	ssyncadd.s32 $0xFFFFD800  }
0xb9: {  	[tilespmem:s7], [sflag:$0x2] =	stream.indirect.gather [hbm4b:s3+s9], $0x80, s14, s9, $0xb8;
	[tilespmem:$0x5C00] =	vst v63  }
0xba: {  	s0 =	rddreg [dreg:$0x14]  }
0xbb: {  	[hbm4b:s0+s2] =	stream.linear.scatter [tilespmem:s10], [sflag:$0x3], $0x2800, $0x38;
	[tilespmem:$0x5C00] =	vst v63  }
0xbc: {  	_ =	swait.ge [sflag:s4], $0x2800  }
0xbd: {  	[sflag:s4] =	ssyncset.done $0x0  }
0xbe: {  	[sflag:s4] =	ssyncadd.s32 $0xFFFFD800  }
0xbf: {  	_ =	swait.ge [sflag:s8], $0x2800  }
0xc0: {  	[sflag:s8] =	ssyncset.done $0x0  }
0xc1: {  	[sflag:s8] =	ssyncadd.s32 $0xFFFFD800  }
0xc2: {  	[tilespmem:s10], [sflag:$0x1] =	stream.indirect.gather [hbm4b:s3+s9], $0x80, s13, s9, $0xb8;
	[tilespmem:$0x5C00] =	vst v63  }
0xc3: {  	s0 =	rddreg [dreg:$0x15]  }
0xc4: {  	[hbm4b:s0+s2] =	stream.linear.scatter [tilespmem:s7], [sflag:$0x3], $0x2800, $0x38;
	[tilespmem:$0x5C00] =	vst v63  }
0xc5: {  	_ =	swait.ge [sflag:s4], $0x2800  }
0xc6: {  	[sflag:s4] =	ssyncset.done $0x0  }
0xc7: {  	[sflag:s4] =	ssyncadd.s32 $0xFFFFD800  }
0xc8: {  	_ =	swait.ge [sflag:s11], $0x2800  }
0xc9: {  	[sflag:s11] =	ssyncset.done $0x0  }
0xca: {  	[sflag:s11] =	ssyncadd.s32 $0xFFFFD800  }
0xcb: {  	[tilespmem:s7], [sflag:$0x2] =	stream.indirect.gather [hbm4b:s3+s9], $0x80, s12, s9, $0xb8;
	[tilespmem:$0x5C00] =	vst v63  }
0xcc: {  	_ = 	snop  }
0xcd: {  	[hbm4b:s6+s2] =	stream.linear.scatter [tilespmem:s10], [sflag:$0x3], $0x2800, $0x38;
	[tilespmem:$0x5C00] =	vst v63  }
0xce: {  	_ =	swait.ge [sflag:s4], $0x2800  }
0xcf: {  	[sflag:s4] =	ssyncset.done $0x0  }
0xd0: {  	[sflag:s4] =	ssyncadd.s32 $0xFFFFD800  }
0xd1: {  	p1 =	sne.s32 s1, $0x1;
	_ =	swait.ge [sflag:s8], $0x2800  }
.Ltmp1:
0xd2: {  	[sflag:s8] =	ssyncset.done $0x0;
	(pc) =	sbr.rel @!p1 .LBB2_3-.Ltmp1, $4  }
0xd3: {  	[sflag:s8] =	ssyncadd.s32 $0xFFFFD800  }
0xd4: {  	[hbm4b:s5+s2] =	stream.linear.scatter [tilespmem:s7], [sflag:$0x3], $0x2800, $0x38;
	[tilespmem:$0x5C00] =	vst v63  }
0xd5: {  	s1 =	sadd.s32 $0xFFFFFFFF, s1;
	_ =	swait.ge [sflag:s4], $0x2800  }
0xd6: {  	p0 =	por $0x1, $0x1;
	s0 =	rddreg [dreg:$0x3];
	[sflag:s4] =	ssyncset.done $0x0  }
.LBB2_2:
0xd7: {  	[sflag:s4] =	ssyncadd.s32 $0xFFFFD800  }
0xd8: {  	[tilespmem:s2], [sflag:$0x3] =	stream.linear.gather [hbm4b:s0+s2], $0xA00, $0x38;
	[tilespmem:$0x5C00] =	vst v63  }
0xd9: {  	_ =	swait.ge [sflag:s4], $0xA00  }
0xda: {  	[sflag:s4] =	ssyncset.done $0x0  }
0xdb: {  	[sflag:s4] =	ssyncadd.s32 $0xFFFFF600  }
0xdc: {  	[tilespmem:s10], [sflag:$0x1] =	stream.indirect.gather [hbm4b:s3+s9], $0x80, s2, s9, $0xb8;
	[tilespmem:$0x5C00] =	vst v63  }
0xdd: {  	_ =	swait.ge [sflag:s11], $0x2800  }
0xde: {  	[sflag:s11] =	ssyncset.done $0x0  }
0xdf: {  	[sflag:s11] =	ssyncadd.s32 $0xFFFFD800  }
0xe0: {  	[tilespmem:s7], [sflag:$0x2] =	stream.indirect.gather [hbm4b:s3+s9], $0x80, s31, s9, $0xb8;
	[tilespmem:$0x5C00] =	vst v63  }
0xe1: {  	s0 =	rddreg [dreg:$0x4]  }
0xe2: {  	[hbm4b:s0+s2] =	stream.linear.scatter [tilespmem:s10], [sflag:$0x3], $0x2800, $0x38;
	[tilespmem:$0x5C00] =	vst v63  }
0xe3: {  	_ =	swait.ge [sflag:s4], $0x2800  }
0xe4: {  	[sflag:s4] =	ssyncset.done $0x0  }
0xe5: {  	[sflag:s4] =	ssyncadd.s32 $0xFFFFD800  }
0xe6: {  	_ =	swait.ge [sflag:s8], $0x2800  }
0xe7: {  	[sflag:s8] =	ssyncset.done $0x0  }
0xe8: {  	[sflag:s8] =	ssyncadd.s32 $0xFFFFD800  }
0xe9: {  	[tilespmem:s10], [sflag:$0x1] =	stream.indirect.gather [hbm4b:s3+s9], $0x80, s30, s9, $0xb8;
	[tilespmem:$0x5C00] =	vst v63  }
0xea: {  	s0 =	rddreg [dreg:$0x5]  }
0xeb: {  	[hbm4b:s0+s2] =	stream.linear.scatter [tilespmem:s7], [sflag:$0x3], $0x2800, $0x38;
	[tilespmem:$0x5C00] =	vst v63  }
0xec: {  	_ =	swait.ge [sflag:s4], $0x2800  }
0xed: {  	[sflag:s4] =	ssyncset.done $0x0  }
0xee: {  	[sflag:s4] =	ssyncadd.s32 $0xFFFFD800  }
0xef: {  	_ =	swait.ge [sflag:s11], $0x2800  }
0xf0: {  	[sflag:s11] =	ssyncset.done $0x0  }
0xf1: {  	[sflag:s11] =	ssyncadd.s32 $0xFFFFD800  }
0xf2: {  	[tilespmem:s7], [sflag:$0x2] =	stream.indirect.gather [hbm4b:s3+s9], $0x80, s29, s9, $0xb8;
	[tilespmem:$0x5C00] =	vst v63  }
0xf3: {  	s0 =	rddreg [dreg:$0x6]  }
0xf4: {  	[hbm4b:s0+s2] =	stream.linear.scatter [tilespmem:s10], [sflag:$0x3], $0x2800, $0x38;
	[tilespmem:$0x5C00] =	vst v63  }
0xf5: {  	_ =	swait.ge [sflag:s4], $0x2800  }
0xf6: {  	[sflag:s4] =	ssyncset.done $0x0  }
0xf7: {  	[sflag:s4] =	ssyncadd.s32 $0xFFFFD800  }
0xf8: {  	_ =	swait.ge [sflag:s8], $0x2800  }
0xf9: {  	[sflag:s8] =	ssyncset.done $0x0  }
0xfa: {  	[sflag:s8] =	ssyncadd.s32 $0xFFFFD800  }
0xfb: {  	[tilespmem:s10], [sflag:$0x1] =	stream.indirect.gather [hbm4b:s3+s9], $0x80, s28, s9, $0xb8;
	[tilespmem:$0x5C00] =	vst v63  }
0xfc: {  	s0 =	rddreg [dreg:$0x7]  }
0xfd: {  	[hbm4b:s0+s2] =	stream.linear.scatter [tilespmem:s7], [sflag:$0x3], $0x2800, $0x38;
	[tilespmem:$0x5C00] =	vst v63  }
0xfe: {  	_ =	swait.ge [sflag:s4], $0x2800  }
0xff: {  	[sflag:s4] =	ssyncset.done $0x0  }
0x100: {  	[sflag:s4] =	ssyncadd.s32 $0xFFFFD800  }
0x101: {  	_ =	swait.ge [sflag:s11], $0x2800  }
0x102: {  	[sflag:s11] =	ssyncset.done $0x0  }
0x103: {  	[sflag:s11] =	ssyncadd.s32 $0xFFFFD800  }
0x104: {  	[tilespmem:s7], [sflag:$0x2] =	stream.indirect.gather [hbm4b:s3+s9], $0x80, s26, s9, $0xb8;
	[tilespmem:$0x5C00] =	vst v63  }
0x105: {  	s0 =	rddreg [dreg:$0x8]  }
0x106: {  	[hbm4b:s0+s2] =	stream.linear.scatter [tilespmem:s10], [sflag:$0x3], $0x2800, $0x38;
	[tilespmem:$0x5C00] =	vst v63  }
0x107: {  	_ =	swait.ge [sflag:s4], $0x2800  }
0x108: {  	[sflag:s4] =	ssyncset.done $0x0  }
0x109: {  	[sflag:s4] =	ssyncadd.s32 $0xFFFFD800  }
0x10a: {  	_ =	swait.ge [sflag:s8], $0x2800  }
0x10b: {  	[sflag:s8] =	ssyncset.done $0x0  }
0x10c: {  	[sflag:s8] =	ssyncadd.s32 $0xFFFFD800  }
0x10d: {  	[tilespmem:s10], [sflag:$0x1] =	stream.indirect.gather [hbm4b:s3+s9], $0x80, s25, s9, $0xb8;
	[tilespmem:$0x5C00] =	vst v63  }
0x10e: {  	s0 =	rddreg [dreg:$0x9]  }
0x10f: {  	[hbm4b:s0+s2] =	stream.linear.scatter [tilespmem:s7], [sflag:$0x3], $0x2800, $0x38;
	[tilespmem:$0x5C00] =	vst v63  }
0x110: {  	_ =	swait.ge [sflag:s4], $0x2800  }
0x111: {  	[sflag:s4] =	ssyncset.done $0x0  }
0x112: {  	[sflag:s4] =	ssyncadd.s32 $0xFFFFD800  }
0x113: {  	_ =	swait.ge [sflag:s11], $0x2800  }
0x114: {  	[sflag:s11] =	ssyncset.done $0x0  }
0x115: {  	[sflag:s11] =	ssyncadd.s32 $0xFFFFD800  }
0x116: {  	[tilespmem:s7], [sflag:$0x2] =	stream.indirect.gather [hbm4b:s3+s9], $0x80, s24, s9, $0xb8;
	[tilespmem:$0x5C00] =	vst v63  }
0x117: {  	s0 =	rddreg [dreg:$0xa]  }
0x118: {  	[hbm4b:s0+s2] =	stream.linear.scatter [tilespmem:s10], [sflag:$0x3], $0x2800, $0x38;
	[tilespmem:$0x5C00] =	vst v63  }
0x119: {  	_ =	swait.ge [sflag:s4], $0x2800  }
0x11a: {  	[sflag:s4] =	ssyncset.done $0x0  }
0x11b: {  	[sflag:s4] =	ssyncadd.s32 $0xFFFFD800  }
0x11c: {  	_ =	swait.ge [sflag:s8], $0x2800  }
0x11d: {  	[sflag:s8] =	ssyncset.done $0x0  }
0x11e: {  	[sflag:s8] =	ssyncadd.s32 $0xFFFFD800  }
0x11f: {  	[tilespmem:s10], [sflag:$0x1] =	stream.indirect.gather [hbm4b:s3+s9], $0x80, s23, s9, $0xb8;
	[tilespmem:$0x5C00] =	vst v63  }
0x120: {  	s0 =	rddreg [dreg:$0xb]  }
0x121: {  	[hbm4b:s0+s2] =	stream.linear.scatter [tilespmem:s7], [sflag:$0x3], $0x2800, $0x38;
	[tilespmem:$0x5C00] =	vst v63  }
0x122: {  	_ =	swait.ge [sflag:s4], $0x2800  }
0x123: {  	[sflag:s4] =	ssyncset.done $0x0  }
0x124: {  	[sflag:s4] =	ssyncadd.s32 $0xFFFFD800  }
0x125: {  	_ =	swait.ge [sflag:s11], $0x2800  }
0x126: {  	[sflag:s11] =	ssyncset.done $0x0  }
0x127: {  	[sflag:s11] =	ssyncadd.s32 $0xFFFFD800  }
0x128: {  	[tilespmem:s7], [sflag:$0x2] =	stream.indirect.gather [hbm4b:s3+s9], $0x80, s22, s9, $0xb8;
	[tilespmem:$0x5C00] =	vst v63  }
0x129: {  	s0 =	rddreg [dreg:$0xc]  }
0x12a: {  	[hbm4b:s0+s2] =	stream.linear.scatter [tilespmem:s10], [sflag:$0x3], $0x2800, $0x38;
	[tilespmem:$0x5C00] =	vst v63  }
0x12b: {  	_ =	swait.ge [sflag:s4], $0x2800  }
0x12c: {  	[sflag:s4] =	ssyncset.done $0x0  }
0x12d: {  	[sflag:s4] =	ssyncadd.s32 $0xFFFFD800  }
0x12e: {  	_ =	swait.ge [sflag:s8], $0x2800  }
0x12f: {  	[sflag:s8] =	ssyncset.done $0x0  }
0x130: {  	[sflag:s8] =	ssyncadd.s32 $0xFFFFD800  }
0x131: {  	[tilespmem:s10], [sflag:$0x1] =	stream.indirect.gather [hbm4b:s3+s9], $0x80, s21, s9, $0xb8;
	[tilespmem:$0x5C00] =	vst v63  }
0x132: {  	s0 =	rddreg [dreg:$0xd]  }
0x133: {  	[hbm4b:s0+s2] =	stream.linear.scatter [tilespmem:s7], [sflag:$0x3], $0x2800, $0x38;
	[tilespmem:$0x5C00] =	vst v63  }
0x134: {  	_ =	swait.ge [sflag:s4], $0x2800  }
0x135: {  	[sflag:s4] =	ssyncset.done $0x0  }
0x136: {  	[sflag:s4] =	ssyncadd.s32 $0xFFFFD800  }
0x137: {  	_ =	swait.ge [sflag:s11], $0x2800  }
0x138: {  	[sflag:s11] =	ssyncset.done $0x0  }
0x139: {  	[sflag:s11] =	ssyncadd.s32 $0xFFFFD800  }
0x13a: {  	[tilespmem:s7], [sflag:$0x2] =	stream.indirect.gather [hbm4b:s3+s9], $0x80, s20, s9, $0xb8;
	[tilespmem:$0x5C00] =	vst v63  }
0x13b: {  	s0 =	rddreg [dreg:$0xe]  }
0x13c: {  	[hbm4b:s0+s2] =	stream.linear.scatter [tilespmem:s10], [sflag:$0x3], $0x2800, $0x38;
	[tilespmem:$0x5C00] =	vst v63  }
0x13d: {  	_ =	swait.ge [sflag:s4], $0x2800  }
0x13e: {  	[sflag:s4] =	ssyncset.done $0x0  }
0x13f: {  	[sflag:s4] =	ssyncadd.s32 $0xFFFFD800  }
0x140: {  	_ =	swait.ge [sflag:s8], $0x2800  }
0x141: {  	[sflag:s8] =	ssyncset.done $0x0  }
0x142: {  	[sflag:s8] =	ssyncadd.s32 $0xFFFFD800  }
0x143: {  	[tilespmem:s10], [sflag:$0x1] =	stream.indirect.gather [hbm4b:s3+s9], $0x80, s19, s9, $0xb8;
	[tilespmem:$0x5C00] =	vst v63  }
0x144: {  	s0 =	rddreg [dreg:$0xf]  }
0x145: {  	[hbm4b:s0+s2] =	stream.linear.scatter [tilespmem:s7], [sflag:$0x3], $0x2800, $0x38;
	[tilespmem:$0x5C00] =	vst v63  }
0x146: {  	_ =	swait.ge [sflag:s4], $0x2800  }
0x147: {  	[sflag:s4] =	ssyncset.done $0x0  }
0x148: {  	[sflag:s4] =	ssyncadd.s32 $0xFFFFD800  }
0x149: {  	_ =	swait.ge [sflag:s11], $0x2800  }
0x14a: {  	[sflag:s11] =	ssyncset.done $0x0  }
0x14b: {  	[sflag:s11] =	ssyncadd.s32 $0xFFFFD800  }
0x14c: {  	[tilespmem:s7], [sflag:$0x2] =	stream.indirect.gather [hbm4b:s3+s9], $0x80, s18, s9, $0xb8;
	[tilespmem:$0x5C00] =	vst v63  }
0x14d: {  	s0 =	rddreg [dreg:$0x10]  }
0x14e: {  	[hbm4b:s0+s2] =	stream.linear.scatter [tilespmem:s10], [sflag:$0x3], $0x2800, $0x38;
	[tilespmem:$0x5C00] =	vst v63  }
0x14f: {  	_ =	swait.ge [sflag:s4], $0x2800  }
0x150: {  	[sflag:s4] =	ssyncset.done $0x0  }
0x151: {  	[sflag:s4] =	ssyncadd.s32 $0xFFFFD800  }
0x152: {  	_ =	swait.ge [sflag:s8], $0x2800  }
0x153: {  	[sflag:s8] =	ssyncset.done $0x0  }
0x154: {  	[sflag:s8] =	ssyncadd.s32 $0xFFFFD800  }
0x155: {  	[tilespmem:s10], [sflag:$0x1] =	stream.indirect.gather [hbm4b:s3+s9], $0x80, s17, s9, $0xb8;
	[tilespmem:$0x5C00] =	vst v63  }
0x156: {  	s0 =	rddreg [dreg:$0x11]  }
0x157: {  	[hbm4b:s0+s2] =	stream.linear.scatter [tilespmem:s7], [sflag:$0x3], $0x2800, $0x38;
	[tilespmem:$0x5C00] =	vst v63  }
0x158: {  	_ =	swait.ge [sflag:s4], $0x2800  }
0x159: {  	[sflag:s4] =	ssyncset.done $0x0  }
0x15a: {  	[sflag:s4] =	ssyncadd.s32 $0xFFFFD800  }
0x15b: {  	_ =	swait.ge [sflag:s11], $0x2800  }
0x15c: {  	[sflag:s11] =	ssyncset.done $0x0  }
0x15d: {  	[sflag:s11] =	ssyncadd.s32 $0xFFFFD800  }
0x15e: {  	[tilespmem:s7], [sflag:$0x2] =	stream.indirect.gather [hbm4b:s3+s9], $0x80, s16, s9, $0xb8;
	[tilespmem:$0x5C00] =	vst v63  }
0x15f: {  	s0 =	rddreg [dreg:$0x12]  }
0x160: {  	[hbm4b:s0+s2] =	stream.linear.scatter [tilespmem:s10], [sflag:$0x3], $0x2800, $0x38;
	[tilespmem:$0x5C00] =	vst v63  }
0x161: {  	_ =	swait.ge [sflag:s4], $0x2800  }
0x162: {  	[sflag:s4] =	ssyncset.done $0x0  }
0x163: {  	[sflag:s4] =	ssyncadd.s32 $0xFFFFD800  }
0x164: {  	_ =	swait.ge [sflag:s8], $0x2800  }
0x165: {  	[sflag:s8] =	ssyncset.done $0x0  }
0x166: {  	[sflag:s8] =	ssyncadd.s32 $0xFFFFD800  }
0x167: {  	[tilespmem:s10], [sflag:$0x1] =	stream.indirect.gather [hbm4b:s3+s9], $0x80, s15, s9, $0xb8;
	[tilespmem:$0x5C00] =	vst v63  }
0x168: {  	s0 =	rddreg [dreg:$0x13]  }
0x169: {  	[hbm4b:s0+s2] =	stream.linear.scatter [tilespmem:s7], [sflag:$0x3], $0x2800, $0x38;
	[tilespmem:$0x5C00] =	vst v63  }
0x16a: {  	_ =	swait.ge [sflag:s4], $0x2800  }
0x16b: {  	[sflag:s4] =	ssyncset.done $0x0  }
0x16c: {  	[sflag:s4] =	ssyncadd.s32 $0xFFFFD800  }
0x16d: {  	_ =	swait.ge [sflag:s11], $0x2800  }
0x16e: {  	[sflag:s11] =	ssyncset.done $0x0  }
0x16f: {  	[sflag:s11] =	ssyncadd.s32 $0xFFFFD800  }
0x170: {  	[tilespmem:s7], [sflag:$0x2] =	stream.indirect.gather [hbm4b:s3+s9], $0x80, s14, s9, $0xb8;
	[tilespmem:$0x5C00] =	vst v63  }
0x171: {  	s0 =	rddreg [dreg:$0x14]  }
0x172: {  	[hbm4b:s0+s2] =	stream.linear.scatter [tilespmem:s10], [sflag:$0x3], $0x2800, $0x38;
	[tilespmem:$0x5C00] =	vst v63  }
0x173: {  	_ =	swait.ge [sflag:s4], $0x2800  }
0x174: {  	[sflag:s4] =	ssyncset.done $0x0  }
0x175: {  	[sflag:s4] =	ssyncadd.s32 $0xFFFFD800  }
0x176: {  	_ =	swait.ge [sflag:s8], $0x2800  }
0x177: {  	[sflag:s8] =	ssyncset.done $0x0  }
0x178: {  	[sflag:s8] =	ssyncadd.s32 $0xFFFFD800  }
0x179: {  	[tilespmem:s10], [sflag:$0x1] =	stream.indirect.gather [hbm4b:s3+s9], $0x80, s13, s9, $0xb8;
	[tilespmem:$0x5C00] =	vst v63  }
0x17a: {  	s0 =	rddreg [dreg:$0x15]  }
0x17b: {  	[hbm4b:s0+s2] =	stream.linear.scatter [tilespmem:s7], [sflag:$0x3], $0x2800, $0x38;
	[tilespmem:$0x5C00] =	vst v63  }
0x17c: {  	_ =	swait.ge [sflag:s4], $0x2800  }
0x17d: {  	[sflag:s4] =	ssyncset.done $0x0  }
0x17e: {  	[sflag:s4] =	ssyncadd.s32 $0xFFFFD800  }
0x17f: {  	_ =	swait.ge [sflag:s11], $0x2800  }
0x180: {  	[sflag:s11] =	ssyncset.done $0x0  }
0x181: {  	[sflag:s11] =	ssyncadd.s32 $0xFFFFD800  }
0x182: {  	[tilespmem:s7], [sflag:$0x2] =	stream.indirect.gather [hbm4b:s3+s9], $0x80, s12, s9, $0xb8;
	[tilespmem:$0x5C00] =	vst v63  }
0x183: {  	_ = 	snop  }
0x184: {  	[hbm4b:s6+s2] =	stream.linear.scatter [tilespmem:s10], [sflag:$0x3], $0x2800, $0x38;
	[tilespmem:$0x5C00] =	vst v63  }
0x185: {  	_ =	swait.ge [sflag:s4], $0x2800  }
0x186: {  	[sflag:s4] =	ssyncset.done $0x0  }
0x187: {  	[sflag:s4] =	ssyncadd.s32 $0xFFFFD800  }
0x188: {  	p1 =	sne.s32 s1, $0x1;
	_ =	swait.ge [sflag:s8], $0x2800  }
.Ltmp2:
0x189: {  	[sflag:s8] =	ssyncset.done $0x0;
	(pc) =	sbr.rel @p1 .LBB2_2-.Ltmp2, $4  }
0x18a: {  	[sflag:s8] =	ssyncadd.s32 $0xFFFFD800  }
0x18b: {  	[hbm4b:s5+s2] =	stream.linear.scatter [tilespmem:s7], [sflag:$0x3], $0x2800, $0x38;
	[tilespmem:$0x5C00] =	vst v63  }
0x18c: {  	_ =	swait.ge [sflag:s4], $0x2800  }
0x18d: {  	s1 =	sadd.s32 $0xFFFFFFFF, s1;
	s0 =	rddreg [dreg:$0x3];
	[sflag:s4] =	ssyncset.done $0x0  }
.LBB2_3:
0x18e: {  	[sflag:s4] =	ssyncadd.s32 @p0 $0xFFFFD800  }
0x18f: {  	[tilespmem:s2], [sflag:$0x3] =	stream.linear.gather [hbm4b:s0+s2], $0xA00, $0x38;
	[tilespmem:$0x5C00] =	vst v63  }
0x190: {  	_ =	swait.ge [sflag:s4], $0xA00  }
0x191: {  	[sflag:s4] =	ssyncset.done $0x0  }
0x192: {  	[sflag:s4] =	ssyncadd.s32 $0xFFFFF600  }
0x193: {  	[tilespmem:s10], [sflag:$0x1] =	stream.indirect.gather [hbm4b:s3+s9], $0x80, s2, s9, $0xb8;
	[tilespmem:$0x5C00] =	vst v63  }
0x194: {  	_ =	swait.ge [sflag:s11], $0x2800  }
0x195: {  	[sflag:s11] =	ssyncset.done $0x0  }
0x196: {  	[sflag:s11] =	ssyncadd.s32 $0xFFFFD800  }
0x197: {  	[tilespmem:s7], [sflag:$0x2] =	stream.indirect.gather [hbm4b:s3+s9], $0x80, s31, s9, $0xb8;
	[tilespmem:$0x5C00] =	vst v63  }
0x198: {  	s1 =	rddreg [dreg:$0x4]  }
0x199: {  	[hbm4b:s1+s2] =	stream.linear.scatter [tilespmem:s10], [sflag:$0x3], $0x2800, $0x38;
	[tilespmem:$0x5C00] =	vst v63  }
0x19a: {  	_ =	swait.ge [sflag:s4], $0x2800  }
0x19b: {  	[sflag:s4] =	ssyncset.done $0x0  }
0x19c: {  	[sflag:s4] =	ssyncadd.s32 $0xFFFFD800  }
0x19d: {  	_ =	swait.ge [sflag:s8], $0x2800  }
0x19e: {  	[sflag:s8] =	ssyncset.done $0x0  }
0x19f: {  	[sflag:s8] =	ssyncadd.s32 $0xFFFFD800  }
0x1a0: {  	[tilespmem:s10], [sflag:$0x1] =	stream.indirect.gather [hbm4b:s3+s9], $0x80, s30, s9, $0xb8;
	[tilespmem:$0x5C00] =	vst v63  }
0x1a1: {  	s1 =	rddreg [dreg:$0x5]  }
0x1a2: {  	[hbm4b:s1+s2] =	stream.linear.scatter [tilespmem:s7], [sflag:$0x3], $0x2800, $0x38;
	[tilespmem:$0x5C00] =	vst v63  }
0x1a3: {  	_ =	swait.ge [sflag:s4], $0x2800  }
0x1a4: {  	[sflag:s4] =	ssyncset.done $0x0  }
0x1a5: {  	[sflag:s4] =	ssyncadd.s32 $0xFFFFD800  }
0x1a6: {  	_ =	swait.ge [sflag:s11], $0x2800  }
0x1a7: {  	[sflag:s11] =	ssyncset.done $0x0  }
0x1a8: {  	[sflag:s11] =	ssyncadd.s32 $0xFFFFD800  }
0x1a9: {  	[tilespmem:s7], [sflag:$0x2] =	stream.indirect.gather [hbm4b:s3+s9], $0x80, s29, s9, $0xb8;
	[tilespmem:$0x5C00] =	vst v63  }
0x1aa: {  	s30 =	rddreg [dreg:$0x6]  }
0x1ab: {  	[hbm4b:s30+s2] =	stream.linear.scatter [tilespmem:s10], [sflag:$0x3], $0x2800, $0x38;
	[tilespmem:$0x5C00] =	vst v63  }
0x1ac: {  	_ =	swait.ge [sflag:s4], $0x2800  }
0x1ad: {  	[sflag:s4] =	ssyncset.done $0x0  }
0x1ae: {  	[sflag:s4] =	ssyncadd.s32 $0xFFFFD800  }
0x1af: {  	_ =	swait.ge [sflag:s8], $0x2800  }
0x1b0: {  	[sflag:s8] =	ssyncset.done $0x0  }
0x1b1: {  	[sflag:s8] =	ssyncadd.s32 $0xFFFFD800  }
0x1b2: {  	[tilespmem:s10], [sflag:$0x1] =	stream.indirect.gather [hbm4b:s3+s9], $0x80, s28, s9, $0xb8;
	[tilespmem:$0x5C00] =	vst v63  }
0x1b3: {  	s31 =	rddreg [dreg:$0x7]  }
0x1b4: {  	[hbm4b:s31+s2] =	stream.linear.scatter [tilespmem:s7], [sflag:$0x3], $0x2800, $0x38;
	[tilespmem:$0x5C00] =	vst v63  }
0x1b5: {  	_ =	swait.ge [sflag:s4], $0x2800  }
0x1b6: {  	[sflag:s4] =	ssyncset.done $0x0  }
0x1b7: {  	[sflag:s4] =	ssyncadd.s32 $0xFFFFD800  }
0x1b8: {  	_ =	swait.ge [sflag:s11], $0x2800  }
0x1b9: {  	[sflag:s11] =	ssyncset.done $0x0  }
0x1ba: {  	[sflag:s11] =	ssyncadd.s32 $0xFFFFD800  }
0x1bb: {  	[tilespmem:s7], [sflag:$0x2] =	stream.indirect.gather [hbm4b:s3+s9], $0x80, s26, s9, $0xb8;
	[tilespmem:$0x5C00] =	vst v63  }
0x1bc: {  	s1 =	rddreg [dreg:$0x8]  }
0x1bd: {  	[hbm4b:s1+s2] =	stream.linear.scatter [tilespmem:s10], [sflag:$0x3], $0x2800, $0x38;
	[tilespmem:$0x5C00] =	vst v63  }
0x1be: {  	_ =	swait.ge [sflag:s4], $0x2800  }
0x1bf: {  	[sflag:s4] =	ssyncset.done $0x0  }
0x1c0: {  	[sflag:s4] =	ssyncadd.s32 $0xFFFFD800  }
0x1c1: {  	_ =	swait.ge [sflag:s8], $0x2800  }
0x1c2: {  	[sflag:s8] =	ssyncset.done $0x0  }
0x1c3: {  	[sflag:s8] =	ssyncadd.s32 $0xFFFFD800  }
0x1c4: {  	[tilespmem:s10], [sflag:$0x1] =	stream.indirect.gather [hbm4b:s3+s9], $0x80, s25, s9, $0xb8;
	[tilespmem:$0x5C00] =	vst v63  }
0x1c5: {  	s28 =	rddreg [dreg:$0x9]  }
0x1c6: {  	[hbm4b:s28+s2] =	stream.linear.scatter [tilespmem:s7], [sflag:$0x3], $0x2800, $0x38;
	[tilespmem:$0x5C00] =	vst v63  }
0x1c7: {  	_ =	swait.ge [sflag:s4], $0x2800  }
0x1c8: {  	[sflag:s4] =	ssyncset.done $0x0  }
0x1c9: {  	[sflag:s4] =	ssyncadd.s32 $0xFFFFD800  }
0x1ca: {  	_ =	swait.ge [sflag:s11], $0x2800  }
0x1cb: {  	[sflag:s11] =	ssyncset.done $0x0  }
0x1cc: {  	[sflag:s11] =	ssyncadd.s32 $0xFFFFD800  }
0x1cd: {  	[tilespmem:s7], [sflag:$0x2] =	stream.indirect.gather [hbm4b:s3+s9], $0x80, s24, s9, $0xb8;
	[tilespmem:$0x5C00] =	vst v63  }
0x1ce: {  	s29 =	rddreg [dreg:$0xa]  }
0x1cf: {  	[hbm4b:s29+s2] =	stream.linear.scatter [tilespmem:s10], [sflag:$0x3], $0x2800, $0x38;
	[tilespmem:$0x5C00] =	vst v63  }
0x1d0: {  	_ =	swait.ge [sflag:s4], $0x2800  }
0x1d1: {  	[sflag:s4] =	ssyncset.done $0x0  }
0x1d2: {  	[sflag:s4] =	ssyncadd.s32 $0xFFFFD800  }
0x1d3: {  	_ =	swait.ge [sflag:s8], $0x2800  }
0x1d4: {  	[sflag:s8] =	ssyncset.done $0x0  }
0x1d5: {  	[sflag:s8] =	ssyncadd.s32 $0xFFFFD800  }
0x1d6: {  	[tilespmem:s10], [sflag:$0x1] =	stream.indirect.gather [hbm4b:s3+s9], $0x80, s23, s9, $0xb8;
	[tilespmem:$0x5C00] =	vst v63  }
0x1d7: {  	s30 =	rddreg [dreg:$0xb]  }
0x1d8: {  	[hbm4b:s30+s2] =	stream.linear.scatter [tilespmem:s7], [sflag:$0x3], $0x2800, $0x38;
	[tilespmem:$0x5C00] =	vst v63  }
0x1d9: {  	_ =	swait.ge [sflag:s4], $0x2800  }
0x1da: {  	[sflag:s4] =	ssyncset.done $0x0  }
0x1db: {  	[sflag:s4] =	ssyncadd.s32 $0xFFFFD800  }
0x1dc: {  	_ =	swait.ge [sflag:s11], $0x2800  }
0x1dd: {  	[sflag:s11] =	ssyncset.done $0x0  }
0x1de: {  	[sflag:s11] =	ssyncadd.s32 $0xFFFFD800  }
0x1df: {  	[tilespmem:s7], [sflag:$0x2] =	stream.indirect.gather [hbm4b:s3+s9], $0x80, s22, s9, $0xb8;
	[tilespmem:$0x5C00] =	vst v63  }
0x1e0: {  	s31 =	rddreg [dreg:$0xc]  }
0x1e1: {  	[hbm4b:s31+s2] =	stream.linear.scatter [tilespmem:s10], [sflag:$0x3], $0x2800, $0x38;
	[tilespmem:$0x5C00] =	vst v63  }
0x1e2: {  	_ =	swait.ge [sflag:s4], $0x2800  }
0x1e3: {  	[sflag:s4] =	ssyncset.done $0x0  }
0x1e4: {  	[sflag:s4] =	ssyncadd.s32 $0xFFFFD800  }
0x1e5: {  	_ =	swait.ge [sflag:s8], $0x2800  }
0x1e6: {  	[sflag:s8] =	ssyncset.done $0x0  }
0x1e7: {  	[sflag:s8] =	ssyncadd.s32 $0xFFFFD800  }
0x1e8: {  	[tilespmem:s10], [sflag:$0x1] =	stream.indirect.gather [hbm4b:s3+s9], $0x80, s21, s9, $0xb8;
	[tilespmem:$0x5C00] =	vst v63  }
0x1e9: {  	s1 =	rddreg [dreg:$0xd]  }
0x1ea: {  	[hbm4b:s1+s2] =	stream.linear.scatter [tilespmem:s7], [sflag:$0x3], $0x2800, $0x38;
	[tilespmem:$0x5C00] =	vst v63  }
0x1eb: {  	_ =	swait.ge [sflag:s4], $0x2800  }
0x1ec: {  	[sflag:s4] =	ssyncset.done $0x0  }
0x1ed: {  	[sflag:s4] =	ssyncadd.s32 $0xFFFFD800  }
0x1ee: {  	_ =	swait.ge [sflag:s11], $0x2800  }
0x1ef: {  	[sflag:s11] =	ssyncset.done $0x0  }
0x1f0: {  	[sflag:s11] =	ssyncadd.s32 $0xFFFFD800  }
0x1f1: {  	[tilespmem:s7], [sflag:$0x2] =	stream.indirect.gather [hbm4b:s3+s9], $0x80, s20, s9, $0xb8;
	[tilespmem:$0x5C00] =	vst v63  }
0x1f2: {  	s22 =	rddreg [dreg:$0xe]  }
0x1f3: {  	[hbm4b:s22+s2] =	stream.linear.scatter [tilespmem:s10], [sflag:$0x3], $0x2800, $0x38;
	[tilespmem:$0x5C00] =	vst v63  }
0x1f4: {  	_ =	swait.ge [sflag:s4], $0x2800  }
0x1f5: {  	[sflag:s4] =	ssyncset.done $0x0  }
0x1f6: {  	[sflag:s4] =	ssyncadd.s32 $0xFFFFD800  }
0x1f7: {  	_ =	swait.ge [sflag:s8], $0x2800  }
0x1f8: {  	[sflag:s8] =	ssyncset.done $0x0  }
0x1f9: {  	[sflag:s8] =	ssyncadd.s32 $0xFFFFD800  }
0x1fa: {  	[tilespmem:s10], [sflag:$0x1] =	stream.indirect.gather [hbm4b:s3+s9], $0x80, s19, s9, $0xb8;
	[tilespmem:$0x5C00] =	vst v63  }
0x1fb: {  	s23 =	rddreg [dreg:$0xf]  }
0x1fc: {  	[hbm4b:s23+s2] =	stream.linear.scatter [tilespmem:s7], [sflag:$0x3], $0x2800, $0x38;
	[tilespmem:$0x5C00] =	vst v63  }
0x1fd: {  	_ =	swait.ge [sflag:s4], $0x2800  }
0x1fe: {  	[sflag:s4] =	ssyncset.done $0x0  }
0x1ff: {  	[sflag:s4] =	ssyncadd.s32 $0xFFFFD800  }
0x200: {  	_ =	swait.ge [sflag:s11], $0x2800  }
0x201: {  	[sflag:s11] =	ssyncset.done $0x0  }
0x202: {  	[sflag:s11] =	ssyncadd.s32 $0xFFFFD800  }
0x203: {  	[tilespmem:s7], [sflag:$0x2] =	stream.indirect.gather [hbm4b:s3+s9], $0x80, s18, s9, $0xb8;
	[tilespmem:$0x5C00] =	vst v63  }
0x204: {  	s24 =	rddreg [dreg:$0x10]  }
0x205: {  	[hbm4b:s24+s2] =	stream.linear.scatter [tilespmem:s10], [sflag:$0x3], $0x2800, $0x38;
	[tilespmem:$0x5C00] =	vst v63  }
0x206: {  	_ =	swait.ge [sflag:s4], $0x2800  }
0x207: {  	[sflag:s4] =	ssyncset.done $0x0  }
0x208: {  	[sflag:s4] =	ssyncadd.s32 $0xFFFFD800  }
0x209: {  	_ =	swait.ge [sflag:s8], $0x2800  }
0x20a: {  	[sflag:s8] =	ssyncset.done $0x0  }
0x20b: {  	[sflag:s8] =	ssyncadd.s32 $0xFFFFD800  }
0x20c: {  	[tilespmem:s10], [sflag:$0x1] =	stream.indirect.gather [hbm4b:s3+s9], $0x80, s17, s9, $0xb8;
	[tilespmem:$0x5C00] =	vst v63  }
0x20d: {  	s25 =	rddreg [dreg:$0x11]  }
0x20e: {  	[hbm4b:s25+s2] =	stream.linear.scatter [tilespmem:s7], [sflag:$0x3], $0x2800, $0x38;
	[tilespmem:$0x5C00] =	vst v63  }
0x20f: {  	_ =	swait.ge [sflag:s4], $0x2800  }
0x210: {  	[sflag:s4] =	ssyncset.done $0x0  }
0x211: {  	[sflag:s4] =	ssyncadd.s32 $0xFFFFD800  }
0x212: {  	_ =	swait.ge [sflag:s11], $0x2800  }
0x213: {  	[sflag:s11] =	ssyncset.done $0x0  }
0x214: {  	[sflag:s11] =	ssyncadd.s32 $0xFFFFD800  }
0x215: {  	[tilespmem:s7], [sflag:$0x2] =	stream.indirect.gather [hbm4b:s3+s9], $0x80, s16, s9, $0xb8;
	[tilespmem:$0x5C00] =	vst v63  }
0x216: {  	s26 =	rddreg [dreg:$0x12]  }
0x217: {  	[hbm4b:s26+s2] =	stream.linear.scatter [tilespmem:s10], [sflag:$0x3], $0x2800, $0x38;
	[tilespmem:$0x5C00] =	vst v63  }
0x218: {  	_ =	swait.ge [sflag:s4], $0x2800  }
0x219: {  	[sflag:s4] =	ssyncset.done $0x0  }
0x21a: {  	[sflag:s4] =	ssyncadd.s32 $0xFFFFD800  }
0x21b: {  	_ =	swait.ge [sflag:s8], $0x2800  }
0x21c: {  	[sflag:s8] =	ssyncset.done $0x0  }
0x21d: {  	[sflag:s8] =	ssyncadd.s32 $0xFFFFD800  }
0x21e: {  	[tilespmem:s10], [sflag:$0x1] =	stream.indirect.gather [hbm4b:s3+s9], $0x80, s15, s9, $0xb8;
	[tilespmem:$0x5C00] =	vst v63  }
0x21f: {  	s28 =	rddreg [dreg:$0x13]  }
0x220: {  	[hbm4b:s28+s2] =	stream.linear.scatter [tilespmem:s7], [sflag:$0x3], $0x2800, $0x38;
	[tilespmem:$0x5C00] =	vst v63  }
0x221: {  	_ =	swait.ge [sflag:s4], $0x2800  }
0x222: {  	[sflag:s4] =	ssyncset.done $0x0  }
0x223: {  	[sflag:s4] =	ssyncadd.s32 $0xFFFFD800  }
0x224: {  	_ =	swait.ge [sflag:s11], $0x2800  }
0x225: {  	[sflag:s11] =	ssyncset.done $0x0  }
0x226: {  	[sflag:s11] =	ssyncadd.s32 $0xFFFFD800  }
0x227: {  	[tilespmem:s7], [sflag:$0x2] =	stream.indirect.gather [hbm4b:s3+s9], $0x80, s14, s9, $0xb8;
	[tilespmem:$0x5C00] =	vst v63  }
0x228: {  	s29 =	rddreg [dreg:$0x14]  }
0x229: {  	[hbm4b:s29+s2] =	stream.linear.scatter [tilespmem:s10], [sflag:$0x3], $0x2800, $0x38;
	[tilespmem:$0x5C00] =	vst v63  }
0x22a: {  	_ =	swait.ge [sflag:s4], $0x2800  }
0x22b: {  	[sflag:s4] =	ssyncset.done $0x0  }
0x22c: {  	[sflag:s4] =	ssyncadd.s32 $0xFFFFD800  }
0x22d: {  	_ =	swait.ge [sflag:s8], $0x2800  }
0x22e: {  	[sflag:s8] =	ssyncset.done $0x0  }
0x22f: {  	[sflag:s8] =	ssyncadd.s32 $0xFFFFD800  }
0x230: {  	[tilespmem:s10], [sflag:$0x1] =	stream.indirect.gather [hbm4b:s3+s9], $0x80, s13, s9, $0xb8;
	[tilespmem:$0x5C00] =	vst v63  }
0x231: {  	s30 =	rddreg [dreg:$0x15]  }
0x232: {  	[hbm4b:s30+s2] =	stream.linear.scatter [tilespmem:s7], [sflag:$0x3], $0x2800, $0x38;
	[tilespmem:$0x5C00] =	vst v63  }
0x233: {  	_ =	swait.ge [sflag:s4], $0x2800  }
0x234: {  	[sflag:s4] =	ssyncset.done $0x0  }
0x235: {  	[sflag:s4] =	ssyncadd.s32 $0xFFFFD800  }
0x236: {  	_ =	swait.ge [sflag:s11], $0x2800  }
0x237: {  	[sflag:s11] =	ssyncset.done $0x0  }
0x238: {  	[sflag:s11] =	ssyncadd.s32 $0xFFFFD800  }
0x239: {  	[tilespmem:s7], [sflag:$0x2] =	stream.indirect.gather [hbm4b:s3+s9], $0x80, s12, s9, $0xb8;
	[tilespmem:$0x5C00] =	vst v63  }
0x23a: {  	_ = 	snop  }
0x23b: {  	[hbm4b:s6+s2] =	stream.linear.scatter [tilespmem:s10], [sflag:$0x3], $0x2800, $0x38;
	[tilespmem:$0x5C00] =	vst v63  }
0x23c: {  	_ =	swait.ge [sflag:s4], $0x2800  }
0x23d: {  	[sflag:s4] =	ssyncset.done $0x0  }
0x23e: {  	[sflag:s4] =	ssyncadd.s32 $0xFFFFD800  }
0x23f: {  	_ =	swait.ge [sflag:s8], $0x2800  }
0x240: {  	[sflag:s8] =	ssyncset.done $0x0  }
0x241: {  	[sflag:s8] =	ssyncadd.s32 $0xFFFFD800  }
0x242: {  	[hbm4b:s5+s2] =	stream.linear.scatter [tilespmem:s7], [sflag:$0x3], $0x2800, $0x38;
	[tilespmem:$0x5C00] =	vst v63  }
0x243: {  	_ =	swait.ge [sflag:s4], $0x2800  }
0x244: {  	[sflag:s4] =	ssyncset.done $0x0  }
0x245: {  	[sflag:s4] =	ssyncadd.s32 $0xFFFFD800  }
0x246: {  	_ =	sfence.sel $0x180000  }
0x247: {  	[bflag:$0x0] =	sbarrier.arrive $0xFFFF  }
0x248: {  	_ =	strace $0x90000047  }
0x249: {  	s31 =	stileid.u32;
	[bflag:$0x2] =	sbarrier.arrive $0xFFFF  }
0x24a: {  	p0 =	sne.s32 s31, $0x0;
	s0 =	rddreg [dreg:$0x2]  }
0x24b: {  	s0 =	sadd.s32 @!p0 $0x100000, s0  }
0x24c: {  	[sflag:s0] =	ssyncadd.tile.s32 @!p0 $0x1;
	_ =	shalt  }
.Lfunc_end2:
_tile_overlayer_lowered:
.L_overlay_start_2:
0x24d: {  	(tag) =	ssettag $0x2  }
0x24e: {  	s0 =	rddreg [dreg:$0x0];
	s2 =	stileid.u32  }
0x24f: {  	s1 =	rddreg [dreg:$0x1];
	p0 =	sne.s32 s2, $0x0  }
0x250: {  	s3 =	rddreg [dreg:$0x2];
	[bflag:$0x3] =	sbarrier.arrive $0xFFFF;
	s2 =	simm.s32 @!p0 $0x1C03  }
0x251: {  	[timem:s3], [sflag:s2] =	dma.local @!p0 [hbm:s0], s1  }
0x252: {  	s0 =	simm.s32 @!p0 $0x3  }
0x253: {  	_ =	swait.ge @!p0 [sflag:s0], s1  }
0x254: {  	s1 =	ssub.s32 @!p0 $0x0, s1;
	[sflag:s0] =	ssyncset.done @!p0 $0x0  }
0x255: {  	[sflag:s0] =	ssyncadd.s32 @!p0 s1  }
0x256: {  	[bflag:$0x3] =	sbarrier.arrive $0xFFFF  }
0x257: {  	_ =	shalt  }

</sc_bundles>
